<compile_context>
chip_gen: v7x
topology: tpu7x:2x2x1
jax: 0.10.2.dev20260603
libtpu: 0.0.44.dev20260713+nightly
codegen_flags: <defaults>
</compile_context>

<pallas_src>
import functools

import jax
import jax.numpy as jnp
from jax import lax
from jax.experimental import pallas as pl
from jax.experimental.pallas import tpu as pltpu
from jax.experimental.pallas import tpu_sc as plsc

U = 256
P = 1024
N = U + P
E = 40960
D = 128
H = 256
NC = 2
NS = 16
NW = NC * NS
NN = N * N
HALF = NN // NC
CHUNK = HALF // NS
ZCHUNK = 12800
EPC = E // NS
UPW = U // NW
PPW = P // NW

def _sc_body(uid_hbm, pid_hbm, row_hbm, col_hbm, ut_hbm, pt_hbm,
             x_hbm, cnt_hbm,
             uidx_v, urows_v, pidx_v, prows_v, row_v, col_v,
             fidx_v, ones_v, zero_v, c_sh, sem):
    cid = lax.axis_index("c")
    sid = lax.axis_index("s")
    wid = sid * NC + cid

    @pl.loop(0, 128, step=16)
    def _(i):
        ones_v[pl.ds(i, 16)] = jnp.full((16,), 1.0, jnp.float32)

    @pl.loop(0, ZCHUNK, step=16)
    def _(i):
        zero_v[pl.ds(i, 16)] = jnp.zeros((16,), jnp.float32)

    base = sid * CHUNK

    @pl.loop(0, CHUNK, step=ZCHUNK)
    def _(off):
        pltpu.sync_copy(zero_v, c_sh.at[pl.ds(base + off, ZCHUNK)])

    pltpu.sync_copy(uid_hbm.at[pl.ds(wid * UPW, UPW)], uidx_v)
    pltpu.async_copy(ut_hbm.at[uidx_v], urows_v, sem).wait()
    pltpu.sync_copy(urows_v, x_hbm.at[pl.ds(wid * UPW, UPW)])

    pltpu.sync_copy(pid_hbm.at[pl.ds(wid * PPW, PPW)], pidx_v)
    pltpu.async_copy(pt_hbm.at[pidx_v], prows_v, sem).wait()
    pltpu.sync_copy(prows_v, x_hbm.at[pl.ds(U + wid * PPW, PPW)])

    ebase = sid * EPC
    pltpu.sync_copy(row_hbm.at[pl.ds(ebase, EPC)], row_v)
    pltpu.sync_copy(col_hbm.at[pl.ds(ebase, EPC)], col_v)

    plsc.subcore_barrier()

    dbase = cid * (N // NC)
    dump = HALF + sid * 16 + lax.iota(jnp.int32, 16)

    @pl.loop(0, EPC, step=128)
    def _(e0):
        @pl.loop(0, 128, step=16)
        def _(j):
            r = row_v[pl.ds(e0 + j, 16)]
            c = col_v[pl.ds(e0 + j, 16)]
            ud = c - dbase
            tiled = ((((ud >> 3) * (N // 128) + (r >> 7)) << 10)
                     + ((ud & 7) << 7) + (r & 127))
            ok = (ud >= 0) & (ud < N // NC)
            fidx_v[pl.ds(j, 16)] = jnp.where(ok, tiled, dump)
        pltpu.sync_copy(ones_v, c_sh.at[fidx_v], add=True)

    plsc.subcore_barrier()

    pltpu.sync_copy(c_sh.at[pl.ds(base, CHUNK)],
                    cnt_hbm.at[pl.ds(cid * HALF + base, CHUNK)])


@functools.cache
def _sc_gather_count():
    mesh = plsc.VectorSubcoreMesh(core_axis_name="c", subcore_axis_name="s")
    return pl.kernel(
        _sc_body,
        out_type=(
            jax.ShapeDtypeStruct((N, D), jnp.float32),
            jax.ShapeDtypeStruct((NN,), jnp.float32),
        ),
        mesh=mesh,
        scratch_types=[
            pltpu.VMEM((UPW,), jnp.int32),
            pltpu.VMEM((UPW, D), jnp.float32),
            pltpu.VMEM((PPW,), jnp.int32),
            pltpu.VMEM((PPW, D), jnp.float32),
            pltpu.VMEM((EPC,), jnp.int32),
            pltpu.VMEM((EPC,), jnp.int32),
            pltpu.VMEM((128,), jnp.int32),
            pltpu.VMEM((128,), jnp.float32),
            pltpu.VMEM((ZCHUNK,), jnp.float32),
            pltpu.VMEM_SHARED((HALF + NS * 16,), jnp.float32),
            pltpu.SemaphoreType.DMA,
        ],
    )


def _dot(a, b):
    return jnp.dot(a, b, preferred_element_type=jnp.float32)


PB = 32
PS = 8


def _tc_body(x_ref, c_ref, w0_ref, b0_ref, w1_ref, b1_ref, w2_ref, b2_ref,
             wu_ref, bu_ref, wp_ref, bp_ref, wq1_ref, bq1_ref, wbd_ref,
             bq2_ref, out_ref, bp_s):
    c4 = c_ref[...].reshape(N // 8, N // 128, 8, 128)
    cs = jnp.concatenate(
        [c4[:, b].reshape(N, 128) for b in range(N // 128)], axis=1)
    ri = lax.broadcasted_iota(jnp.int32, (N, N), 0)
    ci = lax.broadcasted_iota(jnp.int32, (N, N), 1)
    cs = cs + jnp.where(ri == ci, 1.0, 0.0)
    deg = jnp.sum(cs, axis=1, keepdims=True)
    dis = lax.rsqrt(deg)
    cs_b = cs.astype(jnp.bfloat16)

    h = x_ref[...]
    for w_ref, b_ref in ((w0_ref, b0_ref), (w1_ref, b1_ref),
                         (w2_ref, b2_ref)):
        y = (dis * _dot(h, w_ref[...])).astype(jnp.bfloat16)
        h = jnp.maximum(dis * _dot(cs_b, y) + b_ref[...], 0.0)

    uf = _dot(h[:U], wu_ref[...]) + bu_ref[...]
    pf = _dot(h[U:], wp_ref[...]) + bp_ref[...]
    au = (_dot(uf, wq1_ref[:D]) + bq1_ref[...]).astype(jnp.bfloat16)
    bp_s[...] = _dot(pf, wq1_ref[D:]).astype(jnp.bfloat16)
    wbd = wbd_ref[...]
    bq2 = bq2_ref[0, 0]
    zero_b = jnp.bfloat16(0)

    def pair_block(i, carry):
        rows = []
        for s in range(PS):
            pieces = []
            for j16 in range(0, PB, 16):
                slab = bp_s[pl.ds(i * (PS * PB) + s * PB + j16, 16), :]
                for j in range(16):
                    pieces.append(jnp.maximum(au + slab[j:j + 1, :], zero_b))
            rows.append(jnp.concatenate(pieces, axis=1))
        t = jnp.concatenate(rows, axis=0)
        z = _dot(t, wbd)
        zst = jnp.concatenate(
            [z[s * U:(s + 1) * U, :] for s in range(PS)], axis=1)
        out_ref[:, pl.ds(i * (PS * PB), PS * PB)] = jax.nn.sigmoid(zst + bq2)
        return carry

    lax.fori_loop(0, P // (PS * PB), pair_block, 0)


_tc_dense = pl.pallas_call(
    _tc_body,
    out_shape=jax.ShapeDtypeStruct((U, P), jnp.float32),
    scratch_shapes=[pltpu.VMEM((P, H), jnp.bfloat16)],
)


def kernel(user_ids, paper_ids, edge_index, user_paper_interactions,
           user_table, paper_table, W0, b0, W1, b1, W2, b2,
           Wu, bu, Wp, bp, Wq1, bq1, Wq2, bq2):
    del user_paper_interactions
    uid = user_ids.astype(jnp.int32)
    pid = paper_ids.astype(jnp.int32)
    row = edge_index[0].astype(jnp.int32)
    col = edge_index[1].astype(jnp.int32)
    x, cnt = _sc_gather_count()(uid, pid, row, col, user_table, paper_table)
    cnt = cnt.reshape(NN // 128, 128)
    blk = jnp.arange(PB * H, dtype=jnp.int32) // H
    wrep = jnp.tile(Wq2[:, 0].astype(jnp.bfloat16), PB)
    wbd = jnp.where(blk[:, None] == jnp.arange(PB, dtype=jnp.int32)[None, :],
                    wrep[:, None], jnp.bfloat16(0))
    return _tc_dense(
        x, cnt,
        W0, b0.reshape(1, H), W1, b1.reshape(1, H), W2, b2.reshape(1, H),
        Wu, bu.reshape(1, D), Wp, bp.reshape(1, D),
        Wq1, bq1.reshape(1, H), wbd, bq2.reshape(1, 1))

# --- scband reference (transcript-rebuilt; emitter-appended) ---
"""Pipeline reference for scband-graph-collaborative-filtering-37563783971452 (READ-ONLY COPY).

The authoritative reference and input builder live on the scoring server;
editing this copy changes nothing except your own understanding.
"""

import jax, jax.numpy as jnp
import numpy as np

U = 256
P = 1024
N = U + P
E = 40960
NUM_USERS = 100000
NUM_PAPERS = 100000
D = 128
H = 256


def _gcn_conv(x, row, col, W, b):
    # Faithful PyG GCNConv (default args): linear transform, add self-loops,
    # symmetric normalization, scatter-add aggregation at dst (col), plus bias.
    n = x.shape[0]
    x = x @ W
    loop = jnp.arange(n, dtype=row.dtype)
    r = jnp.concatenate([row, loop])
    c = jnp.concatenate([col, loop])
    deg = jnp.zeros((n,), x.dtype).at[c].add(1.0)
    dis = jnp.where(deg > 0, 1.0 / jnp.sqrt(jnp.maximum(deg, 1e-12)), 0.0)
    norm = dis[r] * dis[c]
    out = jnp.zeros((n, x.shape[1]), x.dtype).at[c].add(norm[:, None] * x[r])
    return out + b


def setup_inputs(seed: int = 0):
    key = jax.random.key(seed)
    ks = jax.random.split(key, 24)
    s = 0.05
    inp = {}
    inp['user_ids'] = jax.random.randint(ks[0], (U,), 0, NUM_USERS)
    inp['paper_ids'] = jax.random.randint(ks[1], (P,), 0, NUM_PAPERS)
    inp['edge_index'] = jax.random.randint(ks[2], (2, E), 0, N)
    inp['user_paper_interactions'] = jnp.zeros((U, P), jnp.float32)
    inp['user_table'] = jax.random.normal(ks[3], (NUM_USERS, D), jnp.float32) * s
    inp['paper_table'] = jax.random.normal(ks[4], (NUM_PAPERS, D), jnp.float32) * s
    inp['W0'] = jax.random.normal(ks[5], (D, H), jnp.float32) * s
    inp['b0'] = jnp.zeros((H,), jnp.float32)
    inp['W1'] = jax.random.normal(ks[6], (H, H), jnp.float32) * s
    inp['b1'] = jnp.zeros((H,), jnp.float32)
    inp['W2'] = jax.random.normal(ks[7], (H, H), jnp.float32) * s
    inp['b2'] = jnp.zeros((H,), jnp.float32)
    inp['Wu'] = jax.random.normal(ks[8], (H, D), jnp.float32) * s
    inp['bu'] = jnp.zeros((D,), jnp.float32)
    inp['Wp'] = jax.random.normal(ks[9], (H, D), jnp.float32) * s
    inp['bp'] = jnp.zeros((D,), jnp.float32)
    inp['Wq1'] = jax.random.normal(ks[10], (2 * D, H), jnp.float32) * s
    inp['bq1'] = jnp.zeros((H,), jnp.float32)
    inp['Wq2'] = jax.random.normal(ks[11], (H, 1), jnp.float32) * s
    inp['bq2'] = jnp.zeros((1,), jnp.float32)
    return inp


def reference(user_ids, paper_ids, edge_index, user_paper_interactions,
              user_table, paper_table, W0, b0, W1, b1, W2, b2,
              Wu, bu, Wp, bp, Wq1, bq1, Wq2, bq2):
    ue = jnp.take(user_table, user_ids, axis=0)
    pe = jnp.take(paper_table, paper_ids, axis=0)
    x = jnp.concatenate([ue, pe], axis=0)
    row, col = edge_index[0], edge_index[1]
    # dropout is identity in eval mode
    for (W, b) in ((W0, b0), (W1, b1), (W2, b2)):
        x = jax.nn.relu(_gcn_conv(x, row, col, W, b))
    user_final = x[:U] @ Wu + bu
    paper_final = x[U:] @ Wp + bp
    uexp = jnp.broadcast_to(user_final[:, None, :], (U, P, D))
    pexp = jnp.broadcast_to(paper_final[None, :, :], (U, P, D))
    combined = jnp.concatenate([uexp, pexp], axis=-1)
    h = jax.nn.relu(combined @ Wq1 + bq1)
    pred = jax.nn.sigmoid(h @ Wq2 + bq2)
    return pred[..., 0]

if __name__ == "__main__":
    import jax
    _d = setup_inputs()
    print(jax.jit(kernel)(*tuple(_d.values())))

</pallas_src>

<mosaic_0001>
#map = affine_map<(d0, d1) -> (0)>
#map1 = affine_map<(d0, d1) -> (0, 0)>
module attributes {stable_mosaic.version = 14 : i64} {
  func.func @_sc_body(%arg0: i32, %arg1: i32, %arg2: memref<256xi32, #tpu.memory_space<hbm>>, %arg3: memref<1024xi32, #tpu.memory_space<hbm>>, %arg4: memref<40960xi32, #tpu.memory_space<hbm>>, %arg5: memref<40960xi32, #tpu.memory_space<hbm>>, %arg6: memref<100000x128xf32, #tpu.memory_space<hbm>>, %arg7: memref<100000x128xf32, #tpu.memory_space<hbm>>, %arg8: memref<1280x128xf32, #tpu.memory_space<hbm>>, %arg9: memref<1638400xf32, #tpu.memory_space<hbm>>, %arg10: memref<8xi32, #tpu.memory_space<vmem>>, %arg11: memref<8x128xf32, #tpu.memory_space<vmem>>, %arg12: memref<32xi32, #tpu.memory_space<vmem>>, %arg13: memref<32x128xf32, #tpu.memory_space<vmem>>, %arg14: memref<2560xi32, #tpu.memory_space<vmem>>, %arg15: memref<2560xi32, #tpu.memory_space<vmem>>, %arg16: memref<128xi32, #tpu.memory_space<vmem>>, %arg17: memref<128xf32, #tpu.memory_space<vmem>>, %arg18: memref<12800xf32, #tpu.memory_space<vmem>>, %arg19: memref<819456xf32, #tpu.memory_space<vmem_shared>>, %arg20: memref<!tpu.dma_semaphore, #tpu.memory_space<semaphore_mem>>) attributes {dimension_semantics = [#tpu.dimension_semantics<core_parallel>, #tpu.dimension_semantics<subcore_parallel>], iteration_bounds = array<i64: 2, 16>, scalar_prefetch = 0 : i64, scratch_operands = 11 : i64, tpu.core_type = #tpu.core_type<sc_vector_subcore>, window_params = [{transform_indices = #map}, {transform_indices = #map}, {transform_indices = #map}, {transform_indices = #map}, {transform_indices = #map1}, {transform_indices = #map1}, {transform_indices = #map1}, {transform_indices = #map}]} {
    %mul3A = arith.constant 2 : i32
    %mul3A_0 = arith.muli %arg1, %mul3A : i32
    %add3A = arith.addi %mul3A_0, %arg0 : i32
    %scan3A = arith.constant 0 : i32
    %scan3A_1 = arith.constant 8 : i32
    %scan3A_2 = arith.addi %scan3A, %scan3A_1 : i32
    %scan3A_3 = arith.constant 1 : i32
    scf.for %scan3A_56 = %scan3A to %scan3A_2 step %scan3A_3  : i32 {
      %mul3A_57 = arith.constant 16 : i32
      %mul3A_58 = arith.muli %scan3A_56, %mul3A_57 : i32
      %add3A_59 = arith.constant 0 : i32
      %add3A_60 = arith.addi %add3A_59, %mul3A_58 : i32
      %broadcast_in_dim3A = arith.constant 1.000000e+00 : f32
      %broadcast_in_dim3A_61 = vector.broadcast %broadcast_in_dim3A : f32 to vector<16xf32>
      %swap3A = arith.index_cast %add3A_60 : i32 to index
      %swap3A_62 = tpu.vector_load %arg17[%swap3A] {strides = array<i32>} : memref<128xf32, #tpu.memory_space<vmem>>, vector<16xf32>,
      %swap3A_63 = vector.shape_cast %swap3A_62 : vector<16xf32> to vector<16xf32>
      %swap3A_64 = vector.shape_cast %broadcast_in_dim3A_61 : vector<16xf32> to vector<16xf32>
      tpu.vector_store %arg17[%swap3A], %swap3A_64 {strides = array<i32>} : memref<128xf32, #tpu.memory_space<vmem>>, vector<16xf32>,
    }
    %scan3A_4 = arith.constant 8 : i32
    %scan3A_5 = arith.constant 0 : i32
    %scan3A_6 = arith.constant 800 : i32
    %scan3A_7 = arith.addi %scan3A_5, %scan3A_6 : i32
    %scan3A_8 = arith.constant 1 : i32
    scf.for %scan3A_56 = %scan3A_5 to %scan3A_7 step %scan3A_8  : i32 {
      %mul3A_57 = arith.constant 16 : i32
      %mul3A_58 = arith.muli %scan3A_56, %mul3A_57 : i32
      %add3A_59 = arith.constant 0 : i32
      %add3A_60 = arith.addi %add3A_59, %mul3A_58 : i32
      %broadcast_in_dim3A = arith.constant 0.000000e+00 : f32
      %broadcast_in_dim3A_61 = vector.broadcast %broadcast_in_dim3A : f32 to vector<16xf32>
      %swap3A = arith.index_cast %add3A_60 : i32 to index
      %swap3A_62 = tpu.vector_load %arg18[%swap3A] {strides = array<i32>} : memref<12800xf32, #tpu.memory_space<vmem>>, vector<16xf32>,
      %swap3A_63 = vector.shape_cast %swap3A_62 : vector<16xf32> to vector<16xf32>
      %swap3A_64 = vector.shape_cast %broadcast_in_dim3A_61 : vector<16xf32> to vector<16xf32>
      tpu.vector_store %arg18[%swap3A], %swap3A_64 {strides = array<i32>} : memref<12800xf32, #tpu.memory_space<vmem>>, vector<16xf32>,
    }
    %scan3A_9 = arith.constant 800 : i32
    %mul3A_10 = arith.constant 51200 : i32
    %mul3A_11 = arith.muli %arg1, %mul3A_10 : i32
    %scan3A_12 = arith.constant 0 : i32
    %scan3A_13 = arith.constant 4 : i32
    %scan3A_14 = arith.addi %scan3A_12, %scan3A_13 : i32
    %scan3A_15 = arith.constant 1 : i32
    scf.for %scan3A_56 = %scan3A_12 to %scan3A_14 step %scan3A_15  : i32 {
      %mul3A_57 = arith.constant 12800 : i32
      %mul3A_58 = arith.muli %scan3A_56, %mul3A_57 : i32
      %add3A_59 = arith.constant 0 : i32
      %add3A_60 = arith.addi %add3A_59, %mul3A_58 : i32
      %add3A_61 = arith.addi %mul3A_11, %add3A_60 : i32
      "tpu.region"() ({
        %run_scoped3A = tpu.sem_alloc : memref<!tpu.dma_semaphore, #tpu.memory_space<semaphore_mem>>
        %dma_start3A_62 = tpu.memref_slice %arg19[%add3A_61] : memref<819456xf32, #tpu.memory_space<vmem_shared>> -> memref<12800xf32, #tpu.memory_space<vmem_shared>>
        %dma_start3A_63 = tpu.memref_slice %arg19[%add3A_61] : memref<819456xf32, #tpu.memory_space<vmem_shared>> -> memref<12800xf32, #tpu.memory_space<vmem_shared>>
        tpu.enqueue_dma source(%arg18 : memref<12800xf32, #tpu.memory_space<vmem>>) target(%dma_start3A_63 : memref<12800xf32, #tpu.memory_space<vmem_shared>>) target_semaphore(%run_scoped3A : memref<!tpu.dma_semaphore, #tpu.memory_space<semaphore_mem>>)
        %dma_wait3A_64 = tpu.memref_slice %arg19[%add3A_61] : memref<819456xf32, #tpu.memory_space<vmem_shared>> -> memref<12800xf32, #tpu.memory_space<vmem_shared>>
        %dma_wait3A_65 = tpu.memref_slice %arg19[%add3A_61] : memref<819456xf32, #tpu.memory_space<vmem_shared>> -> memref<12800xf32, #tpu.memory_space<vmem_shared>>
        tpu.wait_dma2 semaphore(%run_scoped3A : memref<!tpu.dma_semaphore, #tpu.memory_space<semaphore_mem>>) src(%arg18 : memref<12800xf32, #tpu.memory_space<vmem>>) dst(%dma_wait3A_65 : memref<12800xf32, #tpu.memory_space<vmem_shared>>)
        tpu.yield
      }) : () -> ()
    }
    %scan3A_16 = arith.constant 4 : i32
    %mul3A_17 = arith.constant 8 : i32
    %mul3A_18 = arith.muli %add3A, %mul3A_17 : i32
    "tpu.region"() ({
      %run_scoped3A = tpu.sem_alloc : memref<!tpu.dma_semaphore, #tpu.memory_space<semaphore_mem>>
      %dma_start3A_56 = tpu.memref_slice %arg2[%mul3A_18] : memref<256xi32, #tpu.memory_space<hbm>> -> memref<8xi32, #tpu.memory_space<hbm>>
      %dma_start3A_57 = tpu.memref_slice %arg2[%mul3A_18] : memref<256xi32, #tpu.memory_space<hbm>> -> memref<8xi32, #tpu.memory_space<hbm>>
      tpu.enqueue_dma source(%dma_start3A_57 : memref<8xi32, #tpu.memory_space<hbm>>) target(%arg10 : memref<8xi32, #tpu.memory_space<vmem>>) target_semaphore(%run_scoped3A : memref<!tpu.dma_semaphore, #tpu.memory_space<semaphore_mem>>)
      %dma_wait3A_58 = tpu.memref_slice %arg2[%mul3A_18] : memref<256xi32, #tpu.memory_space<hbm>> -> memref<8xi32, #tpu.memory_space<hbm>>
      %dma_wait3A_59 = tpu.memref_slice %arg2[%mul3A_18] : memref<256xi32, #tpu.memory_space<hbm>> -> memref<8xi32, #tpu.memory_space<hbm>>
      tpu.wait_dma2 semaphore(%run_scoped3A : memref<!tpu.dma_semaphore, #tpu.memory_space<semaphore_mem>>) src(%dma_wait3A_59 : memref<8xi32, #tpu.memory_space<hbm>>) dst(%arg10 : memref<8xi32, #tpu.memory_space<vmem>>)
      tpu.yield
    }) : () -> ()
    %dma_start3A = arith.constant 0 : i32
    %dma_start3A_19 = arith.constant 0 : i32
    %dma_start3A_20 = tpu.memref_slice %arg6[%dma_start3A, %dma_start3A_19] : memref<100000x128xf32, #tpu.memory_space<hbm>> -> memref<100000x128xf32, #tpu.memory_space<hbm>>
    tpu.enqueue_indirect_dma source(%dma_start3A_20 : memref<100000x128xf32, #tpu.memory_space<hbm>>) target(%arg11 : memref<8x128xf32, #tpu.memory_space<vmem>>) offsets(%arg10 : memref<8xi32, #tpu.memory_space<vmem>>) semaphore(%arg20 : memref<!tpu.dma_semaphore, #tpu.memory_space<semaphore_mem>>)
    %dma_wait3A = arith.constant 0 : i32
    %dma_wait3A_21 = arith.constant 0 : i32
    %dma_wait3A_22 = tpu.memref_slice %arg6[%dma_wait3A, %dma_wait3A_21] : memref<100000x128xf32, #tpu.memory_space<hbm>> -> memref<100000x128xf32, #tpu.memory_space<hbm>>
    tpu.wait_indirect_dma semaphore(%arg20 : memref<!tpu.dma_semaphore, #tpu.memory_space<semaphore_mem>>) src(%dma_wait3A_22 : memref<100000x128xf32, #tpu.memory_space<hbm>>) dst(%arg11 : memref<8x128xf32, #tpu.memory_space<vmem>>)
    %mul3A_23 = arith.constant 8 : i32
    %mul3A_24 = arith.muli %add3A, %mul3A_23 : i32
    "tpu.region"() ({
      %run_scoped3A = tpu.sem_alloc : memref<!tpu.dma_semaphore, #tpu.memory_space<semaphore_mem>>
      %dma_start3A_56 = arith.constant 0 : i32
      %dma_start3A_57 = tpu.memref_slice %arg8[%mul3A_24, %dma_start3A_56] : memref<1280x128xf32, #tpu.memory_space<hbm>> -> memref<8x128xf32, #tpu.memory_space<hbm>>
      %dma_start3A_58 = arith.constant 0 : i32
      %dma_start3A_59 = tpu.memref_slice %arg8[%mul3A_24, %dma_start3A_58] : memref<1280x128xf32, #tpu.memory_space<hbm>> -> memref<8x128xf32, #tpu.memory_space<hbm>>
      tpu.enqueue_dma source(%arg11 : memref<8x128xf32, #tpu.memory_space<vmem>>) target(%dma_start3A_59 : memref<8x128xf32, #tpu.memory_space<hbm>>) target_semaphore(%run_scoped3A : memref<!tpu.dma_semaphore, #tpu.memory_space<semaphore_mem>>)
      %dma_wait3A_60 = arith.constant 0 : i32
      %dma_wait3A_61 = tpu.memref_slice %arg8[%mul3A_24, %dma_wait3A_60] : memref<1280x128xf32, #tpu.memory_space<hbm>> -> memref<8x128xf32, #tpu.memory_space<hbm>>
      %dma_wait3A_62 = arith.constant 0 : i32
      %dma_wait3A_63 = tpu.memref_slice %arg8[%mul3A_24, %dma_wait3A_62] : memref<1280x128xf32, #tpu.memory_space<hbm>> -> memref<8x128xf32, #tpu.memory_space<hbm>>
      tpu.wait_dma2 semaphore(%run_scoped3A : memref<!tpu.dma_semaphore, #tpu.memory_space<semaphore_mem>>) src(%arg11 : memref<8x128xf32, #tpu.memory_space<vmem>>) dst(%dma_wait3A_63 : memref<8x128xf32, #tpu.memory_space<hbm>>)
      tpu.yield
    }) : () -> ()
    %mul3A_25 = arith.constant 32 : i32
    %mul3A_26 = arith.muli %add3A, %mul3A_25 : i32
    "tpu.region"() ({
      %run_scoped3A = tpu.sem_alloc : memref<!tpu.dma_semaphore, #tpu.memory_space<semaphore_mem>>
      %dma_start3A_56 = tpu.memref_slice %arg3[%mul3A_26] : memref<1024xi32, #tpu.memory_space<hbm>> -> memref<32xi32, #tpu.memory_space<hbm>>
      %dma_start3A_57 = tpu.memref_slice %arg3[%mul3A_26] : memref<1024xi32, #tpu.memory_space<hbm>> -> memref<32xi32, #tpu.memory_space<hbm>>
      tpu.enqueue_dma source(%dma_start3A_57 : memref<32xi32, #tpu.memory_space<hbm>>) target(%arg12 : memref<32xi32, #tpu.memory_space<vmem>>) target_semaphore(%run_scoped3A : memref<!tpu.dma_semaphore, #tpu.memory_space<semaphore_mem>>)
      %dma_wait3A_58 = tpu.memref_slice %arg3[%mul3A_26] : memref<1024xi32, #tpu.memory_space<hbm>> -> memref<32xi32, #tpu.memory_space<hbm>>
      %dma_wait3A_59 = tpu.memref_slice %arg3[%mul3A_26] : memref<1024xi32, #tpu.memory_space<hbm>> -> memref<32xi32, #tpu.memory_space<hbm>>
      tpu.wait_dma2 semaphore(%run_scoped3A : memref<!tpu.dma_semaphore, #tpu.memory_space<semaphore_mem>>) src(%dma_wait3A_59 : memref<32xi32, #tpu.memory_space<hbm>>) dst(%arg12 : memref<32xi32, #tpu.memory_space<vmem>>)
      tpu.yield
    }) : () -> ()
    %dma_start3A_27 = arith.constant 0 : i32
    %dma_start3A_28 = arith.constant 0 : i32
    %dma_start3A_29 = tpu.memref_slice %arg7[%dma_start3A_27, %dma_start3A_28] : memref<100000x128xf32, #tpu.memory_space<hbm>> -> memref<100000x128xf32, #tpu.memory_space<hbm>>
    tpu.enqueue_indirect_dma source(%dma_start3A_29 : memref<100000x128xf32, #tpu.memory_space<hbm>>) target(%arg13 : memref<32x128xf32, #tpu.memory_space<vmem>>) offsets(%arg12 : memref<32xi32, #tpu.memory_space<vmem>>) semaphore(%arg20 : memref<!tpu.dma_semaphore, #tpu.memory_space<semaphore_mem>>)
    %dma_wait3A_30 = arith.constant 0 : i32
    %dma_wait3A_31 = arith.constant 0 : i32
    %dma_wait3A_32 = tpu.memref_slice %arg7[%dma_wait3A_30, %dma_wait3A_31] : memref<100000x128xf32, #tpu.memory_space<hbm>> -> memref<100000x128xf32, #tpu.memory_space<hbm>>
    tpu.wait_indirect_dma semaphore(%arg20 : memref<!tpu.dma_semaphore, #tpu.memory_space<semaphore_mem>>) src(%dma_wait3A_32 : memref<100000x128xf32, #tpu.memory_space<hbm>>) dst(%arg13 : memref<32x128xf32, #tpu.memory_space<vmem>>)
    %mul3A_33 = arith.constant 32 : i32
    %mul3A_34 = arith.muli %add3A, %mul3A_33 : i32
    %add3A_35 = arith.constant 256 : i32
    %add3A_36 = arith.addi %add3A_35, %mul3A_34 : i32
    "tpu.region"() ({
      %run_scoped3A = tpu.sem_alloc : memref<!tpu.dma_semaphore, #tpu.memory_space<semaphore_mem>>
      %dma_start3A_56 = arith.constant 0 : i32
      %dma_start3A_57 = tpu.memref_slice %arg8[%add3A_36, %dma_start3A_56] : memref<1280x128xf32, #tpu.memory_space<hbm>> -> memref<32x128xf32, #tpu.memory_space<hbm>>
      %dma_start3A_58 = arith.constant 0 : i32
      %dma_start3A_59 = tpu.memref_slice %arg8[%add3A_36, %dma_start3A_58] : memref<1280x128xf32, #tpu.memory_space<hbm>> -> memref<32x128xf32, #tpu.memory_space<hbm>>
      tpu.enqueue_dma source(%arg13 : memref<32x128xf32, #tpu.memory_space<vmem>>) target(%dma_start3A_59 : memref<32x128xf32, #tpu.memory_space<hbm>>) target_semaphore(%run_scoped3A : memref<!tpu.dma_semaphore, #tpu.memory_space<semaphore_mem>>)
      %dma_wait3A_60 = arith.constant 0 : i32
      %dma_wait3A_61 = tpu.memref_slice %arg8[%add3A_36, %dma_wait3A_60] : memref<1280x128xf32, #tpu.memory_space<hbm>> -> memref<32x128xf32, #tpu.memory_space<hbm>>
      %dma_wait3A_62 = arith.constant 0 : i32
      %dma_wait3A_63 = tpu.memref_slice %arg8[%add3A_36, %dma_wait3A_62] : memref<1280x128xf32, #tpu.memory_space<hbm>> -> memref<32x128xf32, #tpu.memory_space<hbm>>
      tpu.wait_dma2 semaphore(%run_scoped3A : memref<!tpu.dma_semaphore, #tpu.memory_space<semaphore_mem>>) src(%arg13 : memref<32x128xf32, #tpu.memory_space<vmem>>) dst(%dma_wait3A_63 : memref<32x128xf32, #tpu.memory_space<hbm>>)
      tpu.yield
    }) : () -> ()
    %mul3A_37 = arith.constant 2560 : i32
    %mul3A_38 = arith.muli %arg1, %mul3A_37 : i32
    "tpu.region"() ({
      %run_scoped3A = tpu.sem_alloc : memref<!tpu.dma_semaphore, #tpu.memory_space<semaphore_mem>>
      %dma_start3A_56 = tpu.memref_slice %arg4[%mul3A_38] : memref<40960xi32, #tpu.memory_space<hbm>> -> memref<2560xi32, #tpu.memory_space<hbm>>
      %dma_start3A_57 = tpu.memref_slice %arg4[%mul3A_38] : memref<40960xi32, #tpu.memory_space<hbm>> -> memref<2560xi32, #tpu.memory_space<hbm>>
      tpu.enqueue_dma source(%dma_start3A_57 : memref<2560xi32, #tpu.memory_space<hbm>>) target(%arg14 : memref<2560xi32, #tpu.memory_space<vmem>>) target_semaphore(%run_scoped3A : memref<!tpu.dma_semaphore, #tpu.memory_space<semaphore_mem>>)
      %dma_wait3A_58 = tpu.memref_slice %arg4[%mul3A_38] : memref<40960xi32, #tpu.memory_space<hbm>> -> memref<2560xi32, #tpu.memory_space<hbm>>
      %dma_wait3A_59 = tpu.memref_slice %arg4[%mul3A_38] : memref<40960xi32, #tpu.memory_space<hbm>> -> memref<2560xi32, #tpu.memory_space<hbm>>
      tpu.wait_dma2 semaphore(%run_scoped3A : memref<!tpu.dma_semaphore, #tpu.memory_space<semaphore_mem>>) src(%dma_wait3A_59 : memref<2560xi32, #tpu.memory_space<hbm>>) dst(%arg14 : memref<2560xi32, #tpu.memory_space<vmem>>)
      tpu.yield
    }) : () -> ()
    "tpu.region"() ({
      %run_scoped3A = tpu.sem_alloc : memref<!tpu.dma_semaphore, #tpu.memory_space<semaphore_mem>>
      %dma_start3A_56 = tpu.memref_slice %arg5[%mul3A_38] : memref<40960xi32, #tpu.memory_space<hbm>> -> memref<2560xi32, #tpu.memory_space<hbm>>
      %dma_start3A_57 = tpu.memref_slice %arg5[%mul3A_38] : memref<40960xi32, #tpu.memory_space<hbm>> -> memref<2560xi32, #tpu.memory_space<hbm>>
      tpu.enqueue_dma source(%dma_start3A_57 : memref<2560xi32, #tpu.memory_space<hbm>>) target(%arg15 : memref<2560xi32, #tpu.memory_space<vmem>>) target_semaphore(%run_scoped3A : memref<!tpu.dma_semaphore, #tpu.memory_space<semaphore_mem>>)
      %dma_wait3A_58 = tpu.memref_slice %arg5[%mul3A_38] : memref<40960xi32, #tpu.memory_space<hbm>> -> memref<2560xi32, #tpu.memory_space<hbm>>
      %dma_wait3A_59 = tpu.memref_slice %arg5[%mul3A_38] : memref<40960xi32, #tpu.memory_space<hbm>> -> memref<2560xi32, #tpu.memory_space<hbm>>
      tpu.wait_dma2 semaphore(%run_scoped3A : memref<!tpu.dma_semaphore, #tpu.memory_space<semaphore_mem>>) src(%dma_wait3A_59 : memref<2560xi32, #tpu.memory_space<hbm>>) dst(%arg15 : memref<2560xi32, #tpu.memory_space<vmem>>)
      tpu.yield
    }) : () -> ()
    %barrier3A = arith.constant 0 : index
    tpu.barrier barrier_id(%barrier3A)
    %mul3A_39 = arith.constant 640 : i32
    %mul3A_40 = arith.muli %arg0, %mul3A_39 : i32
    %mul3A_41 = arith.constant 16 : i32
    %mul3A_42 = arith.muli %arg1, %mul3A_41 : i32
    %add3A_43 = arith.constant 819200 : i32
    %add3A_44 = arith.addi %add3A_43, %mul3A_42 : i32
    %iota3A = tpu.iota {dimensions = array<i32: 0>} : vector<16xi32>
    %add3A_45 = vector.broadcast %add3A_44 : i32 to vector<16xi32>
    %add3A_46 = arith.addi %add3A_45, %iota3A : vector<16xi32>
    %scan3A_47 = arith.constant 0 : i32
    %scan3A_48 = arith.constant 20 : i32
    %scan3A_49 = arith.addi %scan3A_47, %scan3A_48 : i32
    %scan3A_50 = arith.constant 1 : i32
    scf.for %scan3A_56 = %scan3A_47 to %scan3A_49 step %scan3A_50  : i32 {
      %mul3A_57 = arith.constant 128 : i32
      %mul3A_58 = arith.muli %scan3A_56, %mul3A_57 : i32
      %add3A_59 = arith.constant 0 : i32
      %add3A_60 = arith.addi %add3A_59, %mul3A_58 : i32
      %scan3A_61 = arith.constant 0 : i32
      %scan3A_62 = arith.constant 8 : i32
      %scan3A_63 = arith.addi %scan3A_61, %scan3A_62 : i32
      %scan3A_64 = arith.constant 1 : i32
      scf.for %scan3A_66 = %scan3A_61 to %scan3A_63 step %scan3A_64  : i32 {
        %mul3A_67 = arith.constant 16 : i32
        %mul3A_68 = arith.muli %scan3A_66, %mul3A_67 : i32
        %add3A_69 = arith.constant 0 : i32
        %add3A_70 = arith.addi %add3A_69, %mul3A_68 : i32
        %add3A_71 = arith.addi %add3A_60, %add3A_70 : i32
        %get3A = arith.index_cast %add3A_71 : i32 to index
        %get3A_72 = tpu.vector_load %arg14[%get3A] {strides = array<i32>} : memref<2560xi32, #tpu.memory_space<vmem>>, vector<16xi32>,
        %get3A_73 = vector.shape_cast %get3A_72 : vector<16xi32> to vector<16xi32>
        %add3A_74 = arith.addi %add3A_60, %add3A_70 : i32
        %get3A_75 = arith.index_cast %add3A_74 : i32 to index
        %get3A_76 = tpu.vector_load %arg15[%get3A_75] {strides = array<i32>} : memref<2560xi32, #tpu.memory_space<vmem>>, vector<16xi32>,
        %get3A_77 = vector.shape_cast %get3A_76 : vector<16xi32> to vector<16xi32>
        %sub3A = vector.broadcast %mul3A_40 : i32 to vector<16xi32>
        %sub3A_78 = arith.subi %get3A_77, %sub3A : vector<16xi32>
        %shift_right_arithmetic3A = arith.constant 3 : i32
        %shift_right_arithmetic3A_79 = vector.broadcast %shift_right_arithmetic3A : i32 to vector<16xi32>
        %shift_right_arithmetic3A_80 = arith.shrsi %sub3A_78, %shift_right_arithmetic3A_79 : vector<16xi32>
        %mul3A_81 = arith.constant 10 : i32
        %mul3A_82 = vector.broadcast %mul3A_81 : i32 to vector<16xi32>
        %mul3A_83 = arith.muli %shift_right_arithmetic3A_80, %mul3A_82 : vector<16xi32>
        %shift_right_arithmetic3A_84 = arith.constant 7 : i32
        %shift_right_arithmetic3A_85 = vector.broadcast %shift_right_arithmetic3A_84 : i32 to vector<16xi32>
        %shift_right_arithmetic3A_86 = arith.shrsi %get3A_73, %shift_right_arithmetic3A_85 : vector<16xi32>
        %add3A_87 = arith.addi %mul3A_83, %shift_right_arithmetic3A_86 : vector<16xi32>
        %shift_left3A = arith.constant 10 : i32
        %shift_left3A_88 = vector.broadcast %shift_left3A : i32 to vector<16xi32>
        %shift_left3A_89 = arith.shli %add3A_87, %shift_left3A_88 : vector<16xi32>
        %and3A = arith.constant 7 : i32
        %and3A_90 = vector.broadcast %and3A : i32 to vector<16xi32>
        %and3A_91 = arith.andi %sub3A_78, %and3A_90 : vector<16xi32>
        %shift_left3A_92 = arith.constant 7 : i32
        %shift_left3A_93 = vector.broadcast %shift_left3A_92 : i32 to vector<16xi32>
        %shift_left3A_94 = arith.shli %and3A_91, %shift_left3A_93 : vector<16xi32>
        %add3A_95 = arith.addi %shift_left3A_89, %shift_left3A_94 : vector<16xi32>
        %and3A_96 = arith.constant 127 : i32
        %and3A_97 = vector.broadcast %and3A_96 : i32 to vector<16xi32>
        %and3A_98 = arith.andi %get3A_73, %and3A_97 : vector<16xi32>
        %add3A_99 = arith.addi %add3A_95, %and3A_98 : vector<16xi32>
        %ge3A = arith.constant 0 : i32
        %ge3A_100 = vector.broadcast %ge3A : i32 to vector<16xi32>
        %ge3A_101 = arith.cmpi sge, %sub3A_78, %ge3A_100 : vector<16xi32>
        %lt3A = arith.constant 640 : i32
        %lt3A_102 = vector.broadcast %lt3A : i32 to vector<16xi32>
        %lt3A_103 = arith.cmpi slt, %sub3A_78, %lt3A_102 : vector<16xi32>
        %and3A_104 = arith.andi %ge3A_101, %lt3A_103 : vector<16xi1>
        %select_n3A = arith.select %and3A_104, %add3A_99, %add3A_46 : vector<16xi1>, vector<16xi32>
        %swap3A = arith.index_cast %add3A_70 : i32 to index
        %swap3A_105 = tpu.vector_load %arg16[%swap3A] {strides = array<i32>} : memref<128xi32, #tpu.memory_space<vmem>>, vector<16xi32>,
        %swap3A_106 = vector.shape_cast %swap3A_105 : vector<16xi32> to vector<16xi32>
        %swap3A_107 = vector.shape_cast %select_n3A : vector<16xi32> to vector<16xi32>
        tpu.vector_store %arg16[%swap3A], %swap3A_107 {strides = array<i32>} : memref<128xi32, #tpu.memory_space<vmem>>, vector<16xi32>,
      }
      %scan3A_65 = arith.constant 8 : i32
      "tpu.region"() ({
        %run_scoped3A = tpu.sem_alloc : memref<!tpu.dma_semaphore, #tpu.memory_space<semaphore_mem>>
        %dma_start3A_66 = arith.constant 0 : i32
        %dma_start3A_67 = tpu.memref_slice %arg19[%dma_start3A_66] : memref<819456xf32, #tpu.memory_space<vmem_shared>> -> memref<819456xf32, #tpu.memory_space<vmem_shared>>
        tpu.enqueue_indirect_dma source(%arg17 : memref<128xf32, #tpu.memory_space<vmem>>) target(%dma_start3A_67 : memref<819456xf32, #tpu.memory_space<vmem_shared>>) offsets(%arg16 : memref<128xi32, #tpu.memory_space<vmem>>) semaphore(%run_scoped3A : memref<!tpu.dma_semaphore, #tpu.memory_space<semaphore_mem>>) {add = true}
        %dma_wait3A_68 = arith.constant 0 : i32
        %dma_wait3A_69 = tpu.memref_slice %arg19[%dma_wait3A_68] : memref<819456xf32, #tpu.memory_space<vmem_shared>> -> memref<819456xf32, #tpu.memory_space<vmem_shared>>
        tpu.wait_indirect_dma semaphore(%run_scoped3A : memref<!tpu.dma_semaphore, #tpu.memory_space<semaphore_mem>>) src(%arg17 : memref<128xf32, #tpu.memory_space<vmem>>) dst(%dma_wait3A_69 : memref<819456xf32, #tpu.memory_space<vmem_shared>>)
        tpu.yield
      }) : () -> ()
    }
    %scan3A_51 = arith.constant 20 : i32
    %barrier3A_52 = arith.constant 0 : index
    tpu.barrier barrier_id(%barrier3A_52)
    %mul3A_53 = arith.constant 819200 : i32
    %mul3A_54 = arith.muli %arg0, %mul3A_53 : i32
    %add3A_55 = arith.addi %mul3A_54, %mul3A_11 : i32
    "tpu.region"() ({
      %run_scoped3A = tpu.sem_alloc : memref<!tpu.dma_semaphore, #tpu.memory_space<semaphore_mem>>
      %dma_start3A_56 = tpu.memref_slice %arg9[%add3A_55] : memref<1638400xf32, #tpu.memory_space<hbm>> -> memref<51200xf32, #tpu.memory_space<hbm>>
      %dma_start3A_57 = tpu.memref_slice %arg19[%mul3A_11] : memref<819456xf32, #tpu.memory_space<vmem_shared>> -> memref<51200xf32, #tpu.memory_space<vmem_shared>>
      tpu.enqueue_dma source(%dma_start3A_57 : memref<51200xf32, #tpu.memory_space<vmem_shared>>) target(%dma_start3A_56 : memref<51200xf32, #tpu.memory_space<hbm>>) target_semaphore(%run_scoped3A : memref<!tpu.dma_semaphore, #tpu.memory_space<semaphore_mem>>)
      %dma_wait3A_58 = tpu.memref_slice %arg9[%add3A_55] : memref<1638400xf32, #tpu.memory_space<hbm>> -> memref<51200xf32, #tpu.memory_space<hbm>>
      %dma_wait3A_59 = tpu.memref_slice %arg19[%mul3A_11] : memref<819456xf32, #tpu.memory_space<vmem_shared>> -> memref<51200xf32, #tpu.memory_space<vmem_shared>>
      tpu.wait_dma2 semaphore(%run_scoped3A : memref<!tpu.dma_semaphore, #tpu.memory_space<semaphore_mem>>) src(%dma_wait3A_59 : memref<51200xf32, #tpu.memory_space<vmem_shared>>) dst(%dma_wait3A_58 : memref<51200xf32, #tpu.memory_space<hbm>>)
      tpu.yield
    }) : () -> ()
    return
  }
}

module attributes {stable_mosaic.version = 14 : i64} {
  func.func @_tc_body(%arg0: memref<1280x128xf32, #tpu.memory_space<vmem>>, %arg1: memref<12800x128xf32, #tpu.memory_space<vmem>>, %arg2: memref<128x256xf32, #tpu.memory_space<vmem>>, %arg3: memref<1x256xf32, #tpu.memory_space<vmem>>, %arg4: memref<256x256xf32, #tpu.memory_space<vmem>>, %arg5: memref<1x256xf32, #tpu.memory_space<vmem>>, %arg6: memref<256x256xf32, #tpu.memory_space<vmem>>, %arg7: memref<1x256xf32, #tpu.memory_space<vmem>>, %arg8: memref<256x128xf32, #tpu.memory_space<vmem>>, %arg9: memref<1x128xf32, #tpu.memory_space<vmem>>, %arg10: memref<256x128xf32, #tpu.memory_space<vmem>>, %arg11: memref<1x128xf32, #tpu.memory_space<vmem>>, %arg12: memref<256x256xf32, #tpu.memory_space<vmem>>, %arg13: memref<1x256xf32, #tpu.memory_space<vmem>>, %arg14: memref<8192x32xbf16, #tpu.memory_space<vmem>>, %arg15: memref<1x1xf32, #tpu.memory_space<vmem>>, %arg16: memref<256x1024xf32, #tpu.memory_space<vmem>>, %arg17: memref<1024x256xbf16, #tpu.memory_space<vmem>>) attributes {dimension_semantics = [], scalar_prefetch = 0 : i64, scratch_operands = 1 : i64, tpu.core_type = #tpu.core_type<tc>} {
    %get3A = arith.constant 0 : index
    %get3A_0 = arith.constant 0 : index
    %get3A_1 = vector.load %arg1[%get3A, %get3A_0] : memref<12800x128xf32, #tpu.memory_space<vmem>>, vector<12800x128xf32>
    %reshape3A = vector.shape_cast %get3A_1 : vector<12800x128xf32> to vector<160x10x8x128xf32>
    %slice3A = vector.extract_strided_slice %reshape3A {offsets = [0, 0, 0, 0], sizes = [160, 1, 8, 128], strides = [1, 1, 1, 1]} : vector<160x10x8x128xf32> to vector<160x1x8x128xf32>
    %squeeze3A = vector.shape_cast %slice3A : vector<160x1x8x128xf32> to vector<160x8x128xf32>
    %reshape3A_2 = vector.shape_cast %squeeze3A : vector<160x8x128xf32> to vector<1280x128xf32>
    %slice3A_3 = vector.extract_strided_slice %reshape3A {offsets = [0, 1, 0, 0], sizes = [160, 1, 8, 128], strides = [1, 1, 1, 1]} : vector<160x10x8x128xf32> to vector<160x1x8x128xf32>
    %squeeze3A_4 = vector.shape_cast %slice3A_3 : vector<160x1x8x128xf32> to vector<160x8x128xf32>
    %reshape3A_5 = vector.shape_cast %squeeze3A_4 : vector<160x8x128xf32> to vector<1280x128xf32>
    %slice3A_6 = vector.extract_strided_slice %reshape3A {offsets = [0, 2, 0, 0], sizes = [160, 1, 8, 128], strides = [1, 1, 1, 1]} : vector<160x10x8x128xf32> to vector<160x1x8x128xf32>
    %squeeze3A_7 = vector.shape_cast %slice3A_6 : vector<160x1x8x128xf32> to vector<160x8x128xf32>
    %reshape3A_8 = vector.shape_cast %squeeze3A_7 : vector<160x8x128xf32> to vector<1280x128xf32>
    %slice3A_9 = vector.extract_strided_slice %reshape3A {offsets = [0, 3, 0, 0], sizes = [160, 1, 8, 128], strides = [1, 1, 1, 1]} : vector<160x10x8x128xf32> to vector<160x1x8x128xf32>
    %squeeze3A_10 = vector.shape_cast %slice3A_9 : vector<160x1x8x128xf32> to vector<160x8x128xf32>
    %reshape3A_11 = vector.shape_cast %squeeze3A_10 : vector<160x8x128xf32> to vector<1280x128xf32>
    %slice3A_12 = vector.extract_strided_slice %reshape3A {offsets = [0, 4, 0, 0], sizes = [160, 1, 8, 128], strides = [1, 1, 1, 1]} : vector<160x10x8x128xf32> to vector<160x1x8x128xf32>
    %squeeze3A_13 = vector.shape_cast %slice3A_12 : vector<160x1x8x128xf32> to vector<160x8x128xf32>
    %reshape3A_14 = vector.shape_cast %squeeze3A_13 : vector<160x8x128xf32> to vector<1280x128xf32>
    %slice3A_15 = vector.extract_strided_slice %reshape3A {offsets = [0, 5, 0, 0], sizes = [160, 1, 8, 128], strides = [1, 1, 1, 1]} : vector<160x10x8x128xf32> to vector<160x1x8x128xf32>
    %squeeze3A_16 = vector.shape_cast %slice3A_15 : vector<160x1x8x128xf32> to vector<160x8x128xf32>
    %reshape3A_17 = vector.shape_cast %squeeze3A_16 : vector<160x8x128xf32> to vector<1280x128xf32>
    %slice3A_18 = vector.extract_strided_slice %reshape3A {offsets = [0, 6, 0, 0], sizes = [160, 1, 8, 128], strides = [1, 1, 1, 1]} : vector<160x10x8x128xf32> to vector<160x1x8x128xf32>
    %squeeze3A_19 = vector.shape_cast %slice3A_18 : vector<160x1x8x128xf32> to vector<160x8x128xf32>
    %reshape3A_20 = vector.shape_cast %squeeze3A_19 : vector<160x8x128xf32> to vector<1280x128xf32>
    %slice3A_21 = vector.extract_strided_slice %reshape3A {offsets = [0, 7, 0, 0], sizes = [160, 1, 8, 128], strides = [1, 1, 1, 1]} : vector<160x10x8x128xf32> to vector<160x1x8x128xf32>
    %squeeze3A_22 = vector.shape_cast %slice3A_21 : vector<160x1x8x128xf32> to vector<160x8x128xf32>
    %reshape3A_23 = vector.shape_cast %squeeze3A_22 : vector<160x8x128xf32> to vector<1280x128xf32>
    %slice3A_24 = vector.extract_strided_slice %reshape3A {offsets = [0, 8, 0, 0], sizes = [160, 1, 8, 128], strides = [1, 1, 1, 1]} : vector<160x10x8x128xf32> to vector<160x1x8x128xf32>
    %squeeze3A_25 = vector.shape_cast %slice3A_24 : vector<160x1x8x128xf32> to vector<160x8x128xf32>
    %reshape3A_26 = vector.shape_cast %squeeze3A_25 : vector<160x8x128xf32> to vector<1280x128xf32>
    %slice3A_27 = vector.extract_strided_slice %reshape3A {offsets = [0, 9, 0, 0], sizes = [160, 1, 8, 128], strides = [1, 1, 1, 1]} : vector<160x10x8x128xf32> to vector<160x1x8x128xf32>
    %squeeze3A_28 = vector.shape_cast %slice3A_27 : vector<160x1x8x128xf32> to vector<160x8x128xf32>
    %reshape3A_29 = vector.shape_cast %squeeze3A_28 : vector<160x8x128xf32> to vector<1280x128xf32>
    %concatenate3A = tpu.concatenate %reshape3A_2, %reshape3A_5, %reshape3A_8, %reshape3A_11, %reshape3A_14, %reshape3A_17, %reshape3A_20, %reshape3A_23, %reshape3A_26, %reshape3A_29 in 1 : vector<1280x128xf32>, vector<1280x128xf32>, vector<1280x128xf32>, vector<1280x128xf32>, vector<1280x128xf32>, vector<1280x128xf32>, vector<1280x128xf32>, vector<1280x128xf32>, vector<1280x128xf32>, vector<1280x128xf32> -> vector<1280x1280xf32>
    %iota3A = tpu.iota {dimensions = array<i32: 0>} : vector<1280x1280xi32>
    %iota3A_30 = tpu.iota {dimensions = array<i32: 1>} : vector<1280x1280xi32>
    %eq3A = arith.cmpi eq, %iota3A, %iota3A_30 : vector<1280x1280xi32>
    %jit3A = arith.constant 1.000000e+00 : f32
    %jit3A_31 = arith.constant 0.000000e+00 : f32
    %broadcast_in_dim3A = vector.broadcast %jit3A : f32 to vector<1280x1280xf32>
    %broadcast_in_dim3A_32 = vector.broadcast %jit3A_31 : f32 to vector<1280x1280xf32>
    %select_n3A = arith.select %eq3A, %broadcast_in_dim3A, %broadcast_in_dim3A_32 : vector<1280x1280xi1>, vector<1280x1280xf32>
    %add3A = arith.addf %concatenate3A, %select_n3A : vector<1280x1280xf32>
    %reduce_sum3A = arith.constant dense<0.000000e+00> : vector<1280xf32>
    %reduce_sum3A_33 = vector.multi_reduction <add>, %add3A, %reduce_sum3A [1] : vector<1280x1280xf32> to vector<1280xf32>
    %broadcast_in_dim3A_34 = vector.shape_cast %reduce_sum3A_33 : vector<1280xf32> to vector<1280x1xf32>
    %rsqrt3A = math.rsqrt %broadcast_in_dim3A_34 : vector<1280x1xf32>
    %convert_element_type3A = arith.truncf %add3A : vector<1280x1280xf32> to vector<1280x1280xbf16>
    %get3A_35 = arith.constant 0 : index
    %get3A_36 = arith.constant 0 : index
    %get3A_37 = vector.load %arg0[%get3A_35, %get3A_36] : memref<1280x128xf32, #tpu.memory_space<vmem>>, vector<1280x128xf32>
    %get3A_38 = arith.constant 0 : index
    %get3A_39 = arith.constant 0 : index
    %get3A_40 = vector.load %arg2[%get3A_38, %get3A_39] : memref<128x256xf32, #tpu.memory_space<vmem>>, vector<128x256xf32>
    %dot_general3A = arith.constant dense<0.000000e+00> : vector<1280x256xf32>
    %dot_general3A_41 = tpu.matmul %get3A_37, %get3A_40, %dot_general3A {dimension_numbers = #tpu.dot_dimension_numbers<[1], [0], [0], [1], [0, 0, 1, 1], [], []>, transpose_lhs_hint = false} : vector<1280x128xf32>, vector<128x256xf32>, vector<1280x256xf32> -> vector<1280x256xf32>
    %mul3A = vector.broadcast %rsqrt3A : vector<1280x1xf32> to vector<1280x256xf32>
    %mul3A_42 = arith.mulf %mul3A, %dot_general3A_41 : vector<1280x256xf32>
    %convert_element_type3A_43 = arith.truncf %mul3A_42 : vector<1280x256xf32> to vector<1280x256xbf16>
    %dot_general3A_44 = arith.constant dense<0.000000e+00> : vector<1280x256xf32>
    %dot_general3A_45 = tpu.matmul %convert_element_type3A, %convert_element_type3A_43, %dot_general3A_44 {dimension_numbers = #tpu.dot_dimension_numbers<[1], [0], [0], [1], [0, 0, 1, 1], [], []>, transpose_lhs_hint = false} : vector<1280x1280xbf16>, vector<1280x256xbf16>, vector<1280x256xf32> -> vector<1280x256xf32>
    %mul3A_46 = vector.broadcast %rsqrt3A : vector<1280x1xf32> to vector<1280x256xf32>
    %mul3A_47 = arith.mulf %mul3A_46, %dot_general3A_45 : vector<1280x256xf32>
    %get3A_48 = arith.constant 0 : index
    %get3A_49 = arith.constant 0 : index
    %get3A_50 = vector.load %arg3[%get3A_48, %get3A_49] : memref<1x256xf32, #tpu.memory_space<vmem>>, vector<1x256xf32>
    %add3A_51 = vector.broadcast %get3A_50 : vector<1x256xf32> to vector<1280x256xf32>
    %add3A_52 = arith.addf %mul3A_47, %add3A_51 : vector<1280x256xf32>
    %max3A = arith.constant 0.000000e+00 : f32
    %max3A_53 = vector.broadcast %max3A : f32 to vector<1280x256xf32>
    %max3A_54 = arith.maximumf %add3A_52, %max3A_53 : vector<1280x256xf32>
    %get3A_55 = arith.constant 0 : index
    %get3A_56 = arith.constant 0 : index
    %get3A_57 = vector.load %arg4[%get3A_55, %get3A_56] : memref<256x256xf32, #tpu.memory_space<vmem>>, vector<256x256xf32>
    %dot_general3A_58 = arith.constant dense<0.000000e+00> : vector<1280x256xf32>
    %dot_general3A_59 = tpu.matmul %max3A_54, %get3A_57, %dot_general3A_58 {dimension_numbers = #tpu.dot_dimension_numbers<[1], [0], [0], [1], [0, 0, 1, 1], [], []>, transpose_lhs_hint = false} : vector<1280x256xf32>, vector<256x256xf32>, vector<1280x256xf32> -> vector<1280x256xf32>
    %mul3A_60 = vector.broadcast %rsqrt3A : vector<1280x1xf32> to vector<1280x256xf32>
    %mul3A_61 = arith.mulf %mul3A_60, %dot_general3A_59 : vector<1280x256xf32>
    %convert_element_type3A_62 = arith.truncf %mul3A_61 : vector<1280x256xf32> to vector<1280x256xbf16>
    %dot_general3A_63 = arith.constant dense<0.000000e+00> : vector<1280x256xf32>
    %dot_general3A_64 = tpu.matmul %convert_element_type3A, %convert_element_type3A_62, %dot_general3A_63 {dimension_numbers = #tpu.dot_dimension_numbers<[1], [0], [0], [1], [0, 0, 1, 1], [], []>, transpose_lhs_hint = false} : vector<1280x1280xbf16>, vector<1280x256xbf16>, vector<1280x256xf32> -> vector<1280x256xf32>
    %mul3A_65 = vector.broadcast %rsqrt3A : vector<1280x1xf32> to vector<1280x256xf32>
    %mul3A_66 = arith.mulf %mul3A_65, %dot_general3A_64 : vector<1280x256xf32>
    %get3A_67 = arith.constant 0 : index
    %get3A_68 = arith.constant 0 : index
    %get3A_69 = vector.load %arg5[%get3A_67, %get3A_68] : memref<1x256xf32, #tpu.memory_space<vmem>>, vector<1x256xf32>
    %add3A_70 = vector.broadcast %get3A_69 : vector<1x256xf32> to vector<1280x256xf32>
    %add3A_71 = arith.addf %mul3A_66, %add3A_70 : vector<1280x256xf32>
    %max3A_72 = arith.constant 0.000000e+00 : f32
    %max3A_73 = vector.broadcast %max3A_72 : f32 to vector<1280x256xf32>
    %max3A_74 = arith.maximumf %add3A_71, %max3A_73 : vector<1280x256xf32>
    %get3A_75 = arith.constant 0 : index
    %get3A_76 = arith.constant 0 : index
    %get3A_77 = vector.load %arg6[%get3A_75, %get3A_76] : memref<256x256xf32, #tpu.memory_space<vmem>>, vector<256x256xf32>
    %dot_general3A_78 = arith.constant dense<0.000000e+00> : vector<1280x256xf32>
    %dot_general3A_79 = tpu.matmul %max3A_74, %get3A_77, %dot_general3A_78 {dimension_numbers = #tpu.dot_dimension_numbers<[1], [0], [0], [1], [0, 0, 1, 1], [], []>, transpose_lhs_hint = false} : vector<1280x256xf32>, vector<256x256xf32>, vector<1280x256xf32> -> vector<1280x256xf32>
    %mul3A_80 = vector.broadcast %rsqrt3A : vector<1280x1xf32> to vector<1280x256xf32>
    %mul3A_81 = arith.mulf %mul3A_80, %dot_general3A_79 : vector<1280x256xf32>
    %convert_element_type3A_82 = arith.truncf %mul3A_81 : vector<1280x256xf32> to vector<1280x256xbf16>
    %dot_general3A_83 = arith.constant dense<0.000000e+00> : vector<1280x256xf32>
    %dot_general3A_84 = tpu.matmul %convert_element_type3A, %convert_element_type3A_82, %dot_general3A_83 {dimension_numbers = #tpu.dot_dimension_numbers<[1], [0], [0], [1], [0, 0, 1, 1], [], []>, transpose_lhs_hint = false} : vector<1280x1280xbf16>, vector<1280x256xbf16>, vector<1280x256xf32> -> vector<1280x256xf32>
    %mul3A_85 = vector.broadcast %rsqrt3A : vector<1280x1xf32> to vector<1280x256xf32>
    %mul3A_86 = arith.mulf %mul3A_85, %dot_general3A_84 : vector<1280x256xf32>
    %get3A_87 = arith.constant 0 : index
    %get3A_88 = arith.constant 0 : index
    %get3A_89 = vector.load %arg7[%get3A_87, %get3A_88] : memref<1x256xf32, #tpu.memory_space<vmem>>, vector<1x256xf32>
    %add3A_90 = vector.broadcast %get3A_89 : vector<1x256xf32> to vector<1280x256xf32>
    %add3A_91 = arith.addf %mul3A_86, %add3A_90 : vector<1280x256xf32>
    %max3A_92 = arith.constant 0.000000e+00 : f32
    %max3A_93 = vector.broadcast %max3A_92 : f32 to vector<1280x256xf32>
    %max3A_94 = arith.maximumf %add3A_91, %max3A_93 : vector<1280x256xf32>
    %slice3A_95 = vector.extract_strided_slice %max3A_94 {offsets = [0, 0], sizes = [256, 256], strides = [1, 1]} : vector<1280x256xf32> to vector<256x256xf32>
    %get3A_96 = arith.constant 0 : index
    %get3A_97 = arith.constant 0 : index
    %get3A_98 = vector.load %arg8[%get3A_96, %get3A_97] : memref<256x128xf32, #tpu.memory_space<vmem>>, vector<256x128xf32>
    %dot_general3A_99 = arith.constant dense<0.000000e+00> : vector<256x128xf32>
    %dot_general3A_100 = tpu.matmul %slice3A_95, %get3A_98, %dot_general3A_99 {dimension_numbers = #tpu.dot_dimension_numbers<[1], [0], [0], [1], [0, 0, 1, 1], [], []>, transpose_lhs_hint = false} : vector<256x256xf32>, vector<256x128xf32>, vector<256x128xf32> -> vector<256x128xf32>
    %get3A_101 = arith.constant 0 : index
    %get3A_102 = arith.constant 0 : index
    %get3A_103 = vector.load %arg9[%get3A_101, %get3A_102] : memref<1x128xf32, #tpu.memory_space<vmem>>, vector<1x128xf32>
    %add3A_104 = vector.broadcast %get3A_103 : vector<1x128xf32> to vector<256x128xf32>
    %add3A_105 = arith.addf %dot_general3A_100, %add3A_104 : vector<256x128xf32>
    %slice3A_106 = vector.extract_strided_slice %max3A_94 {offsets = [256, 0], sizes = [1024, 256], strides = [1, 1]} : vector<1280x256xf32> to vector<1024x256xf32>
    %get3A_107 = arith.constant 0 : index
    %get3A_108 = arith.constant 0 : index
    %get3A_109 = vector.load %arg10[%get3A_107, %get3A_108] : memref<256x128xf32, #tpu.memory_space<vmem>>, vector<256x128xf32>
    %dot_general3A_110 = arith.constant dense<0.000000e+00> : vector<1024x128xf32>
    %dot_general3A_111 = tpu.matmul %slice3A_106, %get3A_109, %dot_general3A_110 {dimension_numbers = #tpu.dot_dimension_numbers<[1], [0], [0], [1], [0, 0, 1, 1], [], []>, transpose_lhs_hint = false} : vector<1024x256xf32>, vector<256x128xf32>, vector<1024x128xf32> -> vector<1024x128xf32>
    %get3A_112 = arith.constant 0 : index
    %get3A_113 = arith.constant 0 : index
    %get3A_114 = vector.load %arg11[%get3A_112, %get3A_113] : memref<1x128xf32, #tpu.memory_space<vmem>>, vector<1x128xf32>
    %add3A_115 = vector.broadcast %get3A_114 : vector<1x128xf32> to vector<1024x128xf32>
    %add3A_116 = arith.addf %dot_general3A_111, %add3A_115 : vector<1024x128xf32>
    %get3A_117 = arith.constant 0 : index
    %get3A_118 = arith.constant 0 : index
    %get3A_119 = vector.load %arg12[%get3A_117, %get3A_118] : memref<256x256xf32, #tpu.memory_space<vmem>>, vector<128x256xf32>
    %dot_general3A_120 = arith.constant dense<0.000000e+00> : vector<256x256xf32>
    %dot_general3A_121 = tpu.matmul %add3A_105, %get3A_119, %dot_general3A_120 {dimension_numbers = #tpu.dot_dimension_numbers<[1], [0], [0], [1], [0, 0, 1, 1], [], []>, transpose_lhs_hint = false} : vector<256x128xf32>, vector<128x256xf32>, vector<256x256xf32> -> vector<256x256xf32>
    %get3A_122 = arith.constant 0 : index
    %get3A_123 = arith.constant 0 : index
    %get3A_124 = vector.load %arg13[%get3A_122, %get3A_123] : memref<1x256xf32, #tpu.memory_space<vmem>>, vector<1x256xf32>
    %add3A_125 = vector.broadcast %get3A_124 : vector<1x256xf32> to vector<256x256xf32>
    %add3A_126 = arith.addf %dot_general3A_121, %add3A_125 : vector<256x256xf32>
    %convert_element_type3A_127 = arith.truncf %add3A_126 : vector<256x256xf32> to vector<256x256xbf16>
    %get3A_128 = arith.constant 128 : index
    %get3A_129 = arith.constant 0 : index
    %get3A_130 = vector.load %arg12[%get3A_128, %get3A_129] : memref<256x256xf32, #tpu.memory_space<vmem>>, vector<128x256xf32>
    %dot_general3A_131 = arith.constant dense<0.000000e+00> : vector<1024x256xf32>
    %dot_general3A_132 = tpu.matmul %add3A_116, %get3A_130, %dot_general3A_131 {dimension_numbers = #tpu.dot_dimension_numbers<[1], [0], [0], [1], [0, 0, 1, 1], [], []>, transpose_lhs_hint = false} : vector<1024x128xf32>, vector<128x256xf32>, vector<1024x256xf32> -> vector<1024x256xf32>
    %convert_element_type3A_133 = arith.truncf %dot_general3A_132 : vector<1024x256xf32> to vector<1024x256xbf16>
    %swap3A = arith.constant 0 : index
    %swap3A_134 = arith.constant 0 : index
    %swap3A_135 = vector.load %arg17[%swap3A, %swap3A_134] : memref<1024x256xbf16, #tpu.memory_space<vmem>>, vector<1024x256xbf16>
    tpu.vector_store %arg17[%swap3A, %swap3A_134], %convert_element_type3A_133 {strides = array<i32>} : memref<1024x256xbf16, #tpu.memory_space<vmem>>, vector<1024x256xbf16>,
    %get3A_136 = arith.constant 0 : index
    %get3A_137 = arith.constant 0 : index
    %get3A_138 = vector.load %arg14[%get3A_136, %get3A_137] : memref<8192x32xbf16, #tpu.memory_space<vmem>>, vector<8192x32xbf16>
    %get3A_139 = arith.constant 0 : index
    %get3A_140 = arith.constant 0 : index
    %get3A_141 = vector.load %arg15[%get3A_139, %get3A_140] : memref<1x1xf32, #tpu.memory_space<vmem>>, vector<1x1xf32>
    %get3A_142 = vector.extract %get3A_141[0, 0] : f32 from vector<1x1xf32>
    %scan3A = arith.constant 0.000000e+00 : bf16
    %scan3A_143 = arith.constant 0 : i32
    %scan3A_144 = arith.constant 4 : i32
    %scan3A_145 = arith.addi %scan3A_143, %scan3A_144 : i32
    %scan3A_146 = arith.constant 1 : i32
    scf.for %scan3A_148 = %scan3A_143 to %scan3A_145 step %scan3A_146  : i32 {
      %mul3A_149 = arith.constant 256 : i32
      %mul3A_150 = arith.muli %scan3A_148, %mul3A_149 : i32
      %add3A_151 = arith.constant 0 : i32
      %add3A_152 = arith.addi %mul3A_150, %add3A_151 : i32
      %add3A_153 = arith.constant 0 : i32
      %add3A_154 = arith.addi %add3A_152, %add3A_153 : i32
      %get3A_155 = arith.index_cast %add3A_154 : i32 to index
      %get3A_156 = arith.constant 0 : index
      %get3A_157 = vector.load %arg17[%get3A_155, %get3A_156] : memref<1024x256xbf16, #tpu.memory_space<vmem>>, vector<16x256xbf16>
      %slice3A_158 = vector.extract_strided_slice %get3A_157 {offsets = [0, 0], sizes = [1, 256], strides = [1, 1]} : vector<16x256xbf16> to vector<1x256xbf16>
      %add3A_159 = vector.broadcast %slice3A_158 : vector<1x256xbf16> to vector<256x256xbf16>
      %add3A_160 = arith.addf %convert_element_type3A_127, %add3A_159 : vector<256x256xbf16>
      %max3A_161 = vector.broadcast %scan3A : bf16 to vector<256x256xbf16>
      %max3A_162 = arith.maximumf %add3A_160, %max3A_161 : vector<256x256xbf16>
      %slice3A_163 = vector.extract_strided_slice %get3A_157 {offsets = [1, 0], sizes = [1, 256], strides = [1, 1]} : vector<16x256xbf16> to vector<1x256xbf16>
      %add3A_164 = vector.broadcast %slice3A_163 : vector<1x256xbf16> to vector<256x256xbf16>
      %add3A_165 = arith.addf %convert_element_type3A_127, %add3A_164 : vector<256x256xbf16>
      %max3A_166 = vector.broadcast %scan3A : bf16 to vector<256x256xbf16>
      %max3A_167 = arith.maximumf %add3A_165, %max3A_166 : vector<256x256xbf16>
      %slice3A_168 = vector.extract_strided_slice %get3A_157 {offsets = [2, 0], sizes = [1, 256], strides = [1, 1]} : vector<16x256xbf16> to vector<1x256xbf16>
      %add3A_169 = vector.broadcast %slice3A_168 : vector<1x256xbf16> to vector<256x256xbf16>
      %add3A_170 = arith.addf %convert_element_type3A_127, %add3A_169 : vector<256x256xbf16>
      %max3A_171 = vector.broadcast %scan3A : bf16 to vector<256x256xbf16>
      %max3A_172 = arith.maximumf %add3A_170, %max3A_171 : vector<256x256xbf16>
      %slice3A_173 = vector.extract_strided_slice %get3A_157 {offsets = [3, 0], sizes = [1, 256], strides = [1, 1]} : vector<16x256xbf16> to vector<1x256xbf16>
      %add3A_174 = vector.broadcast %slice3A_173 : vector<1x256xbf16> to vector<256x256xbf16>
      %add3A_175 = arith.addf %convert_element_type3A_127, %add3A_174 : vector<256x256xbf16>
      %max3A_176 = vector.broadcast %scan3A : bf16 to vector<256x256xbf16>
      %max3A_177 = arith.maximumf %add3A_175, %max3A_176 : vector<256x256xbf16>
      %slice3A_178 = vector.extract_strided_slice %get3A_157 {offsets = [4, 0], sizes = [1, 256], strides = [1, 1]} : vector<16x256xbf16> to vector<1x256xbf16>
      %add3A_179 = vector.broadcast %slice3A_178 : vector<1x256xbf16> to vector<256x256xbf16>
      %add3A_180 = arith.addf %convert_element_type3A_127, %add3A_179 : vector<256x256xbf16>
      %max3A_181 = vector.broadcast %scan3A : bf16 to vector<256x256xbf16>
      %max3A_182 = arith.maximumf %add3A_180, %max3A_181 : vector<256x256xbf16>
      %slice3A_183 = vector.extract_strided_slice %get3A_157 {offsets = [5, 0], sizes = [1, 256], strides = [1, 1]} : vector<16x256xbf16> to vector<1x256xbf16>
      %add3A_184 = vector.broadcast %slice3A_183 : vector<1x256xbf16> to vector<256x256xbf16>
      %add3A_185 = arith.addf %convert_element_type3A_127, %add3A_184 : vector<256x256xbf16>
      %max3A_186 = vector.broadcast %scan3A : bf16 to vector<256x256xbf16>
      %max3A_187 = arith.maximumf %add3A_185, %max3A_186 : vector<256x256xbf16>
      %slice3A_188 = vector.extract_strided_slice %get3A_157 {offsets = [6, 0], sizes = [1, 256], strides = [1, 1]} : vector<16x256xbf16> to vector<1x256xbf16>
      %add3A_189 = vector.broadcast %slice3A_188 : vector<1x256xbf16> to vector<256x256xbf16>
      %add3A_190 = arith.addf %convert_element_type3A_127, %add3A_189 : vector<256x256xbf16>
      %max3A_191 = vector.broadcast %scan3A : bf16 to vector<256x256xbf16>
      %max3A_192 = arith.maximumf %add3A_190, %max3A_191 : vector<256x256xbf16>
      %slice3A_193 = vector.extract_strided_slice %get3A_157 {offsets = [7, 0], sizes = [1, 256], strides = [1, 1]} : vector<16x256xbf16> to vector<1x256xbf16>
      %add3A_194 = vector.broadcast %slice3A_193 : vector<1x256xbf16> to vector<256x256xbf16>
      %add3A_195 = arith.addf %convert_element_type3A_127, %add3A_194 : vector<256x256xbf16>
      %max3A_196 = vector.broadcast %scan3A : bf16 to vector<256x256xbf16>
      %max3A_197 = arith.maximumf %add3A_195, %max3A_196 : vector<256x256xbf16>
      %slice3A_198 = vector.extract_strided_slice %get3A_157 {offsets = [8, 0], sizes = [1, 256], strides = [1, 1]} : vector<16x256xbf16> to vector<1x256xbf16>
      %add3A_199 = vector.broadcast %slice3A_198 : vector<1x256xbf16> to vector<256x256xbf16>
      %add3A_200 = arith.addf %convert_element_type3A_127, %add3A_199 : vector<256x256xbf16>
      %max3A_201 = vector.broadcast %scan3A : bf16 to vector<256x256xbf16>
      %max3A_202 = arith.maximumf %add3A_200, %max3A_201 : vector<256x256xbf16>
      %slice3A_203 = vector.extract_strided_slice %get3A_157 {offsets = [9, 0], sizes = [1, 256], strides = [1, 1]} : vector<16x256xbf16> to vector<1x256xbf16>
      %add3A_204 = vector.broadcast %slice3A_203 : vector<1x256xbf16> to vector<256x256xbf16>
      %add3A_205 = arith.addf %convert_element_type3A_127, %add3A_204 : vector<256x256xbf16>
      %max3A_206 = vector.broadcast %scan3A : bf16 to vector<256x256xbf16>
      %max3A_207 = arith.maximumf %add3A_205, %max3A_206 : vector<256x256xbf16>
      %slice3A_208 = vector.extract_strided_slice %get3A_157 {offsets = [10, 0], sizes = [1, 256], strides = [1, 1]} : vector<16x256xbf16> to vector<1x256xbf16>
      %add3A_209 = vector.broadcast %slice3A_208 : vector<1x256xbf16> to vector<256x256xbf16>
      %add3A_210 = arith.addf %convert_element_type3A_127, %add3A_209 : vector<256x256xbf16>
      %max3A_211 = vector.broadcast %scan3A : bf16 to vector<256x256xbf16>
      %max3A_212 = arith.maximumf %add3A_210, %max3A_211 : vector<256x256xbf16>
      %slice3A_213 = vector.extract_strided_slice %get3A_157 {offsets = [11, 0], sizes = [1, 256], strides = [1, 1]} : vector<16x256xbf16> to vector<1x256xbf16>
      %add3A_214 = vector.broadcast %slice3A_213 : vector<1x256xbf16> to vector<256x256xbf16>
      %add3A_215 = arith.addf %convert_element_type3A_127, %add3A_214 : vector<256x256xbf16>
      %max3A_216 = vector.broadcast %scan3A : bf16 to vector<256x256xbf16>
      %max3A_217 = arith.maximumf %add3A_215, %max3A_216 : vector<256x256xbf16>
      %slice3A_218 = vector.extract_strided_slice %get3A_157 {offsets = [12, 0], sizes = [1, 256], strides = [1, 1]} : vector<16x256xbf16> to vector<1x256xbf16>
      %add3A_219 = vector.broadcast %slice3A_218 : vector<1x256xbf16> to vector<256x256xbf16>
      %add3A_220 = arith.addf %convert_element_type3A_127, %add3A_219 : vector<256x256xbf16>
      %max3A_221 = vector.broadcast %scan3A : bf16 to vector<256x256xbf16>
      %max3A_222 = arith.maximumf %add3A_220, %max3A_221 : vector<256x256xbf16>
      %slice3A_223 = vector.extract_strided_slice %get3A_157 {offsets = [13, 0], sizes = [1, 256], strides = [1, 1]} : vector<16x256xbf16> to vector<1x256xbf16>
      %add3A_224 = vector.broadcast %slice3A_223 : vector<1x256xbf16> to vector<256x256xbf16>
      %add3A_225 = arith.addf %convert_element_type3A_127, %add3A_224 : vector<256x256xbf16>
      %max3A_226 = vector.broadcast %scan3A : bf16 to vector<256x256xbf16>
      %max3A_227 = arith.maximumf %add3A_225, %max3A_226 : vector<256x256xbf16>
      %slice3A_228 = vector.extract_strided_slice %get3A_157 {offsets = [14, 0], sizes = [1, 256], strides = [1, 1]} : vector<16x256xbf16> to vector<1x256xbf16>
      %add3A_229 = vector.broadcast %slice3A_228 : vector<1x256xbf16> to vector<256x256xbf16>
      %add3A_230 = arith.addf %convert_element_type3A_127, %add3A_229 : vector<256x256xbf16>
      %max3A_231 = vector.broadcast %scan3A : bf16 to vector<256x256xbf16>
      %max3A_232 = arith.maximumf %add3A_230, %max3A_231 : vector<256x256xbf16>
      %slice3A_233 = vector.extract_strided_slice %get3A_157 {offsets = [15, 0], sizes = [1, 256], strides = [1, 1]} : vector<16x256xbf16> to vector<1x256xbf16>
      %add3A_234 = vector.broadcast %slice3A_233 : vector<1x256xbf16> to vector<256x256xbf16>
      %add3A_235 = arith.addf %convert_element_type3A_127, %add3A_234 : vector<256x256xbf16>
      %max3A_236 = vector.broadcast %scan3A : bf16 to vector<256x256xbf16>
      %max3A_237 = arith.maximumf %add3A_235, %max3A_236 : vector<256x256xbf16>
      %mul3A_238 = arith.constant 256 : i32
      %mul3A_239 = arith.muli %scan3A_148, %mul3A_238 : i32
      %add3A_240 = arith.constant 0 : i32
      %add3A_241 = arith.addi %mul3A_239, %add3A_240 : i32
      %add3A_242 = arith.constant 16 : i32
      %add3A_243 = arith.addi %add3A_241, %add3A_242 : i32
      %get3A_244 = arith.index_cast %add3A_243 : i32 to index
      %get3A_245 = arith.constant 0 : index
      %get3A_246 = vector.load %arg17[%get3A_244, %get3A_245] : memref<1024x256xbf16, #tpu.memory_space<vmem>>, vector<16x256xbf16>
      %slice3A_247 = vector.extract_strided_slice %get3A_246 {offsets = [0, 0], sizes = [1, 256], strides = [1, 1]} : vector<16x256xbf16> to vector<1x256xbf16>
      %add3A_248 = vector.broadcast %slice3A_247 : vector<1x256xbf16> to vector<256x256xbf16>
      %add3A_249 = arith.addf %convert_element_type3A_127, %add3A_248 : vector<256x256xbf16>
      %max3A_250 = vector.broadcast %scan3A : bf16 to vector<256x256xbf16>
      %max3A_251 = arith.maximumf %add3A_249, %max3A_250 : vector<256x256xbf16>
      %slice3A_252 = vector.extract_strided_slice %get3A_246 {offsets = [1, 0], sizes = [1, 256], strides = [1, 1]} : vector<16x256xbf16> to vector<1x256xbf16>
      %add3A_253 = vector.broadcast %slice3A_252 : vector<1x256xbf16> to vector<256x256xbf16>
      %add3A_254 = arith.addf %convert_element_type3A_127, %add3A_253 : vector<256x256xbf16>
      %max3A_255 = vector.broadcast %scan3A : bf16 to vector<256x256xbf16>
      %max3A_256 = arith.maximumf %add3A_254, %max3A_255 : vector<256x256xbf16>
      %slice3A_257 = vector.extract_strided_slice %get3A_246 {offsets = [2, 0], sizes = [1, 256], strides = [1, 1]} : vector<16x256xbf16> to vector<1x256xbf16>
      %add3A_258 = vector.broadcast %slice3A_257 : vector<1x256xbf16> to vector<256x256xbf16>
      %add3A_259 = arith.addf %convert_element_type3A_127, %add3A_258 : vector<256x256xbf16>
      %max3A_260 = vector.broadcast %scan3A : bf16 to vector<256x256xbf16>
      %max3A_261 = arith.maximumf %add3A_259, %max3A_260 : vector<256x256xbf16>
      %slice3A_262 = vector.extract_strided_slice %get3A_246 {offsets = [3, 0], sizes = [1, 256], strides = [1, 1]} : vector<16x256xbf16> to vector<1x256xbf16>
      %add3A_263 = vector.broadcast %slice3A_262 : vector<1x256xbf16> to vector<256x256xbf16>
      %add3A_264 = arith.addf %convert_element_type3A_127, %add3A_263 : vector<256x256xbf16>
      %max3A_265 = vector.broadcast %scan3A : bf16 to vector<256x256xbf16>
      %max3A_266 = arith.maximumf %add3A_264, %max3A_265 : vector<256x256xbf16>
      %slice3A_267 = vector.extract_strided_slice %get3A_246 {offsets = [4, 0], sizes = [1, 256], strides = [1, 1]} : vector<16x256xbf16> to vector<1x256xbf16>
      %add3A_268 = vector.broadcast %slice3A_267 : vector<1x256xbf16> to vector<256x256xbf16>
      %add3A_269 = arith.addf %convert_element_type3A_127, %add3A_268 : vector<256x256xbf16>
      %max3A_270 = vector.broadcast %scan3A : bf16 to vector<256x256xbf16>
      %max3A_271 = arith.maximumf %add3A_269, %max3A_270 : vector<256x256xbf16>
      %slice3A_272 = vector.extract_strided_slice %get3A_246 {offsets = [5, 0], sizes = [1, 256], strides = [1, 1]} : vector<16x256xbf16> to vector<1x256xbf16>
      %add3A_273 = vector.broadcast %slice3A_272 : vector<1x256xbf16> to vector<256x256xbf16>
      %add3A_274 = arith.addf %convert_element_type3A_127, %add3A_273 : vector<256x256xbf16>
      %max3A_275 = vector.broadcast %scan3A : bf16 to vector<256x256xbf16>
      %max3A_276 = arith.maximumf %add3A_274, %max3A_275 : vector<256x256xbf16>
      %slice3A_277 = vector.extract_strided_slice %get3A_246 {offsets = [6, 0], sizes = [1, 256], strides = [1, 1]} : vector<16x256xbf16> to vector<1x256xbf16>
      %add3A_278 = vector.broadcast %slice3A_277 : vector<1x256xbf16> to vector<256x256xbf16>
      %add3A_279 = arith.addf %convert_element_type3A_127, %add3A_278 : vector<256x256xbf16>
      %max3A_280 = vector.broadcast %scan3A : bf16 to vector<256x256xbf16>
      %max3A_281 = arith.maximumf %add3A_279, %max3A_280 : vector<256x256xbf16>
      %slice3A_282 = vector.extract_strided_slice %get3A_246 {offsets = [7, 0], sizes = [1, 256], strides = [1, 1]} : vector<16x256xbf16> to vector<1x256xbf16>
      %add3A_283 = vector.broadcast %slice3A_282 : vector<1x256xbf16> to vector<256x256xbf16>
      %add3A_284 = arith.addf %convert_element_type3A_127, %add3A_283 : vector<256x256xbf16>
      %max3A_285 = vector.broadcast %scan3A : bf16 to vector<256x256xbf16>
      %max3A_286 = arith.maximumf %add3A_284, %max3A_285 : vector<256x256xbf16>
      %slice3A_287 = vector.extract_strided_slice %get3A_246 {offsets = [8, 0], sizes = [1, 256], strides = [1, 1]} : vector<16x256xbf16> to vector<1x256xbf16>
      %add3A_288 = vector.broadcast %slice3A_287 : vector<1x256xbf16> to vector<256x256xbf16>
      %add3A_289 = arith.addf %convert_element_type3A_127, %add3A_288 : vector<256x256xbf16>
      %max3A_290 = vector.broadcast %scan3A : bf16 to vector<256x256xbf16>
      %max3A_291 = arith.maximumf %add3A_289, %max3A_290 : vector<256x256xbf16>
      %slice3A_292 = vector.extract_strided_slice %get3A_246 {offsets = [9, 0], sizes = [1, 256], strides = [1, 1]} : vector<16x256xbf16> to vector<1x256xbf16>
      %add3A_293 = vector.broadcast %slice3A_292 : vector<1x256xbf16> to vector<256x256xbf16>
      %add3A_294 = arith.addf %convert_element_type3A_127, %add3A_293 : vector<256x256xbf16>
      %max3A_295 = vector.broadcast %scan3A : bf16 to vector<256x256xbf16>
      %max3A_296 = arith.maximumf %add3A_294, %max3A_295 : vector<256x256xbf16>
      %slice3A_297 = vector.extract_strided_slice %get3A_246 {offsets = [10, 0], sizes = [1, 256], strides = [1, 1]} : vector<16x256xbf16> to vector<1x256xbf16>
      %add3A_298 = vector.broadcast %slice3A_297 : vector<1x256xbf16> to vector<256x256xbf16>
      %add3A_299 = arith.addf %convert_element_type3A_127, %add3A_298 : vector<256x256xbf16>
      %max3A_300 = vector.broadcast %scan3A : bf16 to vector<256x256xbf16>
      %max3A_301 = arith.maximumf %add3A_299, %max3A_300 : vector<256x256xbf16>
      %slice3A_302 = vector.extract_strided_slice %get3A_246 {offsets = [11, 0], sizes = [1, 256], strides = [1, 1]} : vector<16x256xbf16> to vector<1x256xbf16>
      %add3A_303 = vector.broadcast %slice3A_302 : vector<1x256xbf16> to vector<256x256xbf16>
      %add3A_304 = arith.addf %convert_element_type3A_127, %add3A_303 : vector<256x256xbf16>
      %max3A_305 = vector.broadcast %scan3A : bf16 to vector<256x256xbf16>
      %max3A_306 = arith.maximumf %add3A_304, %max3A_305 : vector<256x256xbf16>
      %slice3A_307 = vector.extract_strided_slice %get3A_246 {offsets = [12, 0], sizes = [1, 256], strides = [1, 1]} : vector<16x256xbf16> to vector<1x256xbf16>
      %add3A_308 = vector.broadcast %slice3A_307 : vector<1x256xbf16> to vector<256x256xbf16>
      %add3A_309 = arith.addf %convert_element_type3A_127, %add3A_308 : vector<256x256xbf16>
      %max3A_310 = vector.broadcast %scan3A : bf16 to vector<256x256xbf16>
      %max3A_311 = arith.maximumf %add3A_309, %max3A_310 : vector<256x256xbf16>
      %slice3A_312 = vector.extract_strided_slice %get3A_246 {offsets = [13, 0], sizes = [1, 256], strides = [1, 1]} : vector<16x256xbf16> to vector<1x256xbf16>
      %add3A_313 = vector.broadcast %slice3A_312 : vector<1x256xbf16> to vector<256x256xbf16>
      %add3A_314 = arith.addf %convert_element_type3A_127, %add3A_313 : vector<256x256xbf16>
      %max3A_315 = vector.broadcast %scan3A : bf16 to vector<256x256xbf16>
      %max3A_316 = arith.maximumf %add3A_314, %max3A_315 : vector<256x256xbf16>
      %slice3A_317 = vector.extract_strided_slice %get3A_246 {offsets = [14, 0], sizes = [1, 256], strides = [1, 1]} : vector<16x256xbf16> to vector<1x256xbf16>
      %add3A_318 = vector.broadcast %slice3A_317 : vector<1x256xbf16> to vector<256x256xbf16>
      %add3A_319 = arith.addf %convert_element_type3A_127, %add3A_318 : vector<256x256xbf16>
      %max3A_320 = vector.broadcast %scan3A : bf16 to vector<256x256xbf16>
      %max3A_321 = arith.maximumf %add3A_319, %max3A_320 : vector<256x256xbf16>
      %slice3A_322 = vector.extract_strided_slice %get3A_246 {offsets = [15, 0], sizes = [1, 256], strides = [1, 1]} : vector<16x256xbf16> to vector<1x256xbf16>
      %add3A_323 = vector.broadcast %slice3A_322 : vector<1x256xbf16> to vector<256x256xbf16>
      %add3A_324 = arith.addf %convert_element_type3A_127, %add3A_323 : vector<256x256xbf16>
      %max3A_325 = vector.broadcast %scan3A : bf16 to vector<256x256xbf16>
      %max3A_326 = arith.maximumf %add3A_324, %max3A_325 : vector<256x256xbf16>
      %concatenate3A_327 = tpu.concatenate %max3A_162, %max3A_167, %max3A_172, %max3A_177, %max3A_182, %max3A_187, %max3A_192, %max3A_197, %max3A_202, %max3A_207, %max3A_212, %max3A_217, %max3A_222, %max3A_227, %max3A_232, %max3A_237, %max3A_251, %max3A_256, %max3A_261, %max3A_266, %max3A_271, %max3A_276, %max3A_281, %max3A_286, %max3A_291, %max3A_296, %max3A_301, %max3A_306, %max3A_311, %max3A_316, %max3A_321, %max3A_326 in 1 : vector<256x256xbf16>, vector<256x256xbf16>, vector<256x256xbf16>, vector<256x256xbf16>, vector<256x256xbf16>, vector<256x256xbf16>, vector<256x256xbf16>, vector<256x256xbf16>, vector<256x256xbf16>, vector<256x256xbf16>, vector<256x256xbf16>, vector<256x256xbf16>, vector<256x256xbf16>, vector<256x256xbf16>, vector<256x256xbf16>, vector<256x256xbf16>, vector<256x256xbf16>, vector<256x256xbf16>, vector<256x256xbf16>, vector<256x256xbf16>, vector<256x256xbf16>, vector<256x256xbf16>, vector<256x256xbf16>, vector<256x256xbf16>, vector<256x256xbf16>, vector<256x256xbf16>, vector<256x256xbf16>, vector<256x256xbf16>, vector<256x256xbf16>, vector<256x256xbf16>, vector<256x256xbf16>, vector<256x256xbf16> -> vector<256x8192xbf16>
      %mul3A_328 = arith.constant 256 : i32
      %mul3A_329 = arith.muli %scan3A_148, %mul3A_328 : i32
      %add3A_330 = arith.constant 32 : i32
      %add3A_331 = arith.addi %mul3A_329, %add3A_330 : i32
      %add3A_332 = arith.constant 0 : i32
      %add3A_333 = arith.addi %add3A_331, %add3A_332 : i32
      %get3A_334 = arith.index_cast %add3A_333 : i32 to index
      %get3A_335 = arith.constant 0 : index
      %get3A_336 = vector.load %arg17[%get3A_334, %get3A_335] : memref<1024x256xbf16, #tpu.memory_space<vmem>>, vector<16x256xbf16>
      %slice3A_337 = vector.extract_strided_slice %get3A_336 {offsets = [0, 0], sizes = [1, 256], strides = [1, 1]} : vector<16x256xbf16> to vector<1x256xbf16>
      %add3A_338 = vector.broadcast %slice3A_337 : vector<1x256xbf16> to vector<256x256xbf16>
      %add3A_339 = arith.addf %convert_element_type3A_127, %add3A_338 : vector<256x256xbf16>
      %max3A_340 = vector.broadcast %scan3A : bf16 to vector<256x256xbf16>
      %max3A_341 = arith.maximumf %add3A_339, %max3A_340 : vector<256x256xbf16>
      %slice3A_342 = vector.extract_strided_slice %get3A_336 {offsets = [1, 0], sizes = [1, 256], strides = [1, 1]} : vector<16x256xbf16> to vector<1x256xbf16>
      %add3A_343 = vector.broadcast %slice3A_342 : vector<1x256xbf16> to vector<256x256xbf16>
      %add3A_344 = arith.addf %convert_element_type3A_127, %add3A_343 : vector<256x256xbf16>
      %max3A_345 = vector.broadcast %scan3A : bf16 to vector<256x256xbf16>
      %max3A_346 = arith.maximumf %add3A_344, %max3A_345 : vector<256x256xbf16>
      %slice3A_347 = vector.extract_strided_slice %get3A_336 {offsets = [2, 0], sizes = [1, 256], strides = [1, 1]} : vector<16x256xbf16> to vector<1x256xbf16>
      %add3A_348 = vector.broadcast %slice3A_347 : vector<1x256xbf16> to vector<256x256xbf16>
      %add3A_349 = arith.addf %convert_element_type3A_127, %add3A_348 : vector<256x256xbf16>
      %max3A_350 = vector.broadcast %scan3A : bf16 to vector<256x256xbf16>
      %max3A_351 = arith.maximumf %add3A_349, %max3A_350 : vector<256x256xbf16>
      %slice3A_352 = vector.extract_strided_slice %get3A_336 {offsets = [3, 0], sizes = [1, 256], strides = [1, 1]} : vector<16x256xbf16> to vector<1x256xbf16>
      %add3A_353 = vector.broadcast %slice3A_352 : vector<1x256xbf16> to vector<256x256xbf16>
      %add3A_354 = arith.addf %convert_element_type3A_127, %add3A_353 : vector<256x256xbf16>
      %max3A_355 = vector.broadcast %scan3A : bf16 to vector<256x256xbf16>
      %max3A_356 = arith.maximumf %add3A_354, %max3A_355 : vector<256x256xbf16>
      %slice3A_357 = vector.extract_strided_slice %get3A_336 {offsets = [4, 0], sizes = [1, 256], strides = [1, 1]} : vector<16x256xbf16> to vector<1x256xbf16>
      %add3A_358 = vector.broadcast %slice3A_357 : vector<1x256xbf16> to vector<256x256xbf16>
      %add3A_359 = arith.addf %convert_element_type3A_127, %add3A_358 : vector<256x256xbf16>
      %max3A_360 = vector.broadcast %scan3A : bf16 to vector<256x256xbf16>
      %max3A_361 = arith.maximumf %add3A_359, %max3A_360 : vector<256x256xbf16>
      %slice3A_362 = vector.extract_strided_slice %get3A_336 {offsets = [5, 0], sizes = [1, 256], strides = [1, 1]} : vector<16x256xbf16> to vector<1x256xbf16>
      %add3A_363 = vector.broadcast %slice3A_362 : vector<1x256xbf16> to vector<256x256xbf16>
      %add3A_364 = arith.addf %convert_element_type3A_127, %add3A_363 : vector<256x256xbf16>
      %max3A_365 = vector.broadcast %scan3A : bf16 to vector<256x256xbf16>
      %max3A_366 = arith.maximumf %add3A_364, %max3A_365 : vector<256x256xbf16>
      %slice3A_367 = vector.extract_strided_slice %get3A_336 {offsets = [6, 0], sizes = [1, 256], strides = [1, 1]} : vector<16x256xbf16> to vector<1x256xbf16>
      %add3A_368 = vector.broadcast %slice3A_367 : vector<1x256xbf16> to vector<256x256xbf16>
      %add3A_369 = arith.addf %convert_element_type3A_127, %add3A_368 : vector<256x256xbf16>
      %max3A_370 = vector.broadcast %scan3A : bf16 to vector<256x256xbf16>
      %max3A_371 = arith.maximumf %add3A_369, %max3A_370 : vector<256x256xbf16>
      %slice3A_372 = vector.extract_strided_slice %get3A_336 {offsets = [7, 0], sizes = [1, 256], strides = [1, 1]} : vector<16x256xbf16> to vector<1x256xbf16>
      %add3A_373 = vector.broadcast %slice3A_372 : vector<1x256xbf16> to vector<256x256xbf16>
      %add3A_374 = arith.addf %convert_element_type3A_127, %add3A_373 : vector<256x256xbf16>
      %max3A_375 = vector.broadcast %scan3A : bf16 to vector<256x256xbf16>
      %max3A_376 = arith.maximumf %add3A_374, %max3A_375 : vector<256x256xbf16>
      %slice3A_377 = vector.extract_strided_slice %get3A_336 {offsets = [8, 0], sizes = [1, 256], strides = [1, 1]} : vector<16x256xbf16> to vector<1x256xbf16>
      %add3A_378 = vector.broadcast %slice3A_377 : vector<1x256xbf16> to vector<256x256xbf16>
      %add3A_379 = arith.addf %convert_element_type3A_127, %add3A_378 : vector<256x256xbf16>
      %max3A_380 = vector.broadcast %scan3A : bf16 to vector<256x256xbf16>
      %max3A_381 = arith.maximumf %add3A_379, %max3A_380 : vector<256x256xbf16>
      %slice3A_382 = vector.extract_strided_slice %get3A_336 {offsets = [9, 0], sizes = [1, 256], strides = [1, 1]} : vector<16x256xbf16> to vector<1x256xbf16>
      %add3A_383 = vector.broadcast %slice3A_382 : vector<1x256xbf16> to vector<256x256xbf16>
      %add3A_384 = arith.addf %convert_element_type3A_127, %add3A_383 : vector<256x256xbf16>
      %max3A_385 = vector.broadcast %scan3A : bf16 to vector<256x256xbf16>
      %max3A_386 = arith.maximumf %add3A_384, %max3A_385 : vector<256x256xbf16>
      %slice3A_387 = vector.extract_strided_slice %get3A_336 {offsets = [10, 0], sizes = [1, 256], strides = [1, 1]} : vector<16x256xbf16> to vector<1x256xbf16>
      %add3A_388 = vector.broadcast %slice3A_387 : vector<1x256xbf16> to vector<256x256xbf16>
      %add3A_389 = arith.addf %convert_element_type3A_127, %add3A_388 : vector<256x256xbf16>
      %max3A_390 = vector.broadcast %scan3A : bf16 to vector<256x256xbf16>
      %max3A_391 = arith.maximumf %add3A_389, %max3A_390 : vector<256x256xbf16>
      %slice3A_392 = vector.extract_strided_slice %get3A_336 {offsets = [11, 0], sizes = [1, 256], strides = [1, 1]} : vector<16x256xbf16> to vector<1x256xbf16>
      %add3A_393 = vector.broadcast %slice3A_392 : vector<1x256xbf16> to vector<256x256xbf16>
      %add3A_394 = arith.addf %convert_element_type3A_127, %add3A_393 : vector<256x256xbf16>
      %max3A_395 = vector.broadcast %scan3A : bf16 to vector<256x256xbf16>
      %max3A_396 = arith.maximumf %add3A_394, %max3A_395 : vector<256x256xbf16>
      %slice3A_397 = vector.extract_strided_slice %get3A_336 {offsets = [12, 0], sizes = [1, 256], strides = [1, 1]} : vector<16x256xbf16> to vector<1x256xbf16>
      %add3A_398 = vector.broadcast %slice3A_397 : vector<1x256xbf16> to vector<256x256xbf16>
      %add3A_399 = arith.addf %convert_element_type3A_127, %add3A_398 : vector<256x256xbf16>
      %max3A_400 = vector.broadcast %scan3A : bf16 to vector<256x256xbf16>
      %max3A_401 = arith.maximumf %add3A_399, %max3A_400 : vector<256x256xbf16>
      %slice3A_402 = vector.extract_strided_slice %get3A_336 {offsets = [13, 0], sizes = [1, 256], strides = [1, 1]} : vector<16x256xbf16> to vector<1x256xbf16>
      %add3A_403 = vector.broadcast %slice3A_402 : vector<1x256xbf16> to vector<256x256xbf16>
      %add3A_404 = arith.addf %convert_element_type3A_127, %add3A_403 : vector<256x256xbf16>
      %max3A_405 = vector.broadcast %scan3A : bf16 to vector<256x256xbf16>
      %max3A_406 = arith.maximumf %add3A_404, %max3A_405 : vector<256x256xbf16>
      %slice3A_407 = vector.extract_strided_slice %get3A_336 {offsets = [14, 0], sizes = [1, 256], strides = [1, 1]} : vector<16x256xbf16> to vector<1x256xbf16>
      %add3A_408 = vector.broadcast %slice3A_407 : vector<1x256xbf16> to vector<256x256xbf16>
      %add3A_409 = arith.addf %convert_element_type3A_127, %add3A_408 : vector<256x256xbf16>
      %max3A_410 = vector.broadcast %scan3A : bf16 to vector<256x256xbf16>
      %max3A_411 = arith.maximumf %add3A_409, %max3A_410 : vector<256x256xbf16>
      %slice3A_412 = vector.extract_strided_slice %get3A_336 {offsets = [15, 0], sizes = [1, 256], strides = [1, 1]} : vector<16x256xbf16> to vector<1x256xbf16>
      %add3A_413 = vector.broadcast %slice3A_412 : vector<1x256xbf16> to vector<256x256xbf16>
      %add3A_414 = arith.addf %convert_element_type3A_127, %add3A_413 : vector<256x256xbf16>
      %max3A_415 = vector.broadcast %scan3A : bf16 to vector<256x256xbf16>
      %max3A_416 = arith.maximumf %add3A_414, %max3A_415 : vector<256x256xbf16>
      %mul3A_417 = arith.constant 256 : i32
      %mul3A_418 = arith.muli %scan3A_148, %mul3A_417 : i32
      %add3A_419 = arith.constant 32 : i32
      %add3A_420 = arith.addi %mul3A_418, %add3A_419 : i32
      %add3A_421 = arith.constant 16 : i32
      %add3A_422 = arith.addi %add3A_420, %add3A_421 : i32
      %get3A_423 = arith.index_cast %add3A_422 : i32 to index
      %get3A_424 = arith.constant 0 : index
      %get3A_425 = vector.load %arg17[%get3A_423, %get3A_424] : memref<1024x256xbf16, #tpu.memory_space<vmem>>, vector<16x256xbf16>
      %slice3A_426 = vector.extract_strided_slice %get3A_425 {offsets = [0, 0], sizes = [1, 256], strides = [1, 1]} : vector<16x256xbf16> to vector<1x256xbf16>
      %add3A_427 = vector.broadcast %slice3A_426 : vector<1x256xbf16> to vector<256x256xbf16>
      %add3A_428 = arith.addf %convert_element_type3A_127, %add3A_427 : vector<256x256xbf16>
      %max3A_429 = vector.broadcast %scan3A : bf16 to vector<256x256xbf16>
      %max3A_430 = arith.maximumf %add3A_428, %max3A_429 : vector<256x256xbf16>
      %slice3A_431 = vector.extract_strided_slice %get3A_425 {offsets = [1, 0], sizes = [1, 256], strides = [1, 1]} : vector<16x256xbf16> to vector<1x256xbf16>
      %add3A_432 = vector.broadcast %slice3A_431 : vector<1x256xbf16> to vector<256x256xbf16>
      %add3A_433 = arith.addf %convert_element_type3A_127, %add3A_432 : vector<256x256xbf16>
      %max3A_434 = vector.broadcast %scan3A : bf16 to vector<256x256xbf16>
      %max3A_435 = arith.maximumf %add3A_433, %max3A_434 : vector<256x256xbf16>
      %slice3A_436 = vector.extract_strided_slice %get3A_425 {offsets = [2, 0], sizes = [1, 256], strides = [1, 1]} : vector<16x256xbf16> to vector<1x256xbf16>
      %add3A_437 = vector.broadcast %slice3A_436 : vector<1x256xbf16> to vector<256x256xbf16>
      %add3A_438 = arith.addf %convert_element_type3A_127, %add3A_437 : vector<256x256xbf16>
      %max3A_439 = vector.broadcast %scan3A : bf16 to vector<256x256xbf16>
      %max3A_440 = arith.maximumf %add3A_438, %max3A_439 : vector<256x256xbf16>
      %slice3A_441 = vector.extract_strided_slice %get3A_425 {offsets = [3, 0], sizes = [1, 256], strides = [1, 1]} : vector<16x256xbf16> to vector<1x256xbf16>
      %add3A_442 = vector.broadcast %slice3A_441 : vector<1x256xbf16> to vector<256x256xbf16>
      %add3A_443 = arith.addf %convert_element_type3A_127, %add3A_442 : vector<256x256xbf16>
      %max3A_444 = vector.broadcast %scan3A : bf16 to vector<256x256xbf16>
      %max3A_445 = arith.maximumf %add3A_443, %max3A_444 : vector<256x256xbf16>
      %slice3A_446 = vector.extract_strided_slice %get3A_425 {offsets = [4, 0], sizes = [1, 256], strides = [1, 1]} : vector<16x256xbf16> to vector<1x256xbf16>
      %add3A_447 = vector.broadcast %slice3A_446 : vector<1x256xbf16> to vector<256x256xbf16>
      %add3A_448 = arith.addf %convert_element_type3A_127, %add3A_447 : vector<256x256xbf16>
      %max3A_449 = vector.broadcast %scan3A : bf16 to vector<256x256xbf16>
      %max3A_450 = arith.maximumf %add3A_448, %max3A_449 : vector<256x256xbf16>
      %slice3A_451 = vector.extract_strided_slice %get3A_425 {offsets = [5, 0], sizes = [1, 256], strides = [1, 1]} : vector<16x256xbf16> to vector<1x256xbf16>
      %add3A_452 = vector.broadcast %slice3A_451 : vector<1x256xbf16> to vector<256x256xbf16>
      %add3A_453 = arith.addf %convert_element_type3A_127, %add3A_452 : vector<256x256xbf16>
      %max3A_454 = vector.broadcast %scan3A : bf16 to vector<256x256xbf16>
      %max3A_455 = arith.maximumf %add3A_453, %max3A_454 : vector<256x256xbf16>
      %slice3A_456 = vector.extract_strided_slice %get3A_425 {offsets = [6, 0], sizes = [1, 256], strides = [1, 1]} : vector<16x256xbf16> to vector<1x256xbf16>
      %add3A_457 = vector.broadcast %slice3A_456 : vector<1x256xbf16> to vector<256x256xbf16>
      %add3A_458 = arith.addf %convert_element_type3A_127, %add3A_457 : vector<256x256xbf16>
      %max3A_459 = vector.broadcast %scan3A : bf16 to vector<256x256xbf16>
      %max3A_460 = arith.maximumf %add3A_458, %max3A_459 : vector<256x256xbf16>
      %slice3A_461 = vector.extract_strided_slice %get3A_425 {offsets = [7, 0], sizes = [1, 256], strides = [1, 1]} : vector<16x256xbf16> to vector<1x256xbf16>
      %add3A_462 = vector.broadcast %slice3A_461 : vector<1x256xbf16> to vector<256x256xbf16>
      %add3A_463 = arith.addf %convert_element_type3A_127, %add3A_462 : vector<256x256xbf16>
      %max3A_464 = vector.broadcast %scan3A : bf16 to vector<256x256xbf16>
      %max3A_465 = arith.maximumf %add3A_463, %max3A_464 : vector<256x256xbf16>
      %slice3A_466 = vector.extract_strided_slice %get3A_425 {offsets = [8, 0], sizes = [1, 256], strides = [1, 1]} : vector<16x256xbf16> to vector<1x256xbf16>
      %add3A_467 = vector.broadcast %slice3A_466 : vector<1x256xbf16> to vector<256x256xbf16>
      %add3A_468 = arith.addf %convert_element_type3A_127, %add3A_467 : vector<256x256xbf16>
      %max3A_469 = vector.broadcast %scan3A : bf16 to vector<256x256xbf16>
      %max3A_470 = arith.maximumf %add3A_468, %max3A_469 : vector<256x256xbf16>
      %slice3A_471 = vector.extract_strided_slice %get3A_425 {offsets = [9, 0], sizes = [1, 256], strides = [1, 1]} : vector<16x256xbf16> to vector<1x256xbf16>
      %add3A_472 = vector.broadcast %slice3A_471 : vector<1x256xbf16> to vector<256x256xbf16>
      %add3A_473 = arith.addf %convert_element_type3A_127, %add3A_472 : vector<256x256xbf16>
      %max3A_474 = vector.broadcast %scan3A : bf16 to vector<256x256xbf16>
      %max3A_475 = arith.maximumf %add3A_473, %max3A_474 : vector<256x256xbf16>
      %slice3A_476 = vector.extract_strided_slice %get3A_425 {offsets = [10, 0], sizes = [1, 256], strides = [1, 1]} : vector<16x256xbf16> to vector<1x256xbf16>
      %add3A_477 = vector.broadcast %slice3A_476 : vector<1x256xbf16> to vector<256x256xbf16>
      %add3A_478 = arith.addf %convert_element_type3A_127, %add3A_477 : vector<256x256xbf16>
      %max3A_479 = vector.broadcast %scan3A : bf16 to vector<256x256xbf16>
      %max3A_480 = arith.maximumf %add3A_478, %max3A_479 : vector<256x256xbf16>
      %slice3A_481 = vector.extract_strided_slice %get3A_425 {offsets = [11, 0], sizes = [1, 256], strides = [1, 1]} : vector<16x256xbf16> to vector<1x256xbf16>
      %add3A_482 = vector.broadcast %slice3A_481 : vector<1x256xbf16> to vector<256x256xbf16>
      %add3A_483 = arith.addf %convert_element_type3A_127, %add3A_482 : vector<256x256xbf16>
      %max3A_484 = vector.broadcast %scan3A : bf16 to vector<256x256xbf16>
      %max3A_485 = arith.maximumf %add3A_483, %max3A_484 : vector<256x256xbf16>
      %slice3A_486 = vector.extract_strided_slice %get3A_425 {offsets = [12, 0], sizes = [1, 256], strides = [1, 1]} : vector<16x256xbf16> to vector<1x256xbf16>
      %add3A_487 = vector.broadcast %slice3A_486 : vector<1x256xbf16> to vector<256x256xbf16>
      %add3A_488 = arith.addf %convert_element_type3A_127, %add3A_487 : vector<256x256xbf16>
      %max3A_489 = vector.broadcast %scan3A : bf16 to vector<256x256xbf16>
      %max3A_490 = arith.maximumf %add3A_488, %max3A_489 : vector<256x256xbf16>
      %slice3A_491 = vector.extract_strided_slice %get3A_425 {offsets = [13, 0], sizes = [1, 256], strides = [1, 1]} : vector<16x256xbf16> to vector<1x256xbf16>
      %add3A_492 = vector.broadcast %slice3A_491 : vector<1x256xbf16> to vector<256x256xbf16>
      %add3A_493 = arith.addf %convert_element_type3A_127, %add3A_492 : vector<256x256xbf16>
      %max3A_494 = vector.broadcast %scan3A : bf16 to vector<256x256xbf16>
      %max3A_495 = arith.maximumf %add3A_493, %max3A_494 : vector<256x256xbf16>
      %slice3A_496 = vector.extract_strided_slice %get3A_425 {offsets = [14, 0], sizes = [1, 256], strides = [1, 1]} : vector<16x256xbf16> to vector<1x256xbf16>
      %add3A_497 = vector.broadcast %slice3A_496 : vector<1x256xbf16> to vector<256x256xbf16>
      %add3A_498 = arith.addf %convert_element_type3A_127, %add3A_497 : vector<256x256xbf16>
      %max3A_499 = vector.broadcast %scan3A : bf16 to vector<256x256xbf16>
      %max3A_500 = arith.maximumf %add3A_498, %max3A_499 : vector<256x256xbf16>
      %slice3A_501 = vector.extract_strided_slice %get3A_425 {offsets = [15, 0], sizes = [1, 256], strides = [1, 1]} : vector<16x256xbf16> to vector<1x256xbf16>
      %add3A_502 = vector.broadcast %slice3A_501 : vector<1x256xbf16> to vector<256x256xbf16>
      %add3A_503 = arith.addf %convert_element_type3A_127, %add3A_502 : vector<256x256xbf16>
      %max3A_504 = vector.broadcast %scan3A : bf16 to vector<256x256xbf16>
      %max3A_505 = arith.maximumf %add3A_503, %max3A_504 : vector<256x256xbf16>
      %concatenate3A_506 = tpu.concatenate %max3A_341, %max3A_346, %max3A_351, %max3A_356, %max3A_361, %max3A_366, %max3A_371, %max3A_376, %max3A_381, %max3A_386, %max3A_391, %max3A_396, %max3A_401, %max3A_406, %max3A_411, %max3A_416, %max3A_430, %max3A_435, %max3A_440, %max3A_445, %max3A_450, %max3A_455, %max3A_460, %max3A_465, %max3A_470, %max3A_475, %max3A_480, %max3A_485, %max3A_490, %max3A_495, %max3A_500, %max3A_505 in 1 : vector<256x256xbf16>, vector<256x256xbf16>, vector<256x256xbf16>, vector<256x256xbf16>, vector<256x256xbf16>, vector<256x256xbf16>, vector<256x256xbf16>, vector<256x256xbf16>, vector<256x256xbf16>, vector<256x256xbf16>, vector<256x256xbf16>, vector<256x256xbf16>, vector<256x256xbf16>, vector<256x256xbf16>, vector<256x256xbf16>, vector<256x256xbf16>, vector<256x256xbf16>, vector<256x256xbf16>, vector<256x256xbf16>, vector<256x256xbf16>, vector<256x256xbf16>, vector<256x256xbf16>, vector<256x256xbf16>, vector<256x256xbf16>, vector<256x256xbf16>, vector<256x256xbf16>, vector<256x256xbf16>, vector<256x256xbf16>, vector<256x256xbf16>, vector<256x256xbf16>, vector<256x256xbf16>, vector<256x256xbf16> -> vector<256x8192xbf16>
      %mul3A_507 = arith.constant 256 : i32
      %mul3A_508 = arith.muli %scan3A_148, %mul3A_507 : i32
      %add3A_509 = arith.constant 64 : i32
      %add3A_510 = arith.addi %mul3A_508, %add3A_509 : i32
      %add3A_511 = arith.constant 0 : i32
      %add3A_512 = arith.addi %add3A_510, %add3A_511 : i32
      %get3A_513 = arith.index_cast %add3A_512 : i32 to index
      %get3A_514 = arith.constant 0 : index
      %get3A_515 = vector.load %arg17[%get3A_513, %get3A_514] : memref<1024x256xbf16, #tpu.memory_space<vmem>>, vector<16x256xbf16>
      %slice3A_516 = vector.extract_strided_slice %get3A_515 {offsets = [0, 0], sizes = [1, 256], strides = [1, 1]} : vector<16x256xbf16> to vector<1x256xbf16>
      %add3A_517 = vector.broadcast %slice3A_516 : vector<1x256xbf16> to vector<256x256xbf16>
      %add3A_518 = arith.addf %convert_element_type3A_127, %add3A_517 : vector<256x256xbf16>
      %max3A_519 = vector.broadcast %scan3A : bf16 to vector<256x256xbf16>
      %max3A_520 = arith.maximumf %add3A_518, %max3A_519 : vector<256x256xbf16>
      %slice3A_521 = vector.extract_strided_slice %get3A_515 {offsets = [1, 0], sizes = [1, 256], strides = [1, 1]} : vector<16x256xbf16> to vector<1x256xbf16>
      %add3A_522 = vector.broadcast %slice3A_521 : vector<1x256xbf16> to vector<256x256xbf16>
      %add3A_523 = arith.addf %convert_element_type3A_127, %add3A_522 : vector<256x256xbf16>
      %max3A_524 = vector.broadcast %scan3A : bf16 to vector<256x256xbf16>
      %max3A_525 = arith.maximumf %add3A_523, %max3A_524 : vector<256x256xbf16>
      %slice3A_526 = vector.extract_strided_slice %get3A_515 {offsets = [2, 0], sizes = [1, 256], strides = [1, 1]} : vector<16x256xbf16> to vector<1x256xbf16>
      %add3A_527 = vector.broadcast %slice3A_526 : vector<1x256xbf16> to vector<256x256xbf16>
      %add3A_528 = arith.addf %convert_element_type3A_127, %add3A_527 : vector<256x256xbf16>
      %max3A_529 = vector.broadcast %scan3A : bf16 to vector<256x256xbf16>
      %max3A_530 = arith.maximumf %add3A_528, %max3A_529 : vector<256x256xbf16>
      %slice3A_531 = vector.extract_strided_slice %get3A_515 {offsets = [3, 0], sizes = [1, 256], strides = [1, 1]} : vector<16x256xbf16> to vector<1x256xbf16>
      %add3A_532 = vector.broadcast %slice3A_531 : vector<1x256xbf16> to vector<256x256xbf16>
      %add3A_533 = arith.addf %convert_element_type3A_127, %add3A_532 : vector<256x256xbf16>
      %max3A_534 = vector.broadcast %scan3A : bf16 to vector<256x256xbf16>
      %max3A_535 = arith.maximumf %add3A_533, %max3A_534 : vector<256x256xbf16>
      %slice3A_536 = vector.extract_strided_slice %get3A_515 {offsets = [4, 0], sizes = [1, 256], strides = [1, 1]} : vector<16x256xbf16> to vector<1x256xbf16>
      %add3A_537 = vector.broadcast %slice3A_536 : vector<1x256xbf16> to vector<256x256xbf16>
      %add3A_538 = arith.addf %convert_element_type3A_127, %add3A_537 : vector<256x256xbf16>
      %max3A_539 = vector.broadcast %scan3A : bf16 to vector<256x256xbf16>
      %max3A_540 = arith.maximumf %add3A_538, %max3A_539 : vector<256x256xbf16>
      %slice3A_541 = vector.extract_strided_slice %get3A_515 {offsets = [5, 0], sizes = [1, 256], strides = [1, 1]} : vector<16x256xbf16> to vector<1x256xbf16>
      %add3A_542 = vector.broadcast %slice3A_541 : vector<1x256xbf16> to vector<256x256xbf16>
      %add3A_543 = arith.addf %convert_element_type3A_127, %add3A_542 : vector<256x256xbf16>
      %max3A_544 = vector.broadcast %scan3A : bf16 to vector<256x256xbf16>
      %max3A_545 = arith.maximumf %add3A_543, %max3A_544 : vector<256x256xbf16>
      %slice3A_546 = vector.extract_strided_slice %get3A_515 {offsets = [6, 0], sizes = [1, 256], strides = [1, 1]} : vector<16x256xbf16> to vector<1x256xbf16>
      %add3A_547 = vector.broadcast %slice3A_546 : vector<1x256xbf16> to vector<256x256xbf16>
      %add3A_548 = arith.addf %convert_element_type3A_127, %add3A_547 : vector<256x256xbf16>
      %max3A_549 = vector.broadcast %scan3A : bf16 to vector<256x256xbf16>
      %max3A_550 = arith.maximumf %add3A_548, %max3A_549 : vector<256x256xbf16>
      %slice3A_551 = vector.extract_strided_slice %get3A_515 {offsets = [7, 0], sizes = [1, 256], strides = [1, 1]} : vector<16x256xbf16> to vector<1x256xbf16>
      %add3A_552 = vector.broadcast %slice3A_551 : vector<1x256xbf16> to vector<256x256xbf16>
      %add3A_553 = arith.addf %convert_element_type3A_127, %add3A_552 : vector<256x256xbf16>
      %max3A_554 = vector.broadcast %scan3A : bf16 to vector<256x256xbf16>
      %max3A_555 = arith.maximumf %add3A_553, %max3A_554 : vector<256x256xbf16>
      %slice3A_556 = vector.extract_strided_slice %get3A_515 {offsets = [8, 0], sizes = [1, 256], strides = [1, 1]} : vector<16x256xbf16> to vector<1x256xbf16>
      %add3A_557 = vector.broadcast %slice3A_556 : vector<1x256xbf16> to vector<256x256xbf16>
      %add3A_558 = arith.addf %convert_element_type3A_127, %add3A_557 : vector<256x256xbf16>
      %max3A_559 = vector.broadcast %scan3A : bf16 to vector<256x256xbf16>
      %max3A_560 = arith.maximumf %add3A_558, %max3A_559 : vector<256x256xbf16>
      %slice3A_561 = vector.extract_strided_slice %get3A_515 {offsets = [9, 0], sizes = [1, 256], strides = [1, 1]} : vector<16x256xbf16> to vector<1x256xbf16>
      %add3A_562 = vector.broadcast %slice3A_561 : vector<1x256xbf16> to vector<256x256xbf16>
      %add3A_563 = arith.addf %convert_element_type3A_127, %add3A_562 : vector<256x256xbf16>
      %max3A_564 = vector.broadcast %scan3A : bf16 to vector<256x256xbf16>
      %max3A_565 = arith.maximumf %add3A_563, %max3A_564 : vector<256x256xbf16>
      %slice3A_566 = vector.extract_strided_slice %get3A_515 {offsets = [10, 0], sizes = [1, 256], strides = [1, 1]} : vector<16x256xbf16> to vector<1x256xbf16>
      %add3A_567 = vector.broadcast %slice3A_566 : vector<1x256xbf16> to vector<256x256xbf16>
      %add3A_568 = arith.addf %convert_element_type3A_127, %add3A_567 : vector<256x256xbf16>
      %max3A_569 = vector.broadcast %scan3A : bf16 to vector<256x256xbf16>
      %max3A_570 = arith.maximumf %add3A_568, %max3A_569 : vector<256x256xbf16>
      %slice3A_571 = vector.extract_strided_slice %get3A_515 {offsets = [11, 0], sizes = [1, 256], strides = [1, 1]} : vector<16x256xbf16> to vector<1x256xbf16>
      %add3A_572 = vector.broadcast %slice3A_571 : vector<1x256xbf16> to vector<256x256xbf16>
      %add3A_573 = arith.addf %convert_element_type3A_127, %add3A_572 : vector<256x256xbf16>
      %max3A_574 = vector.broadcast %scan3A : bf16 to vector<256x256xbf16>
      %max3A_575 = arith.maximumf %add3A_573, %max3A_574 : vector<256x256xbf16>
      %slice3A_576 = vector.extract_strided_slice %get3A_515 {offsets = [12, 0], sizes = [1, 256], strides = [1, 1]} : vector<16x256xbf16> to vector<1x256xbf16>
      %add3A_577 = vector.broadcast %slice3A_576 : vector<1x256xbf16> to vector<256x256xbf16>
      %add3A_578 = arith.addf %convert_element_type3A_127, %add3A_577 : vector<256x256xbf16>
      %max3A_579 = vector.broadcast %scan3A : bf16 to vector<256x256xbf16>
      %max3A_580 = arith.maximumf %add3A_578, %max3A_579 : vector<256x256xbf16>
      %slice3A_581 = vector.extract_strided_slice %get3A_515 {offsets = [13, 0], sizes = [1, 256], strides = [1, 1]} : vector<16x256xbf16> to vector<1x256xbf16>
      %add3A_582 = vector.broadcast %slice3A_581 : vector<1x256xbf16> to vector<256x256xbf16>
      %add3A_583 = arith.addf %convert_element_type3A_127, %add3A_582 : vector<256x256xbf16>
      %max3A_584 = vector.broadcast %scan3A : bf16 to vector<256x256xbf16>
      %max3A_585 = arith.maximumf %add3A_583, %max3A_584 : vector<256x256xbf16>
      %slice3A_586 = vector.extract_strided_slice %get3A_515 {offsets = [14, 0], sizes = [1, 256], strides = [1, 1]} : vector<16x256xbf16> to vector<1x256xbf16>
      %add3A_587 = vector.broadcast %slice3A_586 : vector<1x256xbf16> to vector<256x256xbf16>
      %add3A_588 = arith.addf %convert_element_type3A_127, %add3A_587 : vector<256x256xbf16>
      %max3A_589 = vector.broadcast %scan3A : bf16 to vector<256x256xbf16>
      %max3A_590 = arith.maximumf %add3A_588, %max3A_589 : vector<256x256xbf16>
      %slice3A_591 = vector.extract_strided_slice %get3A_515 {offsets = [15, 0], sizes = [1, 256], strides = [1, 1]} : vector<16x256xbf16> to vector<1x256xbf16>
      %add3A_592 = vector.broadcast %slice3A_591 : vector<1x256xbf16> to vector<256x256xbf16>
      %add3A_593 = arith.addf %convert_element_type3A_127, %add3A_592 : vector<256x256xbf16>
      %max3A_594 = vector.broadcast %scan3A : bf16 to vector<256x256xbf16>
      %max3A_595 = arith.maximumf %add3A_593, %max3A_594 : vector<256x256xbf16>
      %mul3A_596 = arith.constant 256 : i32
      %mul3A_597 = arith.muli %scan3A_148, %mul3A_596 : i32
      %add3A_598 = arith.constant 64 : i32
      %add3A_599 = arith.addi %mul3A_597, %add3A_598 : i32
      %add3A_600 = arith.constant 16 : i32
      %add3A_601 = arith.addi %add3A_599, %add3A_600 : i32
      %get3A_602 = arith.index_cast %add3A_601 : i32 to index
      %get3A_603 = arith.constant 0 : index
      %get3A_604 = vector.load %arg17[%get3A_602, %get3A_603] : memref<1024x256xbf16, #tpu.memory_space<vmem>>, vector<16x256xbf16>
      %slice3A_605 = vector.extract_strided_slice %get3A_604 {offsets = [0, 0], sizes = [1, 256], strides = [1, 1]} : vector<16x256xbf16> to vector<1x256xbf16>
      %add3A_606 = vector.broadcast %slice3A_605 : vector<1x256xbf16> to vector<256x256xbf16>
      %add3A_607 = arith.addf %convert_element_type3A_127, %add3A_606 : vector<256x256xbf16>
      %max3A_608 = vector.broadcast %scan3A : bf16 to vector<256x256xbf16>
      %max3A_609 = arith.maximumf %add3A_607, %max3A_608 : vector<256x256xbf16>
      %slice3A_610 = vector.extract_strided_slice %get3A_604 {offsets = [1, 0], sizes = [1, 256], strides = [1, 1]} : vector<16x256xbf16> to vector<1x256xbf16>
      %add3A_611 = vector.broadcast %slice3A_610 : vector<1x256xbf16> to vector<256x256xbf16>
      %add3A_612 = arith.addf %convert_element_type3A_127, %add3A_611 : vector<256x256xbf16>
      %max3A_613 = vector.broadcast %scan3A : bf16 to vector<256x256xbf16>
      %max3A_614 = arith.maximumf %add3A_612, %max3A_613 : vector<256x256xbf16>
      %slice3A_615 = vector.extract_strided_slice %get3A_604 {offsets = [2, 0], sizes = [1, 256], strides = [1, 1]} : vector<16x256xbf16> to vector<1x256xbf16>
      %add3A_616 = vector.broadcast %slice3A_615 : vector<1x256xbf16> to vector<256x256xbf16>
      %add3A_617 = arith.addf %convert_element_type3A_127, %add3A_616 : vector<256x256xbf16>
      %max3A_618 = vector.broadcast %scan3A : bf16 to vector<256x256xbf16>
      %max3A_619 = arith.maximumf %add3A_617, %max3A_618 : vector<256x256xbf16>
      %slice3A_620 = vector.extract_strided_slice %get3A_604 {offsets = [3, 0], sizes = [1, 256], strides = [1, 1]} : vector<16x256xbf16> to vector<1x256xbf16>
      %add3A_621 = vector.broadcast %slice3A_620 : vector<1x256xbf16> to vector<256x256xbf16>
      %add3A_622 = arith.addf %convert_element_type3A_127, %add3A_621 : vector<256x256xbf16>
      %max3A_623 = vector.broadcast %scan3A : bf16 to vector<256x256xbf16>
      %max3A_624 = arith.maximumf %add3A_622, %max3A_623 : vector<256x256xbf16>
      %slice3A_625 = vector.extract_strided_slice %get3A_604 {offsets = [4, 0], sizes = [1, 256], strides = [1, 1]} : vector<16x256xbf16> to vector<1x256xbf16>
      %add3A_626 = vector.broadcast %slice3A_625 : vector<1x256xbf16> to vector<256x256xbf16>
      %add3A_627 = arith.addf %convert_element_type3A_127, %add3A_626 : vector<256x256xbf16>
      %max3A_628 = vector.broadcast %scan3A : bf16 to vector<256x256xbf16>
      %max3A_629 = arith.maximumf %add3A_627, %max3A_628 : vector<256x256xbf16>
      %slice3A_630 = vector.extract_strided_slice %get3A_604 {offsets = [5, 0], sizes = [1, 256], strides = [1, 1]} : vector<16x256xbf16> to vector<1x256xbf16>
      %add3A_631 = vector.broadcast %slice3A_630 : vector<1x256xbf16> to vector<256x256xbf16>
      %add3A_632 = arith.addf %convert_element_type3A_127, %add3A_631 : vector<256x256xbf16>
      %max3A_633 = vector.broadcast %scan3A : bf16 to vector<256x256xbf16>
      %max3A_634 = arith.maximumf %add3A_632, %max3A_633 : vector<256x256xbf16>
      %slice3A_635 = vector.extract_strided_slice %get3A_604 {offsets = [6, 0], sizes = [1, 256], strides = [1, 1]} : vector<16x256xbf16> to vector<1x256xbf16>
      %add3A_636 = vector.broadcast %slice3A_635 : vector<1x256xbf16> to vector<256x256xbf16>
      %add3A_637 = arith.addf %convert_element_type3A_127, %add3A_636 : vector<256x256xbf16>
      %max3A_638 = vector.broadcast %scan3A : bf16 to vector<256x256xbf16>
      %max3A_639 = arith.maximumf %add3A_637, %max3A_638 : vector<256x256xbf16>
      %slice3A_640 = vector.extract_strided_slice %get3A_604 {offsets = [7, 0], sizes = [1, 256], strides = [1, 1]} : vector<16x256xbf16> to vector<1x256xbf16>
      %add3A_641 = vector.broadcast %slice3A_640 : vector<1x256xbf16> to vector<256x256xbf16>
      %add3A_642 = arith.addf %convert_element_type3A_127, %add3A_641 : vector<256x256xbf16>
      %max3A_643 = vector.broadcast %scan3A : bf16 to vector<256x256xbf16>
      %max3A_644 = arith.maximumf %add3A_642, %max3A_643 : vector<256x256xbf16>
      %slice3A_645 = vector.extract_strided_slice %get3A_604 {offsets = [8, 0], sizes = [1, 256], strides = [1, 1]} : vector<16x256xbf16> to vector<1x256xbf16>
      %add3A_646 = vector.broadcast %slice3A_645 : vector<1x256xbf16> to vector<256x256xbf16>
      %add3A_647 = arith.addf %convert_element_type3A_127, %add3A_646 : vector<256x256xbf16>
      %max3A_648 = vector.broadcast %scan3A : bf16 to vector<256x256xbf16>
      %max3A_649 = arith.maximumf %add3A_647, %max3A_648 : vector<256x256xbf16>
      %slice3A_650 = vector.extract_strided_slice %get3A_604 {offsets = [9, 0], sizes = [1, 256], strides = [1, 1]} : vector<16x256xbf16> to vector<1x256xbf16>
      %add3A_651 = vector.broadcast %slice3A_650 : vector<1x256xbf16> to vector<256x256xbf16>
      %add3A_652 = arith.addf %convert_element_type3A_127, %add3A_651 : vector<256x256xbf16>
      %max3A_653 = vector.broadcast %scan3A : bf16 to vector<256x256xbf16>
      %max3A_654 = arith.maximumf %add3A_652, %max3A_653 : vector<256x256xbf16>
      %slice3A_655 = vector.extract_strided_slice %get3A_604 {offsets = [10, 0], sizes = [1, 256], strides = [1, 1]} : vector<16x256xbf16> to vector<1x256xbf16>
      %add3A_656 = vector.broadcast %slice3A_655 : vector<1x256xbf16> to vector<256x256xbf16>
      %add3A_657 = arith.addf %convert_element_type3A_127, %add3A_656 : vector<256x256xbf16>
      %max3A_658 = vector.broadcast %scan3A : bf16 to vector<256x256xbf16>
      %max3A_659 = arith.maximumf %add3A_657, %max3A_658 : vector<256x256xbf16>
      %slice3A_660 = vector.extract_strided_slice %get3A_604 {offsets = [11, 0], sizes = [1, 256], strides = [1, 1]} : vector<16x256xbf16> to vector<1x256xbf16>
      %add3A_661 = vector.broadcast %slice3A_660 : vector<1x256xbf16> to vector<256x256xbf16>
      %add3A_662 = arith.addf %convert_element_type3A_127, %add3A_661 : vector<256x256xbf16>
      %max3A_663 = vector.broadcast %scan3A : bf16 to vector<256x256xbf16>
      %max3A_664 = arith.maximumf %add3A_662, %max3A_663 : vector<256x256xbf16>
      %slice3A_665 = vector.extract_strided_slice %get3A_604 {offsets = [12, 0], sizes = [1, 256], strides = [1, 1]} : vector<16x256xbf16> to vector<1x256xbf16>
      %add3A_666 = vector.broadcast %slice3A_665 : vector<1x256xbf16> to vector<256x256xbf16>
      %add3A_667 = arith.addf %convert_element_type3A_127, %add3A_666 : vector<256x256xbf16>
      %max3A_668 = vector.broadcast %scan3A : bf16 to vector<256x256xbf16>
      %max3A_669 = arith.maximumf %add3A_667, %max3A_668 : vector<256x256xbf16>
      %slice3A_670 = vector.extract_strided_slice %get3A_604 {offsets = [13, 0], sizes = [1, 256], strides = [1, 1]} : vector<16x256xbf16> to vector<1x256xbf16>
      %add3A_671 = vector.broadcast %slice3A_670 : vector<1x256xbf16> to vector<256x256xbf16>
      %add3A_672 = arith.addf %convert_element_type3A_127, %add3A_671 : vector<256x256xbf16>
      %max3A_673 = vector.broadcast %scan3A : bf16 to vector<256x256xbf16>
      %max3A_674 = arith.maximumf %add3A_672, %max3A_673 : vector<256x256xbf16>
      %slice3A_675 = vector.extract_strided_slice %get3A_604 {offsets = [14, 0], sizes = [1, 256], strides = [1, 1]} : vector<16x256xbf16> to vector<1x256xbf16>
      %add3A_676 = vector.broadcast %slice3A_675 : vector<1x256xbf16> to vector<256x256xbf16>
      %add3A_677 = arith.addf %convert_element_type3A_127, %add3A_676 : vector<256x256xbf16>
      %max3A_678 = vector.broadcast %scan3A : bf16 to vector<256x256xbf16>
      %max3A_679 = arith.maximumf %add3A_677, %max3A_678 : vector<256x256xbf16>
      %slice3A_680 = vector.extract_strided_slice %get3A_604 {offsets = [15, 0], sizes = [1, 256], strides = [1, 1]} : vector<16x256xbf16> to vector<1x256xbf16>
      %add3A_681 = vector.broadcast %slice3A_680 : vector<1x256xbf16> to vector<256x256xbf16>
      %add3A_682 = arith.addf %convert_element_type3A_127, %add3A_681 : vector<256x256xbf16>
      %max3A_683 = vector.broadcast %scan3A : bf16 to vector<256x256xbf16>
      %max3A_684 = arith.maximumf %add3A_682, %max3A_683 : vector<256x256xbf16>
      %concatenate3A_685 = tpu.concatenate %max3A_520, %max3A_525, %max3A_530, %max3A_535, %max3A_540, %max3A_545, %max3A_550, %max3A_555, %max3A_560, %max3A_565, %max3A_570, %max3A_575, %max3A_580, %max3A_585, %max3A_590, %max3A_595, %max3A_609, %max3A_614, %max3A_619, %max3A_624, %max3A_629, %max3A_634, %max3A_639, %max3A_644, %max3A_649, %max3A_654, %max3A_659, %max3A_664, %max3A_669, %max3A_674, %max3A_679, %max3A_684 in 1 : vector<256x256xbf16>, vector<256x256xbf16>, vector<256x256xbf16>, vector<256x256xbf16>, vector<256x256xbf16>, vector<256x256xbf16>, vector<256x256xbf16>, vector<256x256xbf16>, vector<256x256xbf16>, vector<256x256xbf16>, vector<256x256xbf16>, vector<256x256xbf16>, vector<256x256xbf16>, vector<256x256xbf16>, vector<256x256xbf16>, vector<256x256xbf16>, vector<256x256xbf16>, vector<256x256xbf16>, vector<256x256xbf16>, vector<256x256xbf16>, vector<256x256xbf16>, vector<256x256xbf16>, vector<256x256xbf16>, vector<256x256xbf16>, vector<256x256xbf16>, vector<256x256xbf16>, vector<256x256xbf16>, vector<256x256xbf16>, vector<256x256xbf16>, vector<256x256xbf16>, vector<256x256xbf16>, vector<256x256xbf16> -> vector<256x8192xbf16>
      %mul3A_686 = arith.constant 256 : i32
      %mul3A_687 = arith.muli %scan3A_148, %mul3A_686 : i32
      %add3A_688 = arith.constant 96 : i32
      %add3A_689 = arith.addi %mul3A_687, %add3A_688 : i32
      %add3A_690 = arith.constant 0 : i32
      %add3A_691 = arith.addi %add3A_689, %add3A_690 : i32
      %get3A_692 = arith.index_cast %add3A_691 : i32 to index
      %get3A_693 = arith.constant 0 : index
      %get3A_694 = vector.load %arg17[%get3A_692, %get3A_693] : memref<1024x256xbf16, #tpu.memory_space<vmem>>, vector<16x256xbf16>
      %slice3A_695 = vector.extract_strided_slice %get3A_694 {offsets = [0, 0], sizes = [1, 256], strides = [1, 1]} : vector<16x256xbf16> to vector<1x256xbf16>
      %add3A_696 = vector.broadcast %slice3A_695 : vector<1x256xbf16> to vector<256x256xbf16>
      %add3A_697 = arith.addf %convert_element_type3A_127, %add3A_696 : vector<256x256xbf16>
      %max3A_698 = vector.broadcast %scan3A : bf16 to vector<256x256xbf16>
      %max3A_699 = arith.maximumf %add3A_697, %max3A_698 : vector<256x256xbf16>
      %slice3A_700 = vector.extract_strided_slice %get3A_694 {offsets = [1, 0], sizes = [1, 256], strides = [1, 1]} : vector<16x256xbf16> to vector<1x256xbf16>
      %add3A_701 = vector.broadcast %slice3A_700 : vector<1x256xbf16> to vector<256x256xbf16>
      %add3A_702 = arith.addf %convert_element_type3A_127, %add3A_701 : vector<256x256xbf16>
      %max3A_703 = vector.broadcast %scan3A : bf16 to vector<256x256xbf16>
      %max3A_704 = arith.maximumf %add3A_702, %max3A_703 : vector<256x256xbf16>
      %slice3A_705 = vector.extract_strided_slice %get3A_694 {offsets = [2, 0], sizes = [1, 256], strides = [1, 1]} : vector<16x256xbf16> to vector<1x256xbf16>
      %add3A_706 = vector.broadcast %slice3A_705 : vector<1x256xbf16> to vector<256x256xbf16>
      %add3A_707 = arith.addf %convert_element_type3A_127, %add3A_706 : vector<256x256xbf16>
      %max3A_708 = vector.broadcast %scan3A : bf16 to vector<256x256xbf16>
      %max3A_709 = arith.maximumf %add3A_707, %max3A_708 : vector<256x256xbf16>
      %slice3A_710 = vector.extract_strided_slice %get3A_694 {offsets = [3, 0], sizes = [1, 256], strides = [1, 1]} : vector<16x256xbf16> to vector<1x256xbf16>
      %add3A_711 = vector.broadcast %slice3A_710 : vector<1x256xbf16> to vector<256x256xbf16>
      %add3A_712 = arith.addf %convert_element_type3A_127, %add3A_711 : vector<256x256xbf16>
      %max3A_713 = vector.broadcast %scan3A : bf16 to vector<256x256xbf16>
      %max3A_714 = arith.maximumf %add3A_712, %max3A_713 : vector<256x256xbf16>
      %slice3A_715 = vector.extract_strided_slice %get3A_694 {offsets = [4, 0], sizes = [1, 256], strides = [1, 1]} : vector<16x256xbf16> to vector<1x256xbf16>
      %add3A_716 = vector.broadcast %slice3A_715 : vector<1x256xbf16> to vector<256x256xbf16>
      %add3A_717 = arith.addf %convert_element_type3A_127, %add3A_716 : vector<256x256xbf16>
      %max3A_718 = vector.broadcast %scan3A : bf16 to vector<256x256xbf16>
      %max3A_719 = arith.maximumf %add3A_717, %max3A_718 : vector<256x256xbf16>
      %slice3A_720 = vector.extract_strided_slice %get3A_694 {offsets = [5, 0], sizes = [1, 256], strides = [1, 1]} : vector<16x256xbf16> to vector<1x256xbf16>
      %add3A_721 = vector.broadcast %slice3A_720 : vector<1x256xbf16> to vector<256x256xbf16>
      %add3A_722 = arith.addf %convert_element_type3A_127, %add3A_721 : vector<256x256xbf16>
      %max3A_723 = vector.broadcast %scan3A : bf16 to vector<256x256xbf16>
      %max3A_724 = arith.maximumf %add3A_722, %max3A_723 : vector<256x256xbf16>
      %slice3A_725 = vector.extract_strided_slice %get3A_694 {offsets = [6, 0], sizes = [1, 256], strides = [1, 1]} : vector<16x256xbf16> to vector<1x256xbf16>
      %add3A_726 = vector.broadcast %slice3A_725 : vector<1x256xbf16> to vector<256x256xbf16>
      %add3A_727 = arith.addf %convert_element_type3A_127, %add3A_726 : vector<256x256xbf16>
      %max3A_728 = vector.broadcast %scan3A : bf16 to vector<256x256xbf16>
      %max3A_729 = arith.maximumf %add3A_727, %max3A_728 : vector<256x256xbf16>
      %slice3A_730 = vector.extract_strided_slice %get3A_694 {offsets = [7, 0], sizes = [1, 256], strides = [1, 1]} : vector<16x256xbf16> to vector<1x256xbf16>
      %add3A_731 = vector.broadcast %slice3A_730 : vector<1x256xbf16> to vector<256x256xbf16>
      %add3A_732 = arith.addf %convert_element_type3A_127, %add3A_731 : vector<256x256xbf16>
      %max3A_733 = vector.broadcast %scan3A : bf16 to vector<256x256xbf16>
      %max3A_734 = arith.maximumf %add3A_732, %max3A_733 : vector<256x256xbf16>
      %slice3A_735 = vector.extract_strided_slice %get3A_694 {offsets = [8, 0], sizes = [1, 256], strides = [1, 1]} : vector<16x256xbf16> to vector<1x256xbf16>
      %add3A_736 = vector.broadcast %slice3A_735 : vector<1x256xbf16> to vector<256x256xbf16>
      %add3A_737 = arith.addf %convert_element_type3A_127, %add3A_736 : vector<256x256xbf16>
      %max3A_738 = vector.broadcast %scan3A : bf16 to vector<256x256xbf16>
      %max3A_739 = arith.maximumf %add3A_737, %max3A_738 : vector<256x256xbf16>
      %slice3A_740 = vector.extract_strided_slice %get3A_694 {offsets = [9, 0], sizes = [1, 256], strides = [1, 1]} : vector<16x256xbf16> to vector<1x256xbf16>
      %add3A_741 = vector.broadcast %slice3A_740 : vector<1x256xbf16> to vector<256x256xbf16>
      %add3A_742 = arith.addf %convert_element_type3A_127, %add3A_741 : vector<256x256xbf16>
      %max3A_743 = vector.broadcast %scan3A : bf16 to vector<256x256xbf16>
      %max3A_744 = arith.maximumf %add3A_742, %max3A_743 : vector<256x256xbf16>
      %slice3A_745 = vector.extract_strided_slice %get3A_694 {offsets = [10, 0], sizes = [1, 256], strides = [1, 1]} : vector<16x256xbf16> to vector<1x256xbf16>
      %add3A_746 = vector.broadcast %slice3A_745 : vector<1x256xbf16> to vector<256x256xbf16>
      %add3A_747 = arith.addf %convert_element_type3A_127, %add3A_746 : vector<256x256xbf16>
      %max3A_748 = vector.broadcast %scan3A : bf16 to vector<256x256xbf16>
      %max3A_749 = arith.maximumf %add3A_747, %max3A_748 : vector<256x256xbf16>
      %slice3A_750 = vector.extract_strided_slice %get3A_694 {offsets = [11, 0], sizes = [1, 256], strides = [1, 1]} : vector<16x256xbf16> to vector<1x256xbf16>
      %add3A_751 = vector.broadcast %slice3A_750 : vector<1x256xbf16> to vector<256x256xbf16>
      %add3A_752 = arith.addf %convert_element_type3A_127, %add3A_751 : vector<256x256xbf16>
      %max3A_753 = vector.broadcast %scan3A : bf16 to vector<256x256xbf16>
      %max3A_754 = arith.maximumf %add3A_752, %max3A_753 : vector<256x256xbf16>
      %slice3A_755 = vector.extract_strided_slice %get3A_694 {offsets = [12, 0], sizes = [1, 256], strides = [1, 1]} : vector<16x256xbf16> to vector<1x256xbf16>
      %add3A_756 = vector.broadcast %slice3A_755 : vector<1x256xbf16> to vector<256x256xbf16>
      %add3A_757 = arith.addf %convert_element_type3A_127, %add3A_756 : vector<256x256xbf16>
      %max3A_758 = vector.broadcast %scan3A : bf16 to vector<256x256xbf16>
      %max3A_759 = arith.maximumf %add3A_757, %max3A_758 : vector<256x256xbf16>
      %slice3A_760 = vector.extract_strided_slice %get3A_694 {offsets = [13, 0], sizes = [1, 256], strides = [1, 1]} : vector<16x256xbf16> to vector<1x256xbf16>
      %add3A_761 = vector.broadcast %slice3A_760 : vector<1x256xbf16> to vector<256x256xbf16>
      %add3A_762 = arith.addf %convert_element_type3A_127, %add3A_761 : vector<256x256xbf16>
      %max3A_763 = vector.broadcast %scan3A : bf16 to vector<256x256xbf16>
      %max3A_764 = arith.maximumf %add3A_762, %max3A_763 : vector<256x256xbf16>
      %slice3A_765 = vector.extract_strided_slice %get3A_694 {offsets = [14, 0], sizes = [1, 256], strides = [1, 1]} : vector<16x256xbf16> to vector<1x256xbf16>
      %add3A_766 = vector.broadcast %slice3A_765 : vector<1x256xbf16> to vector<256x256xbf16>
      %add3A_767 = arith.addf %convert_element_type3A_127, %add3A_766 : vector<256x256xbf16>
      %max3A_768 = vector.broadcast %scan3A : bf16 to vector<256x256xbf16>
      %max3A_769 = arith.maximumf %add3A_767, %max3A_768 : vector<256x256xbf16>
      %slice3A_770 = vector.extract_strided_slice %get3A_694 {offsets = [15, 0], sizes = [1, 256], strides = [1, 1]} : vector<16x256xbf16> to vector<1x256xbf16>
      %add3A_771 = vector.broadcast %slice3A_770 : vector<1x256xbf16> to vector<256x256xbf16>
      %add3A_772 = arith.addf %convert_element_type3A_127, %add3A_771 : vector<256x256xbf16>
      %max3A_773 = vector.broadcast %scan3A : bf16 to vector<256x256xbf16>
      %max3A_774 = arith.maximumf %add3A_772, %max3A_773 : vector<256x256xbf16>
      %mul3A_775 = arith.constant 256 : i32
      %mul3A_776 = arith.muli %scan3A_148, %mul3A_775 : i32
      %add3A_777 = arith.constant 96 : i32
      %add3A_778 = arith.addi %mul3A_776, %add3A_777 : i32
      %add3A_779 = arith.constant 16 : i32
      %add3A_780 = arith.addi %add3A_778, %add3A_779 : i32
      %get3A_781 = arith.index_cast %add3A_780 : i32 to index
      %get3A_782 = arith.constant 0 : index
      %get3A_783 = vector.load %arg17[%get3A_781, %get3A_782] : memref<1024x256xbf16, #tpu.memory_space<vmem>>, vector<16x256xbf16>
      %slice3A_784 = vector.extract_strided_slice %get3A_783 {offsets = [0, 0], sizes = [1, 256], strides = [1, 1]} : vector<16x256xbf16> to vector<1x256xbf16>
      %add3A_785 = vector.broadcast %slice3A_784 : vector<1x256xbf16> to vector<256x256xbf16>
      %add3A_786 = arith.addf %convert_element_type3A_127, %add3A_785 : vector<256x256xbf16>
      %max3A_787 = vector.broadcast %scan3A : bf16 to vector<256x256xbf16>
      %max3A_788 = arith.maximumf %add3A_786, %max3A_787 : vector<256x256xbf16>
      %slice3A_789 = vector.extract_strided_slice %get3A_783 {offsets = [1, 0], sizes = [1, 256], strides = [1, 1]} : vector<16x256xbf16> to vector<1x256xbf16>
      %add3A_790 = vector.broadcast %slice3A_789 : vector<1x256xbf16> to vector<256x256xbf16>
      %add3A_791 = arith.addf %convert_element_type3A_127, %add3A_790 : vector<256x256xbf16>
      %max3A_792 = vector.broadcast %scan3A : bf16 to vector<256x256xbf16>
      %max3A_793 = arith.maximumf %add3A_791, %max3A_792 : vector<256x256xbf16>
      %slice3A_794 = vector.extract_strided_slice %get3A_783 {offsets = [2, 0], sizes = [1, 256], strides = [1, 1]} : vector<16x256xbf16> to vector<1x256xbf16>
      %add3A_795 = vector.broadcast %slice3A_794 : vector<1x256xbf16> to vector<256x256xbf16>
      %add3A_796 = arith.addf %convert_element_type3A_127, %add3A_795 : vector<256x256xbf16>
      %max3A_797 = vector.broadcast %scan3A : bf16 to vector<256x256xbf16>
      %max3A_798 = arith.maximumf %add3A_796, %max3A_797 : vector<256x256xbf16>
      %slice3A_799 = vector.extract_strided_slice %get3A_783 {offsets = [3, 0], sizes = [1, 256], strides = [1, 1]} : vector<16x256xbf16> to vector<1x256xbf16>
      %add3A_800 = vector.broadcast %slice3A_799 : vector<1x256xbf16> to vector<256x256xbf16>
      %add3A_801 = arith.addf %convert_element_type3A_127, %add3A_800 : vector<256x256xbf16>
      %max3A_802 = vector.broadcast %scan3A : bf16 to vector<256x256xbf16>
      %max3A_803 = arith.maximumf %add3A_801, %max3A_802 : vector<256x256xbf16>
      %slice3A_804 = vector.extract_strided_slice %get3A_783 {offsets = [4, 0], sizes = [1, 256], strides = [1, 1]} : vector<16x256xbf16> to vector<1x256xbf16>
      %add3A_805 = vector.broadcast %slice3A_804 : vector<1x256xbf16> to vector<256x256xbf16>
      %add3A_806 = arith.addf %convert_element_type3A_127, %add3A_805 : vector<256x256xbf16>
      %max3A_807 = vector.broadcast %scan3A : bf16 to vector<256x256xbf16>
      %max3A_808 = arith.maximumf %add3A_806, %max3A_807 : vector<256x256xbf16>
      %slice3A_809 = vector.extract_strided_slice %get3A_783 {offsets = [5, 0], sizes = [1, 256], strides = [1, 1]} : vector<16x256xbf16> to vector<1x256xbf16>
      %add3A_810 = vector.broadcast %slice3A_809 : vector<1x256xbf16> to vector<256x256xbf16>
      %add3A_811 = arith.addf %convert_element_type3A_127, %add3A_810 : vector<256x256xbf16>
      %max3A_812 = vector.broadcast %scan3A : bf16 to vector<256x256xbf16>
      %max3A_813 = arith.maximumf %add3A_811, %max3A_812 : vector<256x256xbf16>
      %slice3A_814 = vector.extract_strided_slice %get3A_783 {offsets = [6, 0], sizes = [1, 256], strides = [1, 1]} : vector<16x256xbf16> to vector<1x256xbf16>
      %add3A_815 = vector.broadcast %slice3A_814 : vector<1x256xbf16> to vector<256x256xbf16>
      %add3A_816 = arith.addf %convert_element_type3A_127, %add3A_815 : vector<256x256xbf16>
      %max3A_817 = vector.broadcast %scan3A : bf16 to vector<256x256xbf16>
      %max3A_818 = arith.maximumf %add3A_816, %max3A_817 : vector<256x256xbf16>
      %slice3A_819 = vector.extract_strided_slice %get3A_783 {offsets = [7, 0], sizes = [1, 256], strides = [1, 1]} : vector<16x256xbf16> to vector<1x256xbf16>
      %add3A_820 = vector.broadcast %slice3A_819 : vector<1x256xbf16> to vector<256x256xbf16>
      %add3A_821 = arith.addf %convert_element_type3A_127, %add3A_820 : vector<256x256xbf16>
      %max3A_822 = vector.broadcast %scan3A : bf16 to vector<256x256xbf16>
      %max3A_823 = arith.maximumf %add3A_821, %max3A_822 : vector<256x256xbf16>
      %slice3A_824 = vector.extract_strided_slice %get3A_783 {offsets = [8, 0], sizes = [1, 256], strides = [1, 1]} : vector<16x256xbf16> to vector<1x256xbf16>
      %add3A_825 = vector.broadcast %slice3A_824 : vector<1x256xbf16> to vector<256x256xbf16>
      %add3A_826 = arith.addf %convert_element_type3A_127, %add3A_825 : vector<256x256xbf16>
      %max3A_827 = vector.broadcast %scan3A : bf16 to vector<256x256xbf16>
      %max3A_828 = arith.maximumf %add3A_826, %max3A_827 : vector<256x256xbf16>
      %slice3A_829 = vector.extract_strided_slice %get3A_783 {offsets = [9, 0], sizes = [1, 256], strides = [1, 1]} : vector<16x256xbf16> to vector<1x256xbf16>
      %add3A_830 = vector.broadcast %slice3A_829 : vector<1x256xbf16> to vector<256x256xbf16>
      %add3A_831 = arith.addf %convert_element_type3A_127, %add3A_830 : vector<256x256xbf16>
      %max3A_832 = vector.broadcast %scan3A : bf16 to vector<256x256xbf16>
      %max3A_833 = arith.maximumf %add3A_831, %max3A_832 : vector<256x256xbf16>
      %slice3A_834 = vector.extract_strided_slice %get3A_783 {offsets = [10, 0], sizes = [1, 256], strides = [1, 1]} : vector<16x256xbf16> to vector<1x256xbf16>
      %add3A_835 = vector.broadcast %slice3A_834 : vector<1x256xbf16> to vector<256x256xbf16>
      %add3A_836 = arith.addf %convert_element_type3A_127, %add3A_835 : vector<256x256xbf16>
      %max3A_837 = vector.broadcast %scan3A : bf16 to vector<256x256xbf16>
      %max3A_838 = arith.maximumf %add3A_836, %max3A_837 : vector<256x256xbf16>
      %slice3A_839 = vector.extract_strided_slice %get3A_783 {offsets = [11, 0], sizes = [1, 256], strides = [1, 1]} : vector<16x256xbf16> to vector<1x256xbf16>
      %add3A_840 = vector.broadcast %slice3A_839 : vector<1x256xbf16> to vector<256x256xbf16>
      %add3A_841 = arith.addf %convert_element_type3A_127, %add3A_840 : vector<256x256xbf16>
      %max3A_842 = vector.broadcast %scan3A : bf16 to vector<256x256xbf16>
      %max3A_843 = arith.maximumf %add3A_841, %max3A_842 : vector<256x256xbf16>
      %slice3A_844 = vector.extract_strided_slice %get3A_783 {offsets = [12, 0], sizes = [1, 256], strides = [1, 1]} : vector<16x256xbf16> to vector<1x256xbf16>
      %add3A_845 = vector.broadcast %slice3A_844 : vector<1x256xbf16> to vector<256x256xbf16>
      %add3A_846 = arith.addf %convert_element_type3A_127, %add3A_845 : vector<256x256xbf16>
      %max3A_847 = vector.broadcast %scan3A : bf16 to vector<256x256xbf16>
      %max3A_848 = arith.maximumf %add3A_846, %max3A_847 : vector<256x256xbf16>
      %slice3A_849 = vector.extract_strided_slice %get3A_783 {offsets = [13, 0], sizes = [1, 256], strides = [1, 1]} : vector<16x256xbf16> to vector<1x256xbf16>
      %add3A_850 = vector.broadcast %slice3A_849 : vector<1x256xbf16> to vector<256x256xbf16>
      %add3A_851 = arith.addf %convert_element_type3A_127, %add3A_850 : vector<256x256xbf16>
      %max3A_852 = vector.broadcast %scan3A : bf16 to vector<256x256xbf16>
      %max3A_853 = arith.maximumf %add3A_851, %max3A_852 : vector<256x256xbf16>
      %slice3A_854 = vector.extract_strided_slice %get3A_783 {offsets = [14, 0], sizes = [1, 256], strides = [1, 1]} : vector<16x256xbf16> to vector<1x256xbf16>
      %add3A_855 = vector.broadcast %slice3A_854 : vector<1x256xbf16> to vector<256x256xbf16>
      %add3A_856 = arith.addf %convert_element_type3A_127, %add3A_855 : vector<256x256xbf16>
      %max3A_857 = vector.broadcast %scan3A : bf16 to vector<256x256xbf16>
      %max3A_858 = arith.maximumf %add3A_856, %max3A_857 : vector<256x256xbf16>
      %slice3A_859 = vector.extract_strided_slice %get3A_783 {offsets = [15, 0], sizes = [1, 256], strides = [1, 1]} : vector<16x256xbf16> to vector<1x256xbf16>
      %add3A_860 = vector.broadcast %slice3A_859 : vector<1x256xbf16> to vector<256x256xbf16>
      %add3A_861 = arith.addf %convert_element_type3A_127, %add3A_860 : vector<256x256xbf16>
      %max3A_862 = vector.broadcast %scan3A : bf16 to vector<256x256xbf16>
      %max3A_863 = arith.maximumf %add3A_861, %max3A_862 : vector<256x256xbf16>
      %concatenate3A_864 = tpu.concatenate %max3A_699, %max3A_704, %max3A_709, %max3A_714, %max3A_719, %max3A_724, %max3A_729, %max3A_734, %max3A_739, %max3A_744, %max3A_749, %max3A_754, %max3A_759, %max3A_764, %max3A_769, %max3A_774, %max3A_788, %max3A_793, %max3A_798, %max3A_803, %max3A_808, %max3A_813, %max3A_818, %max3A_823, %max3A_828, %max3A_833, %max3A_838, %max3A_843, %max3A_848, %max3A_853, %max3A_858, %max3A_863 in 1 : vector<256x256xbf16>, vector<256x256xbf16>, vector<256x256xbf16>, vector<256x256xbf16>, vector<256x256xbf16>, vector<256x256xbf16>, vector<256x256xbf16>, vector<256x256xbf16>, vector<256x256xbf16>, vector<256x256xbf16>, vector<256x256xbf16>, vector<256x256xbf16>, vector<256x256xbf16>, vector<256x256xbf16>, vector<256x256xbf16>, vector<256x256xbf16>, vector<256x256xbf16>, vector<256x256xbf16>, vector<256x256xbf16>, vector<256x256xbf16>, vector<256x256xbf16>, vector<256x256xbf16>, vector<256x256xbf16>, vector<256x256xbf16>, vector<256x256xbf16>, vector<256x256xbf16>, vector<256x256xbf16>, vector<256x256xbf16>, vector<256x256xbf16>, vector<256x256xbf16>, vector<256x256xbf16>, vector<256x256xbf16> -> vector<256x8192xbf16>
      %mul3A_865 = arith.constant 256 : i32
      %mul3A_866 = arith.muli %scan3A_148, %mul3A_865 : i32
      %add3A_867 = arith.constant 128 : i32
      %add3A_868 = arith.addi %mul3A_866, %add3A_867 : i32
      %add3A_869 = arith.constant 0 : i32
      %add3A_870 = arith.addi %add3A_868, %add3A_869 : i32
      %get3A_871 = arith.index_cast %add3A_870 : i32 to index
      %get3A_872 = arith.constant 0 : index
      %get3A_873 = vector.load %arg17[%get3A_871, %get3A_872] : memref<1024x256xbf16, #tpu.memory_space<vmem>>, vector<16x256xbf16>
      %slice3A_874 = vector.extract_strided_slice %get3A_873 {offsets = [0, 0], sizes = [1, 256], strides = [1, 1]} : vector<16x256xbf16> to vector<1x256xbf16>
      %add3A_875 = vector.broadcast %slice3A_874 : vector<1x256xbf16> to vector<256x256xbf16>
      %add3A_876 = arith.addf %convert_element_type3A_127, %add3A_875 : vector<256x256xbf16>
      %max3A_877 = vector.broadcast %scan3A : bf16 to vector<256x256xbf16>
      %max3A_878 = arith.maximumf %add3A_876, %max3A_877 : vector<256x256xbf16>
      %slice3A_879 = vector.extract_strided_slice %get3A_873 {offsets = [1, 0], sizes = [1, 256], strides = [1, 1]} : vector<16x256xbf16> to vector<1x256xbf16>
      %add3A_880 = vector.broadcast %slice3A_879 : vector<1x256xbf16> to vector<256x256xbf16>
      %add3A_881 = arith.addf %convert_element_type3A_127, %add3A_880 : vector<256x256xbf16>
      %max3A_882 = vector.broadcast %scan3A : bf16 to vector<256x256xbf16>
      %max3A_883 = arith.maximumf %add3A_881, %max3A_882 : vector<256x256xbf16>
      %slice3A_884 = vector.extract_strided_slice %get3A_873 {offsets = [2, 0], sizes = [1, 256], strides = [1, 1]} : vector<16x256xbf16> to vector<1x256xbf16>
      %add3A_885 = vector.broadcast %slice3A_884 : vector<1x256xbf16> to vector<256x256xbf16>
      %add3A_886 = arith.addf %convert_element_type3A_127, %add3A_885 : vector<256x256xbf16>
      %max3A_887 = vector.broadcast %scan3A : bf16 to vector<256x256xbf16>
      %max3A_888 = arith.maximumf %add3A_886, %max3A_887 : vector<256x256xbf16>
      %slice3A_889 = vector.extract_strided_slice %get3A_873 {offsets = [3, 0], sizes = [1, 256], strides = [1, 1]} : vector<16x256xbf16> to vector<1x256xbf16>
      %add3A_890 = vector.broadcast %slice3A_889 : vector<1x256xbf16> to vector<256x256xbf16>
      %add3A_891 = arith.addf %convert_element_type3A_127, %add3A_890 : vector<256x256xbf16>
      %max3A_892 = vector.broadcast %scan3A : bf16 to vector<256x256xbf16>
      %max3A_893 = arith.maximumf %add3A_891, %max3A_892 : vector<256x256xbf16>
      %slice3A_894 = vector.extract_strided_slice %get3A_873 {offsets = [4, 0], sizes = [1, 256], strides = [1, 1]} : vector<16x256xbf16> to vector<1x256xbf16>
      %add3A_895 = vector.broadcast %slice3A_894 : vector<1x256xbf16> to vector<256x256xbf16>
      %add3A_896 = arith.addf %convert_element_type3A_127, %add3A_895 : vector<256x256xbf16>
      %max3A_897 = vector.broadcast %scan3A : bf16 to vector<256x256xbf16>
      %max3A_898 = arith.maximumf %add3A_896, %max3A_897 : vector<256x256xbf16>
      %slice3A_899 = vector.extract_strided_slice %get3A_873 {offsets = [5, 0], sizes = [1, 256], strides = [1, 1]} : vector<16x256xbf16> to vector<1x256xbf16>
      %add3A_900 = vector.broadcast %slice3A_899 : vector<1x256xbf16> to vector<256x256xbf16>
      %add3A_901 = arith.addf %convert_element_type3A_127, %add3A_900 : vector<256x256xbf16>
      %max3A_902 = vector.broadcast %scan3A : bf16 to vector<256x256xbf16>
      %max3A_903 = arith.maximumf %add3A_901, %max3A_902 : vector<256x256xbf16>
      %slice3A_904 = vector.extract_strided_slice %get3A_873 {offsets = [6, 0], sizes = [1, 256], strides = [1, 1]} : vector<16x256xbf16> to vector<1x256xbf16>
      %add3A_905 = vector.broadcast %slice3A_904 : vector<1x256xbf16> to vector<256x256xbf16>
      %add3A_906 = arith.addf %convert_element_type3A_127, %add3A_905 : vector<256x256xbf16>
      %max3A_907 = vector.broadcast %scan3A : bf16 to vector<256x256xbf16>
      %max3A_908 = arith.maximumf %add3A_906, %max3A_907 : vector<256x256xbf16>
      %slice3A_909 = vector.extract_strided_slice %get3A_873 {offsets = [7, 0], sizes = [1, 256], strides = [1, 1]} : vector<16x256xbf16> to vector<1x256xbf16>
      %add3A_910 = vector.broadcast %slice3A_909 : vector<1x256xbf16> to vector<256x256xbf16>
      %add3A_911 = arith.addf %convert_element_type3A_127, %add3A_910 : vector<256x256xbf16>
      %max3A_912 = vector.broadcast %scan3A : bf16 to vector<256x256xbf16>
      %max3A_913 = arith.maximumf %add3A_911, %max3A_912 : vector<256x256xbf16>
      %slice3A_914 = vector.extract_strided_slice %get3A_873 {offsets = [8, 0], sizes = [1, 256], strides = [1, 1]} : vector<16x256xbf16> to vector<1x256xbf16>
      %add3A_915 = vector.broadcast %slice3A_914 : vector<1x256xbf16> to vector<256x256xbf16>
      %add3A_916 = arith.addf %convert_element_type3A_127, %add3A_915 : vector<256x256xbf16>
      %max3A_917 = vector.broadcast %scan3A : bf16 to vector<256x256xbf16>
      %max3A_918 = arith.maximumf %add3A_916, %max3A_917 : vector<256x256xbf16>
      %slice3A_919 = vector.extract_strided_slice %get3A_873 {offsets = [9, 0], sizes = [1, 256], strides = [1, 1]} : vector<16x256xbf16> to vector<1x256xbf16>
      %add3A_920 = vector.broadcast %slice3A_919 : vector<1x256xbf16> to vector<256x256xbf16>
      %add3A_921 = arith.addf %convert_element_type3A_127, %add3A_920 : vector<256x256xbf16>
      %max3A_922 = vector.broadcast %scan3A : bf16 to vector<256x256xbf16>
      %max3A_923 = arith.maximumf %add3A_921, %max3A_922 : vector<256x256xbf16>
      %slice3A_924 = vector.extract_strided_slice %get3A_873 {offsets = [10, 0], sizes = [1, 256], strides = [1, 1]} : vector<16x256xbf16> to vector<1x256xbf16>
      %add3A_925 = vector.broadcast %slice3A_924 : vector<1x256xbf16> to vector<256x256xbf16>
      %add3A_926 = arith.addf %convert_element_type3A_127, %add3A_925 : vector<256x256xbf16>
      %max3A_927 = vector.broadcast %scan3A : bf16 to vector<256x256xbf16>
      %max3A_928 = arith.maximumf %add3A_926, %max3A_927 : vector<256x256xbf16>
      %slice3A_929 = vector.extract_strided_slice %get3A_873 {offsets = [11, 0], sizes = [1, 256], strides = [1, 1]} : vector<16x256xbf16> to vector<1x256xbf16>
      %add3A_930 = vector.broadcast %slice3A_929 : vector<1x256xbf16> to vector<256x256xbf16>
      %add3A_931 = arith.addf %convert_element_type3A_127, %add3A_930 : vector<256x256xbf16>
      %max3A_932 = vector.broadcast %scan3A : bf16 to vector<256x256xbf16>
      %max3A_933 = arith.maximumf %add3A_931, %max3A_932 : vector<256x256xbf16>
      %slice3A_934 = vector.extract_strided_slice %get3A_873 {offsets = [12, 0], sizes = [1, 256], strides = [1, 1]} : vector<16x256xbf16> to vector<1x256xbf16>
      %add3A_935 = vector.broadcast %slice3A_934 : vector<1x256xbf16> to vector<256x256xbf16>
      %add3A_936 = arith.addf %convert_element_type3A_127, %add3A_935 : vector<256x256xbf16>
      %max3A_937 = vector.broadcast %scan3A : bf16 to vector<256x256xbf16>
      %max3A_938 = arith.maximumf %add3A_936, %max3A_937 : vector<256x256xbf16>
      %slice3A_939 = vector.extract_strided_slice %get3A_873 {offsets = [13, 0], sizes = [1, 256], strides = [1, 1]} : vector<16x256xbf16> to vector<1x256xbf16>
      %add3A_940 = vector.broadcast %slice3A_939 : vector<1x256xbf16> to vector<256x256xbf16>
      %add3A_941 = arith.addf %convert_element_type3A_127, %add3A_940 : vector<256x256xbf16>
      %max3A_942 = vector.broadcast %scan3A : bf16 to vector<256x256xbf16>
      %max3A_943 = arith.maximumf %add3A_941, %max3A_942 : vector<256x256xbf16>
      %slice3A_944 = vector.extract_strided_slice %get3A_873 {offsets = [14, 0], sizes = [1, 256], strides = [1, 1]} : vector<16x256xbf16> to vector<1x256xbf16>
      %add3A_945 = vector.broadcast %slice3A_944 : vector<1x256xbf16> to vector<256x256xbf16>
      %add3A_946 = arith.addf %convert_element_type3A_127, %add3A_945 : vector<256x256xbf16>
      %max3A_947 = vector.broadcast %scan3A : bf16 to vector<256x256xbf16>
      %max3A_948 = arith.maximumf %add3A_946, %max3A_947 : vector<256x256xbf16>
      %slice3A_949 = vector.extract_strided_slice %get3A_873 {offsets = [15, 0], sizes = [1, 256], strides = [1, 1]} : vector<16x256xbf16> to vector<1x256xbf16>
      %add3A_950 = vector.broadcast %slice3A_949 : vector<1x256xbf16> to vector<256x256xbf16>
      %add3A_951 = arith.addf %convert_element_type3A_127, %add3A_950 : vector<256x256xbf16>
      %max3A_952 = vector.broadcast %scan3A : bf16 to vector<256x256xbf16>
      %max3A_953 = arith.maximumf %add3A_951, %max3A_952 : vector<256x256xbf16>
      %mul3A_954 = arith.constant 256 : i32
      %mul3A_955 = arith.muli %scan3A_148, %mul3A_954 : i32
      %add3A_956 = arith.constant 128 : i32
      %add3A_957 = arith.addi %mul3A_955, %add3A_956 : i32
      %add3A_958 = arith.constant 16 : i32
      %add3A_959 = arith.addi %add3A_957, %add3A_958 : i32
      %get3A_960 = arith.index_cast %add3A_959 : i32 to index
      %get3A_961 = arith.constant 0 : index
      %get3A_962 = vector.load %arg17[%get3A_960, %get3A_961] : memref<1024x256xbf16, #tpu.memory_space<vmem>>, vector<16x256xbf16>
      %slice3A_963 = vector.extract_strided_slice %get3A_962 {offsets = [0, 0], sizes = [1, 256], strides = [1, 1]} : vector<16x256xbf16> to vector<1x256xbf16>
      %add3A_964 = vector.broadcast %slice3A_963 : vector<1x256xbf16> to vector<256x256xbf16>
      %add3A_965 = arith.addf %convert_element_type3A_127, %add3A_964 : vector<256x256xbf16>
      %max3A_966 = vector.broadcast %scan3A : bf16 to vector<256x256xbf16>
      %max3A_967 = arith.maximumf %add3A_965, %max3A_966 : vector<256x256xbf16>
      %slice3A_968 = vector.extract_strided_slice %get3A_962 {offsets = [1, 0], sizes = [1, 256], strides = [1, 1]} : vector<16x256xbf16> to vector<1x256xbf16>
      %add3A_969 = vector.broadcast %slice3A_968 : vector<1x256xbf16> to vector<256x256xbf16>
      %add3A_970 = arith.addf %convert_element_type3A_127, %add3A_969 : vector<256x256xbf16>
      %max3A_971 = vector.broadcast %scan3A : bf16 to vector<256x256xbf16>
      %max3A_972 = arith.maximumf %add3A_970, %max3A_971 : vector<256x256xbf16>
      %slice3A_973 = vector.extract_strided_slice %get3A_962 {offsets = [2, 0], sizes = [1, 256], strides = [1, 1]} : vector<16x256xbf16> to vector<1x256xbf16>
      %add3A_974 = vector.broadcast %slice3A_973 : vector<1x256xbf16> to vector<256x256xbf16>
      %add3A_975 = arith.addf %convert_element_type3A_127, %add3A_974 : vector<256x256xbf16>
      %max3A_976 = vector.broadcast %scan3A : bf16 to vector<256x256xbf16>
      %max3A_977 = arith.maximumf %add3A_975, %max3A_976 : vector<256x256xbf16>
      %slice3A_978 = vector.extract_strided_slice %get3A_962 {offsets = [3, 0], sizes = [1, 256], strides = [1, 1]} : vector<16x256xbf16> to vector<1x256xbf16>
      %add3A_979 = vector.broadcast %slice3A_978 : vector<1x256xbf16> to vector<256x256xbf16>
      %add3A_980 = arith.addf %convert_element_type3A_127, %add3A_979 : vector<256x256xbf16>
      %max3A_981 = vector.broadcast %scan3A : bf16 to vector<256x256xbf16>
      %max3A_982 = arith.maximumf %add3A_980, %max3A_981 : vector<256x256xbf16>
      %slice3A_983 = vector.extract_strided_slice %get3A_962 {offsets = [4, 0], sizes = [1, 256], strides = [1, 1]} : vector<16x256xbf16> to vector<1x256xbf16>
      %add3A_984 = vector.broadcast %slice3A_983 : vector<1x256xbf16> to vector<256x256xbf16>
      %add3A_985 = arith.addf %convert_element_type3A_127, %add3A_984 : vector<256x256xbf16>
      %max3A_986 = vector.broadcast %scan3A : bf16 to vector<256x256xbf16>
      %max3A_987 = arith.maximumf %add3A_985, %max3A_986 : vector<256x256xbf16>
      %slice3A_988 = vector.extract_strided_slice %get3A_962 {offsets = [5, 0], sizes = [1, 256], strides = [1, 1]} : vector<16x256xbf16> to vector<1x256xbf16>
      %add3A_989 = vector.broadcast %slice3A_988 : vector<1x256xbf16> to vector<256x256xbf16>
      %add3A_990 = arith.addf %convert_element_type3A_127, %add3A_989 : vector<256x256xbf16>
      %max3A_991 = vector.broadcast %scan3A : bf16 to vector<256x256xbf16>
      %max3A_992 = arith.maximumf %add3A_990, %max3A_991 : vector<256x256xbf16>
      %slice3A_993 = vector.extract_strided_slice %get3A_962 {offsets = [6, 0], sizes = [1, 256], strides = [1, 1]} : vector<16x256xbf16> to vector<1x256xbf16>
      %add3A_994 = vector.broadcast %slice3A_993 : vector<1x256xbf16> to vector<256x256xbf16>
      %add3A_995 = arith.addf %convert_element_type3A_127, %add3A_994 : vector<256x256xbf16>
      %max3A_996 = vector.broadcast %scan3A : bf16 to vector<256x256xbf16>
      %max3A_997 = arith.maximumf %add3A_995, %max3A_996 : vector<256x256xbf16>
      %slice3A_998 = vector.extract_strided_slice %get3A_962 {offsets = [7, 0], sizes = [1, 256], strides = [1, 1]} : vector<16x256xbf16> to vector<1x256xbf16>
      %add3A_999 = vector.broadcast %slice3A_998 : vector<1x256xbf16> to vector<256x256xbf16>
      %add3A_1000 = arith.addf %convert_element_type3A_127, %add3A_999 : vector<256x256xbf16>
      %max3A_1001 = vector.broadcast %scan3A : bf16 to vector<256x256xbf16>
      %max3A_1002 = arith.maximumf %add3A_1000, %max3A_1001 : vector<256x256xbf16>
      %slice3A_1003 = vector.extract_strided_slice %get3A_962 {offsets = [8, 0], sizes = [1, 256], strides = [1, 1]} : vector<16x256xbf16> to vector<1x256xbf16>
      %add3A_1004 = vector.broadcast %slice3A_1003 : vector<1x256xbf16> to vector<256x256xbf16>
      %add3A_1005 = arith.addf %convert_element_type3A_127, %add3A_1004 : vector<256x256xbf16>
      %max3A_1006 = vector.broadcast %scan3A : bf16 to vector<256x256xbf16>
      %max3A_1007 = arith.maximumf %add3A_1005, %max3A_1006 : vector<256x256xbf16>
      %slice3A_1008 = vector.extract_strided_slice %get3A_962 {offsets = [9, 0], sizes = [1, 256], strides = [1, 1]} : vector<16x256xbf16> to vector<1x256xbf16>
      %add3A_1009 = vector.broadcast %slice3A_1008 : vector<1x256xbf16> to vector<256x256xbf16>
      %add3A_1010 = arith.addf %convert_element_type3A_127, %add3A_1009 : vector<256x256xbf16>
      %max3A_1011 = vector.broadcast %scan3A : bf16 to vector<256x256xbf16>
      %max3A_1012 = arith.maximumf %add3A_1010, %max3A_1011 : vector<256x256xbf16>
      %slice3A_1013 = vector.extract_strided_slice %get3A_962 {offsets = [10, 0], sizes = [1, 256], strides = [1, 1]} : vector<16x256xbf16> to vector<1x256xbf16>
      %add3A_1014 = vector.broadcast %slice3A_1013 : vector<1x256xbf16> to vector<256x256xbf16>
      %add3A_1015 = arith.addf %convert_element_type3A_127, %add3A_1014 : vector<256x256xbf16>
      %max3A_1016 = vector.broadcast %scan3A : bf16 to vector<256x256xbf16>
      %max3A_1017 = arith.maximumf %add3A_1015, %max3A_1016 : vector<256x256xbf16>
      %slice3A_1018 = vector.extract_strided_slice %get3A_962 {offsets = [11, 0], sizes = [1, 256], strides = [1, 1]} : vector<16x256xbf16> to vector<1x256xbf16>
      %add3A_1019 = vector.broadcast %slice3A_1018 : vector<1x256xbf16> to vector<256x256xbf16>
      %add3A_1020 = arith.addf %convert_element_type3A_127, %add3A_1019 : vector<256x256xbf16>
      %max3A_1021 = vector.broadcast %scan3A : bf16 to vector<256x256xbf16>
      %max3A_1022 = arith.maximumf %add3A_1020, %max3A_1021 : vector<256x256xbf16>
      %slice3A_1023 = vector.extract_strided_slice %get3A_962 {offsets = [12, 0], sizes = [1, 256], strides = [1, 1]} : vector<16x256xbf16> to vector<1x256xbf16>
      %add3A_1024 = vector.broadcast %slice3A_1023 : vector<1x256xbf16> to vector<256x256xbf16>
      %add3A_1025 = arith.addf %convert_element_type3A_127, %add3A_1024 : vector<256x256xbf16>
      %max3A_1026 = vector.broadcast %scan3A : bf16 to vector<256x256xbf16>
      %max3A_1027 = arith.maximumf %add3A_1025, %max3A_1026 : vector<256x256xbf16>
      %slice3A_1028 = vector.extract_strided_slice %get3A_962 {offsets = [13, 0], sizes = [1, 256], strides = [1, 1]} : vector<16x256xbf16> to vector<1x256xbf16>
      %add3A_1029 = vector.broadcast %slice3A_1028 : vector<1x256xbf16> to vector<256x256xbf16>
      %add3A_1030 = arith.addf %convert_element_type3A_127, %add3A_1029 : vector<256x256xbf16>
      %max3A_1031 = vector.broadcast %scan3A : bf16 to vector<256x256xbf16>
      %max3A_1032 = arith.maximumf %add3A_1030, %max3A_1031 : vector<256x256xbf16>
      %slice3A_1033 = vector.extract_strided_slice %get3A_962 {offsets = [14, 0], sizes = [1, 256], strides = [1, 1]} : vector<16x256xbf16> to vector<1x256xbf16>
      %add3A_1034 = vector.broadcast %slice3A_1033 : vector<1x256xbf16> to vector<256x256xbf16>
      %add3A_1035 = arith.addf %convert_element_type3A_127, %add3A_1034 : vector<256x256xbf16>
      %max3A_1036 = vector.broadcast %scan3A : bf16 to vector<256x256xbf16>
      %max3A_1037 = arith.maximumf %add3A_1035, %max3A_1036 : vector<256x256xbf16>
      %slice3A_1038 = vector.extract_strided_slice %get3A_962 {offsets = [15, 0], sizes = [1, 256], strides = [1, 1]} : vector<16x256xbf16> to vector<1x256xbf16>
      %add3A_1039 = vector.broadcast %slice3A_1038 : vector<1x256xbf16> to vector<256x256xbf16>
      %add3A_1040 = arith.addf %convert_element_type3A_127, %add3A_1039 : vector<256x256xbf16>
      %max3A_1041 = vector.broadcast %scan3A : bf16 to vector<256x256xbf16>
      %max3A_1042 = arith.maximumf %add3A_1040, %max3A_1041 : vector<256x256xbf16>
      %concatenate3A_1043 = tpu.concatenate %max3A_878, %max3A_883, %max3A_888, %max3A_893, %max3A_898, %max3A_903, %max3A_908, %max3A_913, %max3A_918, %max3A_923, %max3A_928, %max3A_933, %max3A_938, %max3A_943, %max3A_948, %max3A_953, %max3A_967, %max3A_972, %max3A_977, %max3A_982, %max3A_987, %max3A_992, %max3A_997, %max3A_1002, %max3A_1007, %max3A_1012, %max3A_1017, %max3A_1022, %max3A_1027, %max3A_1032, %max3A_1037, %max3A_1042 in 1 : vector<256x256xbf16>, vector<256x256xbf16>, vector<256x256xbf16>, vector<256x256xbf16>, vector<256x256xbf16>, vector<256x256xbf16>, vector<256x256xbf16>, vector<256x256xbf16>, vector<256x256xbf16>, vector<256x256xbf16>, vector<256x256xbf16>, vector<256x256xbf16>, vector<256x256xbf16>, vector<256x256xbf16>, vector<256x256xbf16>, vector<256x256xbf16>, vector<256x256xbf16>, vector<256x256xbf16>, vector<256x256xbf16>, vector<256x256xbf16>, vector<256x256xbf16>, vector<256x256xbf16>, vector<256x256xbf16>, vector<256x256xbf16>, vector<256x256xbf16>, vector<256x256xbf16>, vector<256x256xbf16>, vector<256x256xbf16>, vector<256x256xbf16>, vector<256x256xbf16>, vector<256x256xbf16>, vector<256x256xbf16> -> vector<256x8192xbf16>
      %mul3A_1044 = arith.constant 256 : i32
      %mul3A_1045 = arith.muli %scan3A_148, %mul3A_1044 : i32
      %add3A_1046 = arith.constant 160 : i32
      %add3A_1047 = arith.addi %mul3A_1045, %add3A_1046 : i32
      %add3A_1048 = arith.constant 0 : i32
      %add3A_1049 = arith.addi %add3A_1047, %add3A_1048 : i32
      %get3A_1050 = arith.index_cast %add3A_1049 : i32 to index
      %get3A_1051 = arith.constant 0 : index
      %get3A_1052 = vector.load %arg17[%get3A_1050, %get3A_1051] : memref<1024x256xbf16, #tpu.memory_space<vmem>>, vector<16x256xbf16>
      %slice3A_1053 = vector.extract_strided_slice %get3A_1052 {offsets = [0, 0], sizes = [1, 256], strides = [1, 1]} : vector<16x256xbf16> to vector<1x256xbf16>
      %add3A_1054 = vector.broadcast %slice3A_1053 : vector<1x256xbf16> to vector<256x256xbf16>
      %add3A_1055 = arith.addf %convert_element_type3A_127, %add3A_1054 : vector<256x256xbf16>
      %max3A_1056 = vector.broadcast %scan3A : bf16 to vector<256x256xbf16>
      %max3A_1057 = arith.maximumf %add3A_1055, %max3A_1056 : vector<256x256xbf16>
      %slice3A_1058 = vector.extract_strided_slice %get3A_1052 {offsets = [1, 0], sizes = [1, 256], strides = [1, 1]} : vector<16x256xbf16> to vector<1x256xbf16>
      %add3A_1059 = vector.broadcast %slice3A_1058 : vector<1x256xbf16> to vector<256x256xbf16>
      %add3A_1060 = arith.addf %convert_element_type3A_127, %add3A_1059 : vector<256x256xbf16>
      %max3A_1061 = vector.broadcast %scan3A : bf16 to vector<256x256xbf16>
      %max3A_1062 = arith.maximumf %add3A_1060, %max3A_1061 : vector<256x256xbf16>
      %slice3A_1063 = vector.extract_strided_slice %get3A_1052 {offsets = [2, 0], sizes = [1, 256], strides = [1, 1]} : vector<16x256xbf16> to vector<1x256xbf16>
      %add3A_1064 = vector.broadcast %slice3A_1063 : vector<1x256xbf16> to vector<256x256xbf16>
      %add3A_1065 = arith.addf %convert_element_type3A_127, %add3A_1064 : vector<256x256xbf16>
      %max3A_1066 = vector.broadcast %scan3A : bf16 to vector<256x256xbf16>
      %max3A_1067 = arith.maximumf %add3A_1065, %max3A_1066 : vector<256x256xbf16>
      %slice3A_1068 = vector.extract_strided_slice %get3A_1052 {offsets = [3, 0], sizes = [1, 256], strides = [1, 1]} : vector<16x256xbf16> to vector<1x256xbf16>
      %add3A_1069 = vector.broadcast %slice3A_1068 : vector<1x256xbf16> to vector<256x256xbf16>
      %add3A_1070 = arith.addf %convert_element_type3A_127, %add3A_1069 : vector<256x256xbf16>
      %max3A_1071 = vector.broadcast %scan3A : bf16 to vector<256x256xbf16>
      %max3A_1072 = arith.maximumf %add3A_1070, %max3A_1071 : vector<256x256xbf16>
      %slice3A_1073 = vector.extract_strided_slice %get3A_1052 {offsets = [4, 0], sizes = [1, 256], strides = [1, 1]} : vector<16x256xbf16> to vector<1x256xbf16>
      %add3A_1074 = vector.broadcast %slice3A_1073 : vector<1x256xbf16> to vector<256x256xbf16>
      %add3A_1075 = arith.addf %convert_element_type3A_127, %add3A_1074 : vector<256x256xbf16>
      %max3A_1076 = vector.broadcast %scan3A : bf16 to vector<256x256xbf16>
      %max3A_1077 = arith.maximumf %add3A_1075, %max3A_1076 : vector<256x256xbf16>
      %slice3A_1078 = vector.extract_strided_slice %get3A_1052 {offsets = [5, 0], sizes = [1, 256], strides = [1, 1]} : vector<16x256xbf16> to vector<1x256xbf16>
      %add3A_1079 = vector.broadcast %slice3A_1078 : vector<1x256xbf16> to vector<256x256xbf16>
      %add3A_1080 = arith.addf %convert_element_type3A_127, %add3A_1079 : vector<256x256xbf16>
      %max3A_1081 = vector.broadcast %scan3A : bf16 to vector<256x256xbf16>
      %max3A_1082 = arith.maximumf %add3A_1080, %max3A_1081 : vector<256x256xbf16>
      %slice3A_1083 = vector.extract_strided_slice %get3A_1052 {offsets = [6, 0], sizes = [1, 256], strides = [1, 1]} : vector<16x256xbf16> to vector<1x256xbf16>
      %add3A_1084 = vector.broadcast %slice3A_1083 : vector<1x256xbf16> to vector<256x256xbf16>
      %add3A_1085 = arith.addf %convert_element_type3A_127, %add3A_1084 : vector<256x256xbf16>
      %max3A_1086 = vector.broadcast %scan3A : bf16 to vector<256x256xbf16>
      %max3A_1087 = arith.maximumf %add3A_1085, %max3A_1086 : vector<256x256xbf16>
      %slice3A_1088 = vector.extract_strided_slice %get3A_1052 {offsets = [7, 0], sizes = [1, 256], strides = [1, 1]} : vector<16x256xbf16> to vector<1x256xbf16>
      %add3A_1089 = vector.broadcast %slice3A_1088 : vector<1x256xbf16> to vector<256x256xbf16>
      %add3A_1090 = arith.addf %convert_element_type3A_127, %add3A_1089 : vector<256x256xbf16>
      %max3A_1091 = vector.broadcast %scan3A : bf16 to vector<256x256xbf16>
      %max3A_1092 = arith.maximumf %add3A_1090, %max3A_1091 : vector<256x256xbf16>
      %slice3A_1093 = vector.extract_strided_slice %get3A_1052 {offsets = [8, 0], sizes = [1, 256], strides = [1, 1]} : vector<16x256xbf16> to vector<1x256xbf16>
      %add3A_1094 = vector.broadcast %slice3A_1093 : vector<1x256xbf16> to vector<256x256xbf16>
      %add3A_1095 = arith.addf %convert_element_type3A_127, %add3A_1094 : vector<256x256xbf16>
      %max3A_1096 = vector.broadcast %scan3A : bf16 to vector<256x256xbf16>
      %max3A_1097 = arith.maximumf %add3A_1095, %max3A_1096 : vector<256x256xbf16>
      %slice3A_1098 = vector.extract_strided_slice %get3A_1052 {offsets = [9, 0], sizes = [1, 256], strides = [1, 1]} : vector<16x256xbf16> to vector<1x256xbf16>
      %add3A_1099 = vector.broadcast %slice3A_1098 : vector<1x256xbf16> to vector<256x256xbf16>
      %add3A_1100 = arith.addf %convert_element_type3A_127, %add3A_1099 : vector<256x256xbf16>
      %max3A_1101 = vector.broadcast %scan3A : bf16 to vector<256x256xbf16>
      %max3A_1102 = arith.maximumf %add3A_1100, %max3A_1101 : vector<256x256xbf16>
      %slice3A_1103 = vector.extract_strided_slice %get3A_1052 {offsets = [10, 0], sizes = [1, 256], strides = [1, 1]} : vector<16x256xbf16> to vector<1x256xbf16>
      %add3A_1104 = vector.broadcast %slice3A_1103 : vector<1x256xbf16> to vector<256x256xbf16>
      %add3A_1105 = arith.addf %convert_element_type3A_127, %add3A_1104 : vector<256x256xbf16>
      %max3A_1106 = vector.broadcast %scan3A : bf16 to vector<256x256xbf16>
      %max3A_1107 = arith.maximumf %add3A_1105, %max3A_1106 : vector<256x256xbf16>
      %slice3A_1108 = vector.extract_strided_slice %get3A_1052 {offsets = [11, 0], sizes = [1, 256], strides = [1, 1]} : vector<16x256xbf16> to vector<1x256xbf16>
      %add3A_1109 = vector.broadcast %slice3A_1108 : vector<1x256xbf16> to vector<256x256xbf16>
      %add3A_1110 = arith.addf %convert_element_type3A_127, %add3A_1109 : vector<256x256xbf16>
      %max3A_1111 = vector.broadcast %scan3A : bf16 to vector<256x256xbf16>
      %max3A_1112 = arith.maximumf %add3A_1110, %max3A_1111 : vector<256x256xbf16>
      %slice3A_1113 = vector.extract_strided_slice %get3A_1052 {offsets = [12, 0], sizes = [1, 256], strides = [1, 1]} : vector<16x256xbf16> to vector<1x256xbf16>
      %add3A_1114 = vector.broadcast %slice3A_1113 : vector<1x256xbf16> to vector<256x256xbf16>
      %add3A_1115 = arith.addf %convert_element_type3A_127, %add3A_1114 : vector<256x256xbf16>
      %max3A_1116 = vector.broadcast %scan3A : bf16 to vector<256x256xbf16>
      %max3A_1117 = arith.maximumf %add3A_1115, %max3A_1116 : vector<256x256xbf16>
      %slice3A_1118 = vector.extract_strided_slice %get3A_1052 {offsets = [13, 0], sizes = [1, 256], strides = [1, 1]} : vector<16x256xbf16> to vector<1x256xbf16>
      %add3A_1119 = vector.broadcast %slice3A_1118 : vector<1x256xbf16> to vector<256x256xbf16>
      %add3A_1120 = arith.addf %convert_element_type3A_127, %add3A_1119 : vector<256x256xbf16>
      %max3A_1121 = vector.broadcast %scan3A : bf16 to vector<256x256xbf16>
      %max3A_1122 = arith.maximumf %add3A_1120, %max3A_1121 : vector<256x256xbf16>
      %slice3A_1123 = vector.extract_strided_slice %get3A_1052 {offsets = [14, 0], sizes = [1, 256], strides = [1, 1]} : vector<16x256xbf16> to vector<1x256xbf16>
      %add3A_1124 = vector.broadcast %slice3A_1123 : vector<1x256xbf16> to vector<256x256xbf16>
      %add3A_1125 = arith.addf %convert_element_type3A_127, %add3A_1124 : vector<256x256xbf16>
      %max3A_1126 = vector.broadcast %scan3A : bf16 to vector<256x256xbf16>
      %max3A_1127 = arith.maximumf %add3A_1125, %max3A_1126 : vector<256x256xbf16>
      %slice3A_1128 = vector.extract_strided_slice %get3A_1052 {offsets = [15, 0], sizes = [1, 256], strides = [1, 1]} : vector<16x256xbf16> to vector<1x256xbf16>
      %add3A_1129 = vector.broadcast %slice3A_1128 : vector<1x256xbf16> to vector<256x256xbf16>
      %add3A_1130 = arith.addf %convert_element_type3A_127, %add3A_1129 : vector<256x256xbf16>
      %max3A_1131 = vector.broadcast %scan3A : bf16 to vector<256x256xbf16>
      %max3A_1132 = arith.maximumf %add3A_1130, %max3A_1131 : vector<256x256xbf16>
      %mul3A_1133 = arith.constant 256 : i32
      %mul3A_1134 = arith.muli %scan3A_148, %mul3A_1133 : i32
      %add3A_1135 = arith.constant 160 : i32
      %add3A_1136 = arith.addi %mul3A_1134, %add3A_1135 : i32
      %add3A_1137 = arith.constant 16 : i32
      %add3A_1138 = arith.addi %add3A_1136, %add3A_1137 : i32
      %get3A_1139 = arith.index_cast %add3A_1138 : i32 to index
      %get3A_1140 = arith.constant 0 : index
      %get3A_1141 = vector.load %arg17[%get3A_1139, %get3A_1140] : memref<1024x256xbf16, #tpu.memory_space<vmem>>, vector<16x256xbf16>
      %slice3A_1142 = vector.extract_strided_slice %get3A_1141 {offsets = [0, 0], sizes = [1, 256], strides = [1, 1]} : vector<16x256xbf16> to vector<1x256xbf16>
      %add3A_1143 = vector.broadcast %slice3A_1142 : vector<1x256xbf16> to vector<256x256xbf16>
      %add3A_1144 = arith.addf %convert_element_type3A_127, %add3A_1143 : vector<256x256xbf16>
      %max3A_1145 = vector.broadcast %scan3A : bf16 to vector<256x256xbf16>
      %max3A_1146 = arith.maximumf %add3A_1144, %max3A_1145 : vector<256x256xbf16>
      %slice3A_1147 = vector.extract_strided_slice %get3A_1141 {offsets = [1, 0], sizes = [1, 256], strides = [1, 1]} : vector<16x256xbf16> to vector<1x256xbf16>
      %add3A_1148 = vector.broadcast %slice3A_1147 : vector<1x256xbf16> to vector<256x256xbf16>
      %add3A_1149 = arith.addf %convert_element_type3A_127, %add3A_1148 : vector<256x256xbf16>
      %max3A_1150 = vector.broadcast %scan3A : bf16 to vector<256x256xbf16>
      %max3A_1151 = arith.maximumf %add3A_1149, %max3A_1150 : vector<256x256xbf16>
      %slice3A_1152 = vector.extract_strided_slice %get3A_1141 {offsets = [2, 0], sizes = [1, 256], strides = [1, 1]} : vector<16x256xbf16> to vector<1x256xbf16>
      %add3A_1153 = vector.broadcast %slice3A_1152 : vector<1x256xbf16> to vector<256x256xbf16>
      %add3A_1154 = arith.addf %convert_element_type3A_127, %add3A_1153 : vector<256x256xbf16>
      %max3A_1155 = vector.broadcast %scan3A : bf16 to vector<256x256xbf16>
      %max3A_1156 = arith.maximumf %add3A_1154, %max3A_1155 : vector<256x256xbf16>
      %slice3A_1157 = vector.extract_strided_slice %get3A_1141 {offsets = [3, 0], sizes = [1, 256], strides = [1, 1]} : vector<16x256xbf16> to vector<1x256xbf16>
      %add3A_1158 = vector.broadcast %slice3A_1157 : vector<1x256xbf16> to vector<256x256xbf16>
      %add3A_1159 = arith.addf %convert_element_type3A_127, %add3A_1158 : vector<256x256xbf16>
      %max3A_1160 = vector.broadcast %scan3A : bf16 to vector<256x256xbf16>
      %max3A_1161 = arith.maximumf %add3A_1159, %max3A_1160 : vector<256x256xbf16>
      %slice3A_1162 = vector.extract_strided_slice %get3A_1141 {offsets = [4, 0], sizes = [1, 256], strides = [1, 1]} : vector<16x256xbf16> to vector<1x256xbf16>
      %add3A_1163 = vector.broadcast %slice3A_1162 : vector<1x256xbf16> to vector<256x256xbf16>
      %add3A_1164 = arith.addf %convert_element_type3A_127, %add3A_1163 : vector<256x256xbf16>
      %max3A_1165 = vector.broadcast %scan3A : bf16 to vector<256x256xbf16>
      %max3A_1166 = arith.maximumf %add3A_1164, %max3A_1165 : vector<256x256xbf16>
      %slice3A_1167 = vector.extract_strided_slice %get3A_1141 {offsets = [5, 0], sizes = [1, 256], strides = [1, 1]} : vector<16x256xbf16> to vector<1x256xbf16>
      %add3A_1168 = vector.broadcast %slice3A_1167 : vector<1x256xbf16> to vector<256x256xbf16>
      %add3A_1169 = arith.addf %convert_element_type3A_127, %add3A_1168 : vector<256x256xbf16>
      %max3A_1170 = vector.broadcast %scan3A : bf16 to vector<256x256xbf16>
      %max3A_1171 = arith.maximumf %add3A_1169, %max3A_1170 : vector<256x256xbf16>
      %slice3A_1172 = vector.extract_strided_slice %get3A_1141 {offsets = [6, 0], sizes = [1, 256], strides = [1, 1]} : vector<16x256xbf16> to vector<1x256xbf16>
      %add3A_1173 = vector.broadcast %slice3A_1172 : vector<1x256xbf16> to vector<256x256xbf16>
      %add3A_1174 = arith.addf %convert_element_type3A_127, %add3A_1173 : vector<256x256xbf16>
      %max3A_1175 = vector.broadcast %scan3A : bf16 to vector<256x256xbf16>
      %max3A_1176 = arith.maximumf %add3A_1174, %max3A_1175 : vector<256x256xbf16>
      %slice3A_1177 = vector.extract_strided_slice %get3A_1141 {offsets = [7, 0], sizes = [1, 256], strides = [1, 1]} : vector<16x256xbf16> to vector<1x256xbf16>
      %add3A_1178 = vector.broadcast %slice3A_1177 : vector<1x256xbf16> to vector<256x256xbf16>
      %add3A_1179 = arith.addf %convert_element_type3A_127, %add3A_1178 : vector<256x256xbf16>
      %max3A_1180 = vector.broadcast %scan3A : bf16 to vector<256x256xbf16>
      %max3A_1181 = arith.maximumf %add3A_1179, %max3A_1180 : vector<256x256xbf16>
      %slice3A_1182 = vector.extract_strided_slice %get3A_1141 {offsets = [8, 0], sizes = [1, 256], strides = [1, 1]} : vector<16x256xbf16> to vector<1x256xbf16>
      %add3A_1183 = vector.broadcast %slice3A_1182 : vector<1x256xbf16> to vector<256x256xbf16>
      %add3A_1184 = arith.addf %convert_element_type3A_127, %add3A_1183 : vector<256x256xbf16>
      %max3A_1185 = vector.broadcast %scan3A : bf16 to vector<256x256xbf16>
      %max3A_1186 = arith.maximumf %add3A_1184, %max3A_1185 : vector<256x256xbf16>
      %slice3A_1187 = vector.extract_strided_slice %get3A_1141 {offsets = [9, 0], sizes = [1, 256], strides = [1, 1]} : vector<16x256xbf16> to vector<1x256xbf16>
      %add3A_1188 = vector.broadcast %slice3A_1187 : vector<1x256xbf16> to vector<256x256xbf16>
      %add3A_1189 = arith.addf %convert_element_type3A_127, %add3A_1188 : vector<256x256xbf16>
      %max3A_1190 = vector.broadcast %scan3A : bf16 to vector<256x256xbf16>
      %max3A_1191 = arith.maximumf %add3A_1189, %max3A_1190 : vector<256x256xbf16>
      %slice3A_1192 = vector.extract_strided_slice %get3A_1141 {offsets = [10, 0], sizes = [1, 256], strides = [1, 1]} : vector<16x256xbf16> to vector<1x256xbf16>
      %add3A_1193 = vector.broadcast %slice3A_1192 : vector<1x256xbf16> to vector<256x256xbf16>
      %add3A_1194 = arith.addf %convert_element_type3A_127, %add3A_1193 : vector<256x256xbf16>
      %max3A_1195 = vector.broadcast %scan3A : bf16 to vector<256x256xbf16>
      %max3A_1196 = arith.maximumf %add3A_1194, %max3A_1195 : vector<256x256xbf16>
      %slice3A_1197 = vector.extract_strided_slice %get3A_1141 {offsets = [11, 0], sizes = [1, 256], strides = [1, 1]} : vector<16x256xbf16> to vector<1x256xbf16>
      %add3A_1198 = vector.broadcast %slice3A_1197 : vector<1x256xbf16> to vector<256x256xbf16>
      %add3A_1199 = arith.addf %convert_element_type3A_127, %add3A_1198 : vector<256x256xbf16>
      %max3A_1200 = vector.broadcast %scan3A : bf16 to vector<256x256xbf16>
      %max3A_1201 = arith.maximumf %add3A_1199, %max3A_1200 : vector<256x256xbf16>
      %slice3A_1202 = vector.extract_strided_slice %get3A_1141 {offsets = [12, 0], sizes = [1, 256], strides = [1, 1]} : vector<16x256xbf16> to vector<1x256xbf16>
      %add3A_1203 = vector.broadcast %slice3A_1202 : vector<1x256xbf16> to vector<256x256xbf16>
      %add3A_1204 = arith.addf %convert_element_type3A_127, %add3A_1203 : vector<256x256xbf16>
      %max3A_1205 = vector.broadcast %scan3A : bf16 to vector<256x256xbf16>
      %max3A_1206 = arith.maximumf %add3A_1204, %max3A_1205 : vector<256x256xbf16>
      %slice3A_1207 = vector.extract_strided_slice %get3A_1141 {offsets = [13, 0], sizes = [1, 256], strides = [1, 1]} : vector<16x256xbf16> to vector<1x256xbf16>
      %add3A_1208 = vector.broadcast %slice3A_1207 : vector<1x256xbf16> to vector<256x256xbf16>
      %add3A_1209 = arith.addf %convert_element_type3A_127, %add3A_1208 : vector<256x256xbf16>
      %max3A_1210 = vector.broadcast %scan3A : bf16 to vector<256x256xbf16>
      %max3A_1211 = arith.maximumf %add3A_1209, %max3A_1210 : vector<256x256xbf16>
      %slice3A_1212 = vector.extract_strided_slice %get3A_1141 {offsets = [14, 0], sizes = [1, 256], strides = [1, 1]} : vector<16x256xbf16> to vector<1x256xbf16>
      %add3A_1213 = vector.broadcast %slice3A_1212 : vector<1x256xbf16> to vector<256x256xbf16>
      %add3A_1214 = arith.addf %convert_element_type3A_127, %add3A_1213 : vector<256x256xbf16>
      %max3A_1215 = vector.broadcast %scan3A : bf16 to vector<256x256xbf16>
      %max3A_1216 = arith.maximumf %add3A_1214, %max3A_1215 : vector<256x256xbf16>
      %slice3A_1217 = vector.extract_strided_slice %get3A_1141 {offsets = [15, 0], sizes = [1, 256], strides = [1, 1]} : vector<16x256xbf16> to vector<1x256xbf16>
      %add3A_1218 = vector.broadcast %slice3A_1217 : vector<1x256xbf16> to vector<256x256xbf16>
      %add3A_1219 = arith.addf %convert_element_type3A_127, %add3A_1218 : vector<256x256xbf16>
      %max3A_1220 = vector.broadcast %scan3A : bf16 to vector<256x256xbf16>
      %max3A_1221 = arith.maximumf %add3A_1219, %max3A_1220 : vector<256x256xbf16>
      %concatenate3A_1222 = tpu.concatenate %max3A_1057, %max3A_1062, %max3A_1067, %max3A_1072, %max3A_1077, %max3A_1082, %max3A_1087, %max3A_1092, %max3A_1097, %max3A_1102, %max3A_1107, %max3A_1112, %max3A_1117, %max3A_1122, %max3A_1127, %max3A_1132, %max3A_1146, %max3A_1151, %max3A_1156, %max3A_1161, %max3A_1166, %max3A_1171, %max3A_1176, %max3A_1181, %max3A_1186, %max3A_1191, %max3A_1196, %max3A_1201, %max3A_1206, %max3A_1211, %max3A_1216, %max3A_1221 in 1 : vector<256x256xbf16>, vector<256x256xbf16>, vector<256x256xbf16>, vector<256x256xbf16>, vector<256x256xbf16>, vector<256x256xbf16>, vector<256x256xbf16>, vector<256x256xbf16>, vector<256x256xbf16>, vector<256x256xbf16>, vector<256x256xbf16>, vector<256x256xbf16>, vector<256x256xbf16>, vector<256x256xbf16>, vector<256x256xbf16>, vector<256x256xbf16>, vector<256x256xbf16>, vector<256x256xbf16>, vector<256x256xbf16>, vector<256x256xbf16>, vector<256x256xbf16>, vector<256x256xbf16>, vector<256x256xbf16>, vector<256x256xbf16>, vector<256x256xbf16>, vector<256x256xbf16>, vector<256x256xbf16>, vector<256x256xbf16>, vector<256x256xbf16>, vector<256x256xbf16>, vector<256x256xbf16>, vector<256x256xbf16> -> vector<256x8192xbf16>
      %mul3A_1223 = arith.constant 256 : i32
      %mul3A_1224 = arith.muli %scan3A_148, %mul3A_1223 : i32
      %add3A_1225 = arith.constant 192 : i32
      %add3A_1226 = arith.addi %mul3A_1224, %add3A_1225 : i32
      %add3A_1227 = arith.constant 0 : i32
      %add3A_1228 = arith.addi %add3A_1226, %add3A_1227 : i32
      %get3A_1229 = arith.index_cast %add3A_1228 : i32 to index
      %get3A_1230 = arith.constant 0 : index
      %get3A_1231 = vector.load %arg17[%get3A_1229, %get3A_1230] : memref<1024x256xbf16, #tpu.memory_space<vmem>>, vector<16x256xbf16>
      %slice3A_1232 = vector.extract_strided_slice %get3A_1231 {offsets = [0, 0], sizes = [1, 256], strides = [1, 1]} : vector<16x256xbf16> to vector<1x256xbf16>
      %add3A_1233 = vector.broadcast %slice3A_1232 : vector<1x256xbf16> to vector<256x256xbf16>
      %add3A_1234 = arith.addf %convert_element_type3A_127, %add3A_1233 : vector<256x256xbf16>
      %max3A_1235 = vector.broadcast %scan3A : bf16 to vector<256x256xbf16>
      %max3A_1236 = arith.maximumf %add3A_1234, %max3A_1235 : vector<256x256xbf16>
      %slice3A_1237 = vector.extract_strided_slice %get3A_1231 {offsets = [1, 0], sizes = [1, 256], strides = [1, 1]} : vector<16x256xbf16> to vector<1x256xbf16>
      %add3A_1238 = vector.broadcast %slice3A_1237 : vector<1x256xbf16> to vector<256x256xbf16>
      %add3A_1239 = arith.addf %convert_element_type3A_127, %add3A_1238 : vector<256x256xbf16>
      %max3A_1240 = vector.broadcast %scan3A : bf16 to vector<256x256xbf16>
      %max3A_1241 = arith.maximumf %add3A_1239, %max3A_1240 : vector<256x256xbf16>
      %slice3A_1242 = vector.extract_strided_slice %get3A_1231 {offsets = [2, 0], sizes = [1, 256], strides = [1, 1]} : vector<16x256xbf16> to vector<1x256xbf16>
      %add3A_1243 = vector.broadcast %slice3A_1242 : vector<1x256xbf16> to vector<256x256xbf16>
      %add3A_1244 = arith.addf %convert_element_type3A_127, %add3A_1243 : vector<256x256xbf16>
      %max3A_1245 = vector.broadcast %scan3A : bf16 to vector<256x256xbf16>
      %max3A_1246 = arith.maximumf %add3A_1244, %max3A_1245 : vector<256x256xbf16>
      %slice3A_1247 = vector.extract_strided_slice %get3A_1231 {offsets = [3, 0], sizes = [1, 256], strides = [1, 1]} : vector<16x256xbf16> to vector<1x256xbf16>
      %add3A_1248 = vector.broadcast %slice3A_1247 : vector<1x256xbf16> to vector<256x256xbf16>
      %add3A_1249 = arith.addf %convert_element_type3A_127, %add3A_1248 : vector<256x256xbf16>
      %max3A_1250 = vector.broadcast %scan3A : bf16 to vector<256x256xbf16>
      %max3A_1251 = arith.maximumf %add3A_1249, %max3A_1250 : vector<256x256xbf16>
      %slice3A_1252 = vector.extract_strided_slice %get3A_1231 {offsets = [4, 0], sizes = [1, 256], strides = [1, 1]} : vector<16x256xbf16> to vector<1x256xbf16>
      %add3A_1253 = vector.broadcast %slice3A_1252 : vector<1x256xbf16> to vector<256x256xbf16>
      %add3A_1254 = arith.addf %convert_element_type3A_127, %add3A_1253 : vector<256x256xbf16>
      %max3A_1255 = vector.broadcast %scan3A : bf16 to vector<256x256xbf16>
      %max3A_1256 = arith.maximumf %add3A_1254, %max3A_1255 : vector<256x256xbf16>
      %slice3A_1257 = vector.extract_strided_slice %get3A_1231 {offsets = [5, 0], sizes = [1, 256], strides = [1, 1]} : vector<16x256xbf16> to vector<1x256xbf16>
      %add3A_1258 = vector.broadcast %slice3A_1257 : vector<1x256xbf16> to vector<256x256xbf16>
      %add3A_1259 = arith.addf %convert_element_type3A_127, %add3A_1258 : vector<256x256xbf16>
      %max3A_1260 = vector.broadcast %scan3A : bf16 to vector<256x256xbf16>
      %max3A_1261 = arith.maximumf %add3A_1259, %max3A_1260 : vector<256x256xbf16>
      %slice3A_1262 = vector.extract_strided_slice %get3A_1231 {offsets = [6, 0], sizes = [1, 256], strides = [1, 1]} : vector<16x256xbf16> to vector<1x256xbf16>
      %add3A_1263 = vector.broadcast %slice3A_1262 : vector<1x256xbf16> to vector<256x256xbf16>
      %add3A_1264 = arith.addf %convert_element_type3A_127, %add3A_1263 : vector<256x256xbf16>
      %max3A_1265 = vector.broadcast %scan3A : bf16 to vector<256x256xbf16>
      %max3A_1266 = arith.maximumf %add3A_1264, %max3A_1265 : vector<256x256xbf16>
      %slice3A_1267 = vector.extract_strided_slice %get3A_1231 {offsets = [7, 0], sizes = [1, 256], strides = [1, 1]} : vector<16x256xbf16> to vector<1x256xbf16>
      %add3A_1268 = vector.broadcast %slice3A_1267 : vector<1x256xbf16> to vector<256x256xbf16>
      %add3A_1269 = arith.addf %convert_element_type3A_127, %add3A_1268 : vector<256x256xbf16>
      %max3A_1270 = vector.broadcast %scan3A : bf16 to vector<256x256xbf16>
      %max3A_1271 = arith.maximumf %add3A_1269, %max3A_1270 : vector<256x256xbf16>
      %slice3A_1272 = vector.extract_strided_slice %get3A_1231 {offsets = [8, 0], sizes = [1, 256], strides = [1, 1]} : vector<16x256xbf16> to vector<1x256xbf16>
      %add3A_1273 = vector.broadcast %slice3A_1272 : vector<1x256xbf16> to vector<256x256xbf16>
      %add3A_1274 = arith.addf %convert_element_type3A_127, %add3A_1273 : vector<256x256xbf16>
      %max3A_1275 = vector.broadcast %scan3A : bf16 to vector<256x256xbf16>
      %max3A_1276 = arith.maximumf %add3A_1274, %max3A_1275 : vector<256x256xbf16>
      %slice3A_1277 = vector.extract_strided_slice %get3A_1231 {offsets = [9, 0], sizes = [1, 256], strides = [1, 1]} : vector<16x256xbf16> to vector<1x256xbf16>
      %add3A_1278 = vector.broadcast %slice3A_1277 : vector<1x256xbf16> to vector<256x256xbf16>
      %add3A_1279 = arith.addf %convert_element_type3A_127, %add3A_1278 : vector<256x256xbf16>
      %max3A_1280 = vector.broadcast %scan3A : bf16 to vector<256x256xbf16>
      %max3A_1281 = arith.maximumf %add3A_1279, %max3A_1280 : vector<256x256xbf16>
      %slice3A_1282 = vector.extract_strided_slice %get3A_1231 {offsets = [10, 0], sizes = [1, 256], strides = [1, 1]} : vector<16x256xbf16> to vector<1x256xbf16>
      %add3A_1283 = vector.broadcast %slice3A_1282 : vector<1x256xbf16> to vector<256x256xbf16>
      %add3A_1284 = arith.addf %convert_element_type3A_127, %add3A_1283 : vector<256x256xbf16>
      %max3A_1285 = vector.broadcast %scan3A : bf16 to vector<256x256xbf16>
      %max3A_1286 = arith.maximumf %add3A_1284, %max3A_1285 : vector<256x256xbf16>
      %slice3A_1287 = vector.extract_strided_slice %get3A_1231 {offsets = [11, 0], sizes = [1, 256], strides = [1, 1]} : vector<16x256xbf16> to vector<1x256xbf16>
      %add3A_1288 = vector.broadcast %slice3A_1287 : vector<1x256xbf16> to vector<256x256xbf16>
      %add3A_1289 = arith.addf %convert_element_type3A_127, %add3A_1288 : vector<256x256xbf16>
      %max3A_1290 = vector.broadcast %scan3A : bf16 to vector<256x256xbf16>
      %max3A_1291 = arith.maximumf %add3A_1289, %max3A_1290 : vector<256x256xbf16>
      %slice3A_1292 = vector.extract_strided_slice %get3A_1231 {offsets = [12, 0], sizes = [1, 256], strides = [1, 1]} : vector<16x256xbf16> to vector<1x256xbf16>
      %add3A_1293 = vector.broadcast %slice3A_1292 : vector<1x256xbf16> to vector<256x256xbf16>
      %add3A_1294 = arith.addf %convert_element_type3A_127, %add3A_1293 : vector<256x256xbf16>
      %max3A_1295 = vector.broadcast %scan3A : bf16 to vector<256x256xbf16>
      %max3A_1296 = arith.maximumf %add3A_1294, %max3A_1295 : vector<256x256xbf16>
      %slice3A_1297 = vector.extract_strided_slice %get3A_1231 {offsets = [13, 0], sizes = [1, 256], strides = [1, 1]} : vector<16x256xbf16> to vector<1x256xbf16>
      %add3A_1298 = vector.broadcast %slice3A_1297 : vector<1x256xbf16> to vector<256x256xbf16>
      %add3A_1299 = arith.addf %convert_element_type3A_127, %add3A_1298 : vector<256x256xbf16>
      %max3A_1300 = vector.broadcast %scan3A : bf16 to vector<256x256xbf16>
      %max3A_1301 = arith.maximumf %add3A_1299, %max3A_1300 : vector<256x256xbf16>
      %slice3A_1302 = vector.extract_strided_slice %get3A_1231 {offsets = [14, 0], sizes = [1, 256], strides = [1, 1]} : vector<16x256xbf16> to vector<1x256xbf16>
      %add3A_1303 = vector.broadcast %slice3A_1302 : vector<1x256xbf16> to vector<256x256xbf16>
      %add3A_1304 = arith.addf %convert_element_type3A_127, %add3A_1303 : vector<256x256xbf16>
      %max3A_1305 = vector.broadcast %scan3A : bf16 to vector<256x256xbf16>
      %max3A_1306 = arith.maximumf %add3A_1304, %max3A_1305 : vector<256x256xbf16>
      %slice3A_1307 = vector.extract_strided_slice %get3A_1231 {offsets = [15, 0], sizes = [1, 256], strides = [1, 1]} : vector<16x256xbf16> to vector<1x256xbf16>
      %add3A_1308 = vector.broadcast %slice3A_1307 : vector<1x256xbf16> to vector<256x256xbf16>
      %add3A_1309 = arith.addf %convert_element_type3A_127, %add3A_1308 : vector<256x256xbf16>
      %max3A_1310 = vector.broadcast %scan3A : bf16 to vector<256x256xbf16>
      %max3A_1311 = arith.maximumf %add3A_1309, %max3A_1310 : vector<256x256xbf16>
      %mul3A_1312 = arith.constant 256 : i32
      %mul3A_1313 = arith.muli %scan3A_148, %mul3A_1312 : i32
      %add3A_1314 = arith.constant 192 : i32
      %add3A_1315 = arith.addi %mul3A_1313, %add3A_1314 : i32
      %add3A_1316 = arith.constant 16 : i32
      %add3A_1317 = arith.addi %add3A_1315, %add3A_1316 : i32
      %get3A_1318 = arith.index_cast %add3A_1317 : i32 to index
      %get3A_1319 = arith.constant 0 : index
      %get3A_1320 = vector.load %arg17[%get3A_1318, %get3A_1319] : memref<1024x256xbf16, #tpu.memory_space<vmem>>, vector<16x256xbf16>
      %slice3A_1321 = vector.extract_strided_slice %get3A_1320 {offsets = [0, 0], sizes = [1, 256], strides = [1, 1]} : vector<16x256xbf16> to vector<1x256xbf16>
      %add3A_1322 = vector.broadcast %slice3A_1321 : vector<1x256xbf16> to vector<256x256xbf16>
      %add3A_1323 = arith.addf %convert_element_type3A_127, %add3A_1322 : vector<256x256xbf16>
      %max3A_1324 = vector.broadcast %scan3A : bf16 to vector<256x256xbf16>
      %max3A_1325 = arith.maximumf %add3A_1323, %max3A_1324 : vector<256x256xbf16>
      %slice3A_1326 = vector.extract_strided_slice %get3A_1320 {offsets = [1, 0], sizes = [1, 256], strides = [1, 1]} : vector<16x256xbf16> to vector<1x256xbf16>
      %add3A_1327 = vector.broadcast %slice3A_1326 : vector<1x256xbf16> to vector<256x256xbf16>
      %add3A_1328 = arith.addf %convert_element_type3A_127, %add3A_1327 : vector<256x256xbf16>
      %max3A_1329 = vector.broadcast %scan3A : bf16 to vector<256x256xbf16>
      %max3A_1330 = arith.maximumf %add3A_1328, %max3A_1329 : vector<256x256xbf16>
      %slice3A_1331 = vector.extract_strided_slice %get3A_1320 {offsets = [2, 0], sizes = [1, 256], strides = [1, 1]} : vector<16x256xbf16> to vector<1x256xbf16>
      %add3A_1332 = vector.broadcast %slice3A_1331 : vector<1x256xbf16> to vector<256x256xbf16>
      %add3A_1333 = arith.addf %convert_element_type3A_127, %add3A_1332 : vector<256x256xbf16>
      %max3A_1334 = vector.broadcast %scan3A : bf16 to vector<256x256xbf16>
      %max3A_1335 = arith.maximumf %add3A_1333, %max3A_1334 : vector<256x256xbf16>
      %slice3A_1336 = vector.extract_strided_slice %get3A_1320 {offsets = [3, 0], sizes = [1, 256], strides = [1, 1]} : vector<16x256xbf16> to vector<1x256xbf16>
      %add3A_1337 = vector.broadcast %slice3A_1336 : vector<1x256xbf16> to vector<256x256xbf16>
      %add3A_1338 = arith.addf %convert_element_type3A_127, %add3A_1337 : vector<256x256xbf16>
      %max3A_1339 = vector.broadcast %scan3A : bf16 to vector<256x256xbf16>
      %max3A_1340 = arith.maximumf %add3A_1338, %max3A_1339 : vector<256x256xbf16>
      %slice3A_1341 = vector.extract_strided_slice %get3A_1320 {offsets = [4, 0], sizes = [1, 256], strides = [1, 1]} : vector<16x256xbf16> to vector<1x256xbf16>
      %add3A_1342 = vector.broadcast %slice3A_1341 : vector<1x256xbf16> to vector<256x256xbf16>
      %add3A_1343 = arith.addf %convert_element_type3A_127, %add3A_1342 : vector<256x256xbf16>
      %max3A_1344 = vector.broadcast %scan3A : bf16 to vector<256x256xbf16>
      %max3A_1345 = arith.maximumf %add3A_1343, %max3A_1344 : vector<256x256xbf16>
      %slice3A_1346 = vector.extract_strided_slice %get3A_1320 {offsets = [5, 0], sizes = [1, 256], strides = [1, 1]} : vector<16x256xbf16> to vector<1x256xbf16>
      %add3A_1347 = vector.broadcast %slice3A_1346 : vector<1x256xbf16> to vector<256x256xbf16>
      %add3A_1348 = arith.addf %convert_element_type3A_127, %add3A_1347 : vector<256x256xbf16>
      %max3A_1349 = vector.broadcast %scan3A : bf16 to vector<256x256xbf16>
      %max3A_1350 = arith.maximumf %add3A_1348, %max3A_1349 : vector<256x256xbf16>
      %slice3A_1351 = vector.extract_strided_slice %get3A_1320 {offsets = [6, 0], sizes = [1, 256], strides = [1, 1]} : vector<16x256xbf16> to vector<1x256xbf16>
      %add3A_1352 = vector.broadcast %slice3A_1351 : vector<1x256xbf16> to vector<256x256xbf16>
      %add3A_1353 = arith.addf %convert_element_type3A_127, %add3A_1352 : vector<256x256xbf16>
      %max3A_1354 = vector.broadcast %scan3A : bf16 to vector<256x256xbf16>
      %max3A_1355 = arith.maximumf %add3A_1353, %max3A_1354 : vector<256x256xbf16>
      %slice3A_1356 = vector.extract_strided_slice %get3A_1320 {offsets = [7, 0], sizes = [1, 256], strides = [1, 1]} : vector<16x256xbf16> to vector<1x256xbf16>
      %add3A_1357 = vector.broadcast %slice3A_1356 : vector<1x256xbf16> to vector<256x256xbf16>
      %add3A_1358 = arith.addf %convert_element_type3A_127, %add3A_1357 : vector<256x256xbf16>
      %max3A_1359 = vector.broadcast %scan3A : bf16 to vector<256x256xbf16>
      %max3A_1360 = arith.maximumf %add3A_1358, %max3A_1359 : vector<256x256xbf16>
      %slice3A_1361 = vector.extract_strided_slice %get3A_1320 {offsets = [8, 0], sizes = [1, 256], strides = [1, 1]} : vector<16x256xbf16> to vector<1x256xbf16>
      %add3A_1362 = vector.broadcast %slice3A_1361 : vector<1x256xbf16> to vector<256x256xbf16>
      %add3A_1363 = arith.addf %convert_element_type3A_127, %add3A_1362 : vector<256x256xbf16>
      %max3A_1364 = vector.broadcast %scan3A : bf16 to vector<256x256xbf16>
      %max3A_1365 = arith.maximumf %add3A_1363, %max3A_1364 : vector<256x256xbf16>
      %slice3A_1366 = vector.extract_strided_slice %get3A_1320 {offsets = [9, 0], sizes = [1, 256], strides = [1, 1]} : vector<16x256xbf16> to vector<1x256xbf16>
      %add3A_1367 = vector.broadcast %slice3A_1366 : vector<1x256xbf16> to vector<256x256xbf16>
      %add3A_1368 = arith.addf %convert_element_type3A_127, %add3A_1367 : vector<256x256xbf16>
      %max3A_1369 = vector.broadcast %scan3A : bf16 to vector<256x256xbf16>
      %max3A_1370 = arith.maximumf %add3A_1368, %max3A_1369 : vector<256x256xbf16>
      %slice3A_1371 = vector.extract_strided_slice %get3A_1320 {offsets = [10, 0], sizes = [1, 256], strides = [1, 1]} : vector<16x256xbf16> to vector<1x256xbf16>
      %add3A_1372 = vector.broadcast %slice3A_1371 : vector<1x256xbf16> to vector<256x256xbf16>
      %add3A_1373 = arith.addf %convert_element_type3A_127, %add3A_1372 : vector<256x256xbf16>
      %max3A_1374 = vector.broadcast %scan3A : bf16 to vector<256x256xbf16>
      %max3A_1375 = arith.maximumf %add3A_1373, %max3A_1374 : vector<256x256xbf16>
      %slice3A_1376 = vector.extract_strided_slice %get3A_1320 {offsets = [11, 0], sizes = [1, 256], strides = [1, 1]} : vector<16x256xbf16> to vector<1x256xbf16>
      %add3A_1377 = vector.broadcast %slice3A_1376 : vector<1x256xbf16> to vector<256x256xbf16>
      %add3A_1378 = arith.addf %convert_element_type3A_127, %add3A_1377 : vector<256x256xbf16>
      %max3A_1379 = vector.broadcast %scan3A : bf16 to vector<256x256xbf16>
      %max3A_1380 = arith.maximumf %add3A_1378, %max3A_1379 : vector<256x256xbf16>
      %slice3A_1381 = vector.extract_strided_slice %get3A_1320 {offsets = [12, 0], sizes = [1, 256], strides = [1, 1]} : vector<16x256xbf16> to vector<1x256xbf16>
      %add3A_1382 = vector.broadcast %slice3A_1381 : vector<1x256xbf16> to vector<256x256xbf16>
      %add3A_1383 = arith.addf %convert_element_type3A_127, %add3A_1382 : vector<256x256xbf16>
      %max3A_1384 = vector.broadcast %scan3A : bf16 to vector<256x256xbf16>
      %max3A_1385 = arith.maximumf %add3A_1383, %max3A_1384 : vector<256x256xbf16>
      %slice3A_1386 = vector.extract_strided_slice %get3A_1320 {offsets = [13, 0], sizes = [1, 256], strides = [1, 1]} : vector<16x256xbf16> to vector<1x256xbf16>
      %add3A_1387 = vector.broadcast %slice3A_1386 : vector<1x256xbf16> to vector<256x256xbf16>
      %add3A_1388 = arith.addf %convert_element_type3A_127, %add3A_1387 : vector<256x256xbf16>
      %max3A_1389 = vector.broadcast %scan3A : bf16 to vector<256x256xbf16>
      %max3A_1390 = arith.maximumf %add3A_1388, %max3A_1389 : vector<256x256xbf16>
      %slice3A_1391 = vector.extract_strided_slice %get3A_1320 {offsets = [14, 0], sizes = [1, 256], strides = [1, 1]} : vector<16x256xbf16> to vector<1x256xbf16>
      %add3A_1392 = vector.broadcast %slice3A_1391 : vector<1x256xbf16> to vector<256x256xbf16>
      %add3A_1393 = arith.addf %convert_element_type3A_127, %add3A_1392 : vector<256x256xbf16>
      %max3A_1394 = vector.broadcast %scan3A : bf16 to vector<256x256xbf16>
      %max3A_1395 = arith.maximumf %add3A_1393, %max3A_1394 : vector<256x256xbf16>
      %slice3A_1396 = vector.extract_strided_slice %get3A_1320 {offsets = [15, 0], sizes = [1, 256], strides = [1, 1]} : vector<16x256xbf16> to vector<1x256xbf16>
      %add3A_1397 = vector.broadcast %slice3A_1396 : vector<1x256xbf16> to vector<256x256xbf16>
      %add3A_1398 = arith.addf %convert_element_type3A_127, %add3A_1397 : vector<256x256xbf16>
      %max3A_1399 = vector.broadcast %scan3A : bf16 to vector<256x256xbf16>
      %max3A_1400 = arith.maximumf %add3A_1398, %max3A_1399 : vector<256x256xbf16>
      %concatenate3A_1401 = tpu.concatenate %max3A_1236, %max3A_1241, %max3A_1246, %max3A_1251, %max3A_1256, %max3A_1261, %max3A_1266, %max3A_1271, %max3A_1276, %max3A_1281, %max3A_1286, %max3A_1291, %max3A_1296, %max3A_1301, %max3A_1306, %max3A_1311, %max3A_1325, %max3A_1330, %max3A_1335, %max3A_1340, %max3A_1345, %max3A_1350, %max3A_1355, %max3A_1360, %max3A_1365, %max3A_1370, %max3A_1375, %max3A_1380, %max3A_1385, %max3A_1390, %max3A_1395, %max3A_1400 in 1 : vector<256x256xbf16>, vector<256x256xbf16>, vector<256x256xbf16>, vector<256x256xbf16>, vector<256x256xbf16>, vector<256x256xbf16>, vector<256x256xbf16>, vector<256x256xbf16>, vector<256x256xbf16>, vector<256x256xbf16>, vector<256x256xbf16>, vector<256x256xbf16>, vector<256x256xbf16>, vector<256x256xbf16>, vector<256x256xbf16>, vector<256x256xbf16>, vector<256x256xbf16>, vector<256x256xbf16>, vector<256x256xbf16>, vector<256x256xbf16>, vector<256x256xbf16>, vector<256x256xbf16>, vector<256x256xbf16>, vector<256x256xbf16>, vector<256x256xbf16>, vector<256x256xbf16>, vector<256x256xbf16>, vector<256x256xbf16>, vector<256x256xbf16>, vector<256x256xbf16>, vector<256x256xbf16>, vector<256x256xbf16> -> vector<256x8192xbf16>
      %mul3A_1402 = arith.constant 256 : i32
      %mul3A_1403 = arith.muli %scan3A_148, %mul3A_1402 : i32
      %add3A_1404 = arith.constant 224 : i32
      %add3A_1405 = arith.addi %mul3A_1403, %add3A_1404 : i32
      %add3A_1406 = arith.constant 0 : i32
      %add3A_1407 = arith.addi %add3A_1405, %add3A_1406 : i32
      %get3A_1408 = arith.index_cast %add3A_1407 : i32 to index
      %get3A_1409 = arith.constant 0 : index
      %get3A_1410 = vector.load %arg17[%get3A_1408, %get3A_1409] : memref<1024x256xbf16, #tpu.memory_space<vmem>>, vector<16x256xbf16>
      %slice3A_1411 = vector.extract_strided_slice %get3A_1410 {offsets = [0, 0], sizes = [1, 256], strides = [1, 1]} : vector<16x256xbf16> to vector<1x256xbf16>
      %add3A_1412 = vector.broadcast %slice3A_1411 : vector<1x256xbf16> to vector<256x256xbf16>
      %add3A_1413 = arith.addf %convert_element_type3A_127, %add3A_1412 : vector<256x256xbf16>
      %max3A_1414 = vector.broadcast %scan3A : bf16 to vector<256x256xbf16>
      %max3A_1415 = arith.maximumf %add3A_1413, %max3A_1414 : vector<256x256xbf16>
      %slice3A_1416 = vector.extract_strided_slice %get3A_1410 {offsets = [1, 0], sizes = [1, 256], strides = [1, 1]} : vector<16x256xbf16> to vector<1x256xbf16>
      %add3A_1417 = vector.broadcast %slice3A_1416 : vector<1x256xbf16> to vector<256x256xbf16>
      %add3A_1418 = arith.addf %convert_element_type3A_127, %add3A_1417 : vector<256x256xbf16>
      %max3A_1419 = vector.broadcast %scan3A : bf16 to vector<256x256xbf16>
      %max3A_1420 = arith.maximumf %add3A_1418, %max3A_1419 : vector<256x256xbf16>
      %slice3A_1421 = vector.extract_strided_slice %get3A_1410 {offsets = [2, 0], sizes = [1, 256], strides = [1, 1]} : vector<16x256xbf16> to vector<1x256xbf16>
      %add3A_1422 = vector.broadcast %slice3A_1421 : vector<1x256xbf16> to vector<256x256xbf16>
      %add3A_1423 = arith.addf %convert_element_type3A_127, %add3A_1422 : vector<256x256xbf16>
      %max3A_1424 = vector.broadcast %scan3A : bf16 to vector<256x256xbf16>
      %max3A_1425 = arith.maximumf %add3A_1423, %max3A_1424 : vector<256x256xbf16>
      %slice3A_1426 = vector.extract_strided_slice %get3A_1410 {offsets = [3, 0], sizes = [1, 256], strides = [1, 1]} : vector<16x256xbf16> to vector<1x256xbf16>
      %add3A_1427 = vector.broadcast %slice3A_1426 : vector<1x256xbf16> to vector<256x256xbf16>
      %add3A_1428 = arith.addf %convert_element_type3A_127, %add3A_1427 : vector<256x256xbf16>
      %max3A_1429 = vector.broadcast %scan3A : bf16 to vector<256x256xbf16>
      %max3A_1430 = arith.maximumf %add3A_1428, %max3A_1429 : vector<256x256xbf16>
      %slice3A_1431 = vector.extract_strided_slice %get3A_1410 {offsets = [4, 0], sizes = [1, 256], strides = [1, 1]} : vector<16x256xbf16> to vector<1x256xbf16>
      %add3A_1432 = vector.broadcast %slice3A_1431 : vector<1x256xbf16> to vector<256x256xbf16>
      %add3A_1433 = arith.addf %convert_element_type3A_127, %add3A_1432 : vector<256x256xbf16>
      %max3A_1434 = vector.broadcast %scan3A : bf16 to vector<256x256xbf16>
      %max3A_1435 = arith.maximumf %add3A_1433, %max3A_1434 : vector<256x256xbf16>
      %slice3A_1436 = vector.extract_strided_slice %get3A_1410 {offsets = [5, 0], sizes = [1, 256], strides = [1, 1]} : vector<16x256xbf16> to vector<1x256xbf16>
      %add3A_1437 = vector.broadcast %slice3A_1436 : vector<1x256xbf16> to vector<256x256xbf16>
      %add3A_1438 = arith.addf %convert_element_type3A_127, %add3A_1437 : vector<256x256xbf16>
      %max3A_1439 = vector.broadcast %scan3A : bf16 to vector<256x256xbf16>
      %max3A_1440 = arith.maximumf %add3A_1438, %max3A_1439 : vector<256x256xbf16>
      %slice3A_1441 = vector.extract_strided_slice %get3A_1410 {offsets = [6, 0], sizes = [1, 256], strides = [1, 1]} : vector<16x256xbf16> to vector<1x256xbf16>
      %add3A_1442 = vector.broadcast %slice3A_1441 : vector<1x256xbf16> to vector<256x256xbf16>
      %add3A_1443 = arith.addf %convert_element_type3A_127, %add3A_1442 : vector<256x256xbf16>
      %max3A_1444 = vector.broadcast %scan3A : bf16 to vector<256x256xbf16>
      %max3A_1445 = arith.maximumf %add3A_1443, %max3A_1444 : vector<256x256xbf16>
      %slice3A_1446 = vector.extract_strided_slice %get3A_1410 {offsets = [7, 0], sizes = [1, 256], strides = [1, 1]} : vector<16x256xbf16> to vector<1x256xbf16>
      %add3A_1447 = vector.broadcast %slice3A_1446 : vector<1x256xbf16> to vector<256x256xbf16>
      %add3A_1448 = arith.addf %convert_element_type3A_127, %add3A_1447 : vector<256x256xbf16>
      %max3A_1449 = vector.broadcast %scan3A : bf16 to vector<256x256xbf16>
      %max3A_1450 = arith.maximumf %add3A_1448, %max3A_1449 : vector<256x256xbf16>
      %slice3A_1451 = vector.extract_strided_slice %get3A_1410 {offsets = [8, 0], sizes = [1, 256], strides = [1, 1]} : vector<16x256xbf16> to vector<1x256xbf16>
      %add3A_1452 = vector.broadcast %slice3A_1451 : vector<1x256xbf16> to vector<256x256xbf16>
      %add3A_1453 = arith.addf %convert_element_type3A_127, %add3A_1452 : vector<256x256xbf16>
      %max3A_1454 = vector.broadcast %scan3A : bf16 to vector<256x256xbf16>
      %max3A_1455 = arith.maximumf %add3A_1453, %max3A_1454 : vector<256x256xbf16>
      %slice3A_1456 = vector.extract_strided_slice %get3A_1410 {offsets = [9, 0], sizes = [1, 256], strides = [1, 1]} : vector<16x256xbf16> to vector<1x256xbf16>
      %add3A_1457 = vector.broadcast %slice3A_1456 : vector<1x256xbf16> to vector<256x256xbf16>
      %add3A_1458 = arith.addf %convert_element_type3A_127, %add3A_1457 : vector<256x256xbf16>
      %max3A_1459 = vector.broadcast %scan3A : bf16 to vector<256x256xbf16>
      %max3A_1460 = arith.maximumf %add3A_1458, %max3A_1459 : vector<256x256xbf16>
      %slice3A_1461 = vector.extract_strided_slice %get3A_1410 {offsets = [10, 0], sizes = [1, 256], strides = [1, 1]} : vector<16x256xbf16> to vector<1x256xbf16>
      %add3A_1462 = vector.broadcast %slice3A_1461 : vector<1x256xbf16> to vector<256x256xbf16>
      %add3A_1463 = arith.addf %convert_element_type3A_127, %add3A_1462 : vector<256x256xbf16>
      %max3A_1464 = vector.broadcast %scan3A : bf16 to vector<256x256xbf16>
      %max3A_1465 = arith.maximumf %add3A_1463, %max3A_1464 : vector<256x256xbf16>
      %slice3A_1466 = vector.extract_strided_slice %get3A_1410 {offsets = [11, 0], sizes = [1, 256], strides = [1, 1]} : vector<16x256xbf16> to vector<1x256xbf16>
      %add3A_1467 = vector.broadcast %slice3A_1466 : vector<1x256xbf16> to vector<256x256xbf16>
      %add3A_1468 = arith.addf %convert_element_type3A_127, %add3A_1467 : vector<256x256xbf16>
      %max3A_1469 = vector.broadcast %scan3A : bf16 to vector<256x256xbf16>
      %max3A_1470 = arith.maximumf %add3A_1468, %max3A_1469 : vector<256x256xbf16>
      %slice3A_1471 = vector.extract_strided_slice %get3A_1410 {offsets = [12, 0], sizes = [1, 256], strides = [1, 1]} : vector<16x256xbf16> to vector<1x256xbf16>
      %add3A_1472 = vector.broadcast %slice3A_1471 : vector<1x256xbf16> to vector<256x256xbf16>
      %add3A_1473 = arith.addf %convert_element_type3A_127, %add3A_1472 : vector<256x256xbf16>
      %max3A_1474 = vector.broadcast %scan3A : bf16 to vector<256x256xbf16>
      %max3A_1475 = arith.maximumf %add3A_1473, %max3A_1474 : vector<256x256xbf16>
      %slice3A_1476 = vector.extract_strided_slice %get3A_1410 {offsets = [13, 0], sizes = [1, 256], strides = [1, 1]} : vector<16x256xbf16> to vector<1x256xbf16>
      %add3A_1477 = vector.broadcast %slice3A_1476 : vector<1x256xbf16> to vector<256x256xbf16>
      %add3A_1478 = arith.addf %convert_element_type3A_127, %add3A_1477 : vector<256x256xbf16>
      %max3A_1479 = vector.broadcast %scan3A : bf16 to vector<256x256xbf16>
      %max3A_1480 = arith.maximumf %add3A_1478, %max3A_1479 : vector<256x256xbf16>
      %slice3A_1481 = vector.extract_strided_slice %get3A_1410 {offsets = [14, 0], sizes = [1, 256], strides = [1, 1]} : vector<16x256xbf16> to vector<1x256xbf16>
      %add3A_1482 = vector.broadcast %slice3A_1481 : vector<1x256xbf16> to vector<256x256xbf16>
      %add3A_1483 = arith.addf %convert_element_type3A_127, %add3A_1482 : vector<256x256xbf16>
      %max3A_1484 = vector.broadcast %scan3A : bf16 to vector<256x256xbf16>
      %max3A_1485 = arith.maximumf %add3A_1483, %max3A_1484 : vector<256x256xbf16>
      %slice3A_1486 = vector.extract_strided_slice %get3A_1410 {offsets = [15, 0], sizes = [1, 256], strides = [1, 1]} : vector<16x256xbf16> to vector<1x256xbf16>
      %add3A_1487 = vector.broadcast %slice3A_1486 : vector<1x256xbf16> to vector<256x256xbf16>
      %add3A_1488 = arith.addf %convert_element_type3A_127, %add3A_1487 : vector<256x256xbf16>
      %max3A_1489 = vector.broadcast %scan3A : bf16 to vector<256x256xbf16>
      %max3A_1490 = arith.maximumf %add3A_1488, %max3A_1489 : vector<256x256xbf16>
      %mul3A_1491 = arith.constant 256 : i32
      %mul3A_1492 = arith.muli %scan3A_148, %mul3A_1491 : i32
      %add3A_1493 = arith.constant 224 : i32
      %add3A_1494 = arith.addi %mul3A_1492, %add3A_1493 : i32
      %add3A_1495 = arith.constant 16 : i32
      %add3A_1496 = arith.addi %add3A_1494, %add3A_1495 : i32
      %get3A_1497 = arith.index_cast %add3A_1496 : i32 to index
      %get3A_1498 = arith.constant 0 : index
      %get3A_1499 = vector.load %arg17[%get3A_1497, %get3A_1498] : memref<1024x256xbf16, #tpu.memory_space<vmem>>, vector<16x256xbf16>
      %slice3A_1500 = vector.extract_strided_slice %get3A_1499 {offsets = [0, 0], sizes = [1, 256], strides = [1, 1]} : vector<16x256xbf16> to vector<1x256xbf16>
      %add3A_1501 = vector.broadcast %slice3A_1500 : vector<1x256xbf16> to vector<256x256xbf16>
      %add3A_1502 = arith.addf %convert_element_type3A_127, %add3A_1501 : vector<256x256xbf16>
      %max3A_1503 = vector.broadcast %scan3A : bf16 to vector<256x256xbf16>
      %max3A_1504 = arith.maximumf %add3A_1502, %max3A_1503 : vector<256x256xbf16>
      %slice3A_1505 = vector.extract_strided_slice %get3A_1499 {offsets = [1, 0], sizes = [1, 256], strides = [1, 1]} : vector<16x256xbf16> to vector<1x256xbf16>
      %add3A_1506 = vector.broadcast %slice3A_1505 : vector<1x256xbf16> to vector<256x256xbf16>
      %add3A_1507 = arith.addf %convert_element_type3A_127, %add3A_1506 : vector<256x256xbf16>
      %max3A_1508 = vector.broadcast %scan3A : bf16 to vector<256x256xbf16>
      %max3A_1509 = arith.maximumf %add3A_1507, %max3A_1508 : vector<256x256xbf16>
      %slice3A_1510 = vector.extract_strided_slice %get3A_1499 {offsets = [2, 0], sizes = [1, 256], strides = [1, 1]} : vector<16x256xbf16> to vector<1x256xbf16>
      %add3A_1511 = vector.broadcast %slice3A_1510 : vector<1x256xbf16> to vector<256x256xbf16>
      %add3A_1512 = arith.addf %convert_element_type3A_127, %add3A_1511 : vector<256x256xbf16>
      %max3A_1513 = vector.broadcast %scan3A : bf16 to vector<256x256xbf16>
      %max3A_1514 = arith.maximumf %add3A_1512, %max3A_1513 : vector<256x256xbf16>
      %slice3A_1515 = vector.extract_strided_slice %get3A_1499 {offsets = [3, 0], sizes = [1, 256], strides = [1, 1]} : vector<16x256xbf16> to vector<1x256xbf16>
      %add3A_1516 = vector.broadcast %slice3A_1515 : vector<1x256xbf16> to vector<256x256xbf16>
      %add3A_1517 = arith.addf %convert_element_type3A_127, %add3A_1516 : vector<256x256xbf16>
      %max3A_1518 = vector.broadcast %scan3A : bf16 to vector<256x256xbf16>
      %max3A_1519 = arith.maximumf %add3A_1517, %max3A_1518 : vector<256x256xbf16>
      %slice3A_1520 = vector.extract_strided_slice %get3A_1499 {offsets = [4, 0], sizes = [1, 256], strides = [1, 1]} : vector<16x256xbf16> to vector<1x256xbf16>
      %add3A_1521 = vector.broadcast %slice3A_1520 : vector<1x256xbf16> to vector<256x256xbf16>
      %add3A_1522 = arith.addf %convert_element_type3A_127, %add3A_1521 : vector<256x256xbf16>
      %max3A_1523 = vector.broadcast %scan3A : bf16 to vector<256x256xbf16>
      %max3A_1524 = arith.maximumf %add3A_1522, %max3A_1523 : vector<256x256xbf16>
      %slice3A_1525 = vector.extract_strided_slice %get3A_1499 {offsets = [5, 0], sizes = [1, 256], strides = [1, 1]} : vector<16x256xbf16> to vector<1x256xbf16>
      %add3A_1526 = vector.broadcast %slice3A_1525 : vector<1x256xbf16> to vector<256x256xbf16>
      %add3A_1527 = arith.addf %convert_element_type3A_127, %add3A_1526 : vector<256x256xbf16>
      %max3A_1528 = vector.broadcast %scan3A : bf16 to vector<256x256xbf16>
      %max3A_1529 = arith.maximumf %add3A_1527, %max3A_1528 : vector<256x256xbf16>
      %slice3A_1530 = vector.extract_strided_slice %get3A_1499 {offsets = [6, 0], sizes = [1, 256], strides = [1, 1]} : vector<16x256xbf16> to vector<1x256xbf16>
      %add3A_1531 = vector.broadcast %slice3A_1530 : vector<1x256xbf16> to vector<256x256xbf16>
      %add3A_1532 = arith.addf %convert_element_type3A_127, %add3A_1531 : vector<256x256xbf16>
      %max3A_1533 = vector.broadcast %scan3A : bf16 to vector<256x256xbf16>
      %max3A_1534 = arith.maximumf %add3A_1532, %max3A_1533 : vector<256x256xbf16>
      %slice3A_1535 = vector.extract_strided_slice %get3A_1499 {offsets = [7, 0], sizes = [1, 256], strides = [1, 1]} : vector<16x256xbf16> to vector<1x256xbf16>
      %add3A_1536 = vector.broadcast %slice3A_1535 : vector<1x256xbf16> to vector<256x256xbf16>
      %add3A_1537 = arith.addf %convert_element_type3A_127, %add3A_1536 : vector<256x256xbf16>
      %max3A_1538 = vector.broadcast %scan3A : bf16 to vector<256x256xbf16>
      %max3A_1539 = arith.maximumf %add3A_1537, %max3A_1538 : vector<256x256xbf16>
      %slice3A_1540 = vector.extract_strided_slice %get3A_1499 {offsets = [8, 0], sizes = [1, 256], strides = [1, 1]} : vector<16x256xbf16> to vector<1x256xbf16>
      %add3A_1541 = vector.broadcast %slice3A_1540 : vector<1x256xbf16> to vector<256x256xbf16>
      %add3A_1542 = arith.addf %convert_element_type3A_127, %add3A_1541 : vector<256x256xbf16>
      %max3A_1543 = vector.broadcast %scan3A : bf16 to vector<256x256xbf16>
      %max3A_1544 = arith.maximumf %add3A_1542, %max3A_1543 : vector<256x256xbf16>
      %slice3A_1545 = vector.extract_strided_slice %get3A_1499 {offsets = [9, 0], sizes = [1, 256], strides = [1, 1]} : vector<16x256xbf16> to vector<1x256xbf16>
      %add3A_1546 = vector.broadcast %slice3A_1545 : vector<1x256xbf16> to vector<256x256xbf16>
      %add3A_1547 = arith.addf %convert_element_type3A_127, %add3A_1546 : vector<256x256xbf16>
      %max3A_1548 = vector.broadcast %scan3A : bf16 to vector<256x256xbf16>
      %max3A_1549 = arith.maximumf %add3A_1547, %max3A_1548 : vector<256x256xbf16>
      %slice3A_1550 = vector.extract_strided_slice %get3A_1499 {offsets = [10, 0], sizes = [1, 256], strides = [1, 1]} : vector<16x256xbf16> to vector<1x256xbf16>
      %add3A_1551 = vector.broadcast %slice3A_1550 : vector<1x256xbf16> to vector<256x256xbf16>
      %add3A_1552 = arith.addf %convert_element_type3A_127, %add3A_1551 : vector<256x256xbf16>
      %max3A_1553 = vector.broadcast %scan3A : bf16 to vector<256x256xbf16>
      %max3A_1554 = arith.maximumf %add3A_1552, %max3A_1553 : vector<256x256xbf16>
      %slice3A_1555 = vector.extract_strided_slice %get3A_1499 {offsets = [11, 0], sizes = [1, 256], strides = [1, 1]} : vector<16x256xbf16> to vector<1x256xbf16>
      %add3A_1556 = vector.broadcast %slice3A_1555 : vector<1x256xbf16> to vector<256x256xbf16>
      %add3A_1557 = arith.addf %convert_element_type3A_127, %add3A_1556 : vector<256x256xbf16>
      %max3A_1558 = vector.broadcast %scan3A : bf16 to vector<256x256xbf16>
      %max3A_1559 = arith.maximumf %add3A_1557, %max3A_1558 : vector<256x256xbf16>
      %slice3A_1560 = vector.extract_strided_slice %get3A_1499 {offsets = [12, 0], sizes = [1, 256], strides = [1, 1]} : vector<16x256xbf16> to vector<1x256xbf16>
      %add3A_1561 = vector.broadcast %slice3A_1560 : vector<1x256xbf16> to vector<256x256xbf16>
      %add3A_1562 = arith.addf %convert_element_type3A_127, %add3A_1561 : vector<256x256xbf16>
      %max3A_1563 = vector.broadcast %scan3A : bf16 to vector<256x256xbf16>
      %max3A_1564 = arith.maximumf %add3A_1562, %max3A_1563 : vector<256x256xbf16>
      %slice3A_1565 = vector.extract_strided_slice %get3A_1499 {offsets = [13, 0], sizes = [1, 256], strides = [1, 1]} : vector<16x256xbf16> to vector<1x256xbf16>
      %add3A_1566 = vector.broadcast %slice3A_1565 : vector<1x256xbf16> to vector<256x256xbf16>
      %add3A_1567 = arith.addf %convert_element_type3A_127, %add3A_1566 : vector<256x256xbf16>
      %max3A_1568 = vector.broadcast %scan3A : bf16 to vector<256x256xbf16>
      %max3A_1569 = arith.maximumf %add3A_1567, %max3A_1568 : vector<256x256xbf16>
      %slice3A_1570 = vector.extract_strided_slice %get3A_1499 {offsets = [14, 0], sizes = [1, 256], strides = [1, 1]} : vector<16x256xbf16> to vector<1x256xbf16>
      %add3A_1571 = vector.broadcast %slice3A_1570 : vector<1x256xbf16> to vector<256x256xbf16>
      %add3A_1572 = arith.addf %convert_element_type3A_127, %add3A_1571 : vector<256x256xbf16>
      %max3A_1573 = vector.broadcast %scan3A : bf16 to vector<256x256xbf16>
      %max3A_1574 = arith.maximumf %add3A_1572, %max3A_1573 : vector<256x256xbf16>
      %slice3A_1575 = vector.extract_strided_slice %get3A_1499 {offsets = [15, 0], sizes = [1, 256], strides = [1, 1]} : vector<16x256xbf16> to vector<1x256xbf16>
      %add3A_1576 = vector.broadcast %slice3A_1575 : vector<1x256xbf16> to vector<256x256xbf16>
      %add3A_1577 = arith.addf %convert_element_type3A_127, %add3A_1576 : vector<256x256xbf16>
      %max3A_1578 = vector.broadcast %scan3A : bf16 to vector<256x256xbf16>
      %max3A_1579 = arith.maximumf %add3A_1577, %max3A_1578 : vector<256x256xbf16>
      %concatenate3A_1580 = tpu.concatenate %max3A_1415, %max3A_1420, %max3A_1425, %max3A_1430, %max3A_1435, %max3A_1440, %max3A_1445, %max3A_1450, %max3A_1455, %max3A_1460, %max3A_1465, %max3A_1470, %max3A_1475, %max3A_1480, %max3A_1485, %max3A_1490, %max3A_1504, %max3A_1509, %max3A_1514, %max3A_1519, %max3A_1524, %max3A_1529, %max3A_1534, %max3A_1539, %max3A_1544, %max3A_1549, %max3A_1554, %max3A_1559, %max3A_1564, %max3A_1569, %max3A_1574, %max3A_1579 in 1 : vector<256x256xbf16>, vector<256x256xbf16>, vector<256x256xbf16>, vector<256x256xbf16>, vector<256x256xbf16>, vector<256x256xbf16>, vector<256x256xbf16>, vector<256x256xbf16>, vector<256x256xbf16>, vector<256x256xbf16>, vector<256x256xbf16>, vector<256x256xbf16>, vector<256x256xbf16>, vector<256x256xbf16>, vector<256x256xbf16>, vector<256x256xbf16>, vector<256x256xbf16>, vector<256x256xbf16>, vector<256x256xbf16>, vector<256x256xbf16>, vector<256x256xbf16>, vector<256x256xbf16>, vector<256x256xbf16>, vector<256x256xbf16>, vector<256x256xbf16>, vector<256x256xbf16>, vector<256x256xbf16>, vector<256x256xbf16>, vector<256x256xbf16>, vector<256x256xbf16>, vector<256x256xbf16>, vector<256x256xbf16> -> vector<256x8192xbf16>
      %concatenate3A_1581 = tpu.concatenate %concatenate3A_327, %concatenate3A_506, %concatenate3A_685, %concatenate3A_864, %concatenate3A_1043, %concatenate3A_1222, %concatenate3A_1401, %concatenate3A_1580 in 0 : vector<256x8192xbf16>, vector<256x8192xbf16>, vector<256x8192xbf16>, vector<256x8192xbf16>, vector<256x8192xbf16>, vector<256x8192xbf16>, vector<256x8192xbf16>, vector<256x8192xbf16> -> vector<2048x8192xbf16>
      %dot_general3A_1582 = arith.constant dense<0.000000e+00> : vector<2048x32xf32>
      %dot_general3A_1583 = tpu.matmul %concatenate3A_1581, %get3A_138, %dot_general3A_1582 {dimension_numbers = #tpu.dot_dimension_numbers<[1], [0], [0], [1], [0, 0, 1, 1], [], []>, transpose_lhs_hint = false} : vector<2048x8192xbf16>, vector<8192x32xbf16>, vector<2048x32xf32> -> vector<2048x32xf32>
      %slice3A_1584 = vector.extract_strided_slice %dot_general3A_1583 {offsets = [0, 0], sizes = [256, 32], strides = [1, 1]} : vector<2048x32xf32> to vector<256x32xf32>
      %slice3A_1585 = vector.extract_strided_slice %dot_general3A_1583 {offsets = [256, 0], sizes = [256, 32], strides = [1, 1]} : vector<2048x32xf32> to vector<256x32xf32>
      %slice3A_1586 = vector.extract_strided_slice %dot_general3A_1583 {offsets = [512, 0], sizes = [256, 32], strides = [1, 1]} : vector<2048x32xf32> to vector<256x32xf32>
      %slice3A_1587 = vector.extract_strided_slice %dot_general3A_1583 {offsets = [768, 0], sizes = [256, 32], strides = [1, 1]} : vector<2048x32xf32> to vector<256x32xf32>
      %slice3A_1588 = vector.extract_strided_slice %dot_general3A_1583 {offsets = [1024, 0], sizes = [256, 32], strides = [1, 1]} : vector<2048x32xf32> to vector<256x32xf32>
      %slice3A_1589 = vector.extract_strided_slice %dot_general3A_1583 {offsets = [1280, 0], sizes = [256, 32], strides = [1, 1]} : vector<2048x32xf32> to vector<256x32xf32>
      %slice3A_1590 = vector.extract_strided_slice %dot_general3A_1583 {offsets = [1536, 0], sizes = [256, 32], strides = [1, 1]} : vector<2048x32xf32> to vector<256x32xf32>
      %slice3A_1591 = vector.extract_strided_slice %dot_general3A_1583 {offsets = [1792, 0], sizes = [256, 32], strides = [1, 1]} : vector<2048x32xf32> to vector<256x32xf32>
      %concatenate3A_1592 = tpu.concatenate %slice3A_1584, %slice3A_1585, %slice3A_1586, %slice3A_1587, %slice3A_1588, %slice3A_1589, %slice3A_1590, %slice3A_1591 in 1 : vector<256x32xf32>, vector<256x32xf32>, vector<256x32xf32>, vector<256x32xf32>, vector<256x32xf32>, vector<256x32xf32>, vector<256x32xf32>, vector<256x32xf32> -> vector<256x256xf32>
      %add3A_1593 = vector.broadcast %get3A_142 : f32 to vector<256x256xf32>
      %add3A_1594 = arith.addf %concatenate3A_1592, %add3A_1593 : vector<256x256xf32>
      %logistic3A = arith.negf %add3A_1594 : vector<256x256xf32>
      %logistic3A_1595 = math.exp %logistic3A : vector<256x256xf32>
      %logistic3A_1596 = arith.constant 1.000000e+00 : f32
      %logistic3A_1597 = vector.broadcast %logistic3A_1596 : f32 to vector<256x256xf32>
      %logistic3A_1598 = arith.addf %logistic3A_1597, %logistic3A_1595 : vector<256x256xf32>
      %logistic3A_1599 = arith.divf %logistic3A_1597, %logistic3A_1598 : vector<256x256xf32>
      %mul3A_1600 = arith.constant 256 : i32
      %mul3A_1601 = arith.muli %scan3A_148, %mul3A_1600 : i32
      %swap3A_1602 = arith.constant 0 : index
      %swap3A_1603 = arith.index_cast %mul3A_1601 : i32 to index
      %swap3A_1604 = vector.load %arg16[%swap3A_1602, %swap3A_1603] : memref<256x1024xf32, #tpu.memory_space<vmem>>, vector<256x256xf32>
      tpu.vector_store %arg16[%swap3A_1602, %swap3A_1603], %logistic3A_1599 {strides = array<i32>} : memref<256x1024xf32, #tpu.memory_space<vmem>>, vector<256x256xf32>,
    }
    %scan3A_147 = arith.constant 4 : i32
    return
  }
}

</mosaic_0001>

<sc_bundles>
// kernel: kernel.4.cloned.1.call-start
scs
__scs_entry_jumppad:
0x0: {  	(pc) =	sbr.rel $0x88, $3  }
0x1: {  	(tag) =	ssettag $0x0;
	lr =	simm.s32 $0x1  }
0x2: {  	[smem:$0x3F8E] =	sst lr;
	_ =	strace $0xD0000000  }
0x3: {  	_ = 	snop  }
0x4: {  	_ = 	snop  }
0x5: {  	_ = 	snop  }
0x6: {  	_ = 	snop  }
0x7: {  	_ = 	snop  }
__scs_overlays_trampoline_lowered:
0x8: {  	[smem:$0x3F9D] =	sst s0  }
0x9: {  	[smem:$0x3F9E] =	sst s1  }
0xa: {  	[smem:$0x3F9F] =	sst s2  }
0xb: {  	[smem:$0x3FA0] =	sst s3  }
0xc: {  	[smem:$0x3FA1] =	sst s4  }
0xd: {  	[smem:$0x3FA2] =	sst s5  }
0xe: {  	[smem:$0x3FA3] =	sst s6  }
0xf: {  	[smem:$0x3FA4] =	sst s7  }
0x10: {  	[smem:$0x3FA5] =	sst s8  }
0x11: {  	[smem:$0x3FA6] =	sst s9;
	s0 =	simm.s32 @!p0 $0x0  }
0x12: {  	s1 =	sld [smem:$0x3F8C];
	s0 =	simm.s32 @p0 $0x1  }
0x13: {  	[smem:$0x3FA7] =	sst s0;
	s0 =	simm.s32 @!p1 $0x0  }
0x14: {  	s2 =	sld [smem:$0x3F8B];
	s0 =	simm.s32 @p1 $0x1  }
0x15: {  	[smem:$0x3FA8] =	sst s0;
	s0 =	simm.s32 @!p2 $0x0  }
0x16: {  	s3 =	sld [smem:$0x3FDB];
	s0 =	simm.s32 @p2 $0x1  }
0x17: {  	s4 =	simm.s32 $0x1BF5;
	[smem:$0x3FAA] =	sst s0  }
0x18: {  	s0 =	sld [smem:$0x3F8D];
	_ =	swait.ge [sflag:s4], $0x0  }
0x19: {  	s7 =	sld [smem:$0x3F8E]  }
0x1a: {  	s8 =	sadd.s32 $0xFFFFE003, lr  }
0x1b: {  	s9 =	sadd.s32 $0xFFFFFEF7, lr;
	s5 =	simm.s32 $0xFFFFFFFF;
	p2 =	slt.u32 s8, $0xFFFFF086  }
0x1c: {  	p1 =	slt.u32 s9, $0xF7A;
	s5 =	simm.s32 @!p2 $0x0  }
0x1d: {  	s5 =	simm.s32 @p1 $0x1;
	p0 =	seq.s32 s7, s2  }
0x1e: {  	s7 =	smul.u32 @!p0 $0xF7A, s2;
	p2 =	seq.s32 @!p0 s5, $0x0  }
0x1f: {  	s9 =	smul.u32 $0xF7A, s1;
	s8 =	simm.s32 @!p0 $0x1BF5;
	p2 =	por !p2, p0  }
0x20: {  	[sflag:s8] =	ssyncset.s32 @!p0 $0xFFFFF086;
	s6 =	sadd.s32 @!p0 s3, s7;
	s7 =	simm.s32 @!p0 $0x108  }
0x21: {  	s3 =	sadd.s32 s3, s9;
	s6 =	sadd.s32 @!p0 $0x88, s6;
	s7 =	simm.s32 @p2 $0x1082  }
0x22: {  	[simem:s7], [sflag:s8] =	dma.local @!p0 [hbm:s6], $0xF7A  }
0x23: {  	s9 =	sor.u32 $0xD0000000, s2;
	s6 =	simm.s32 $0x108;
	_ =	swait.ge @!p0 [sflag:s8], $0x0  }
0x24: {  	s3 =	sadd.s32 $0x88, s3;
	s6 =	simm.s32 @!p1 $0x1082;
	[sflag:s4] =	ssyncset.s32 $0xFFFFF086  }
0x25: {  	[simem:s6], [sflag:s4] =	dma.local [hbm:s3], $0xF7A  }
0x26: {  	[smem:$0x3F8E] =	sst s1;
	(tag) =	ssettag s2;
	_ =	strace s9  }
0x27: {  	s1 =	sld [smem:$0x3F9E]  }
0x28: {  	s2 =	sld [smem:$0x3F9F]  }
0x29: {  	s4 =	sld [smem:$0x3FA1]  }
0x2a: {  	p0 =	seq.s32 s5, $0x0;
	s5 =	sld [smem:$0x3FA2]  }
0x2b: {  	s6 =	sld [smem:$0x3FA3]  }
0x2c: {  	s7 =	sld [smem:$0x3FA4]  }
0x2d: {  	s3 =	simm.s32 $0x108;
	s8 =	sld [smem:$0x3FA5]  }
0x2e: {  	s3 =	simm.s32 @!p0 $0x1082;
	s9 =	sld [smem:$0x3FA6]  }
0x2f: {  	lr =	sadd.s32 s0, s3;
	s0 =	sld [smem:$0x3F9D]  }
0x30: {  	s3 =	sld [smem:$0x3FA0]  }
0x31: {  	[smem:$0x3FA9] =	sst s10  }
0x32: {  	s10 =	sld [smem:$0x3FA7];
	_ =	sdelay $0x3  }
0x33: {  	p0 =	seq.s32 s10, $0x1;
	s10 =	sld [smem:$0x3FA9];
	_ =	sdelay $0x3  }
0x34: {  	[smem:$0x3FA9] =	sst s10  }
0x35: {  	s10 =	sld [smem:$0x3FA8];
	_ =	sdelay $0x3  }
0x36: {  	p1 =	seq.s32 s10, $0x1;
	s10 =	sld [smem:$0x3FA9];
	_ =	sdelay $0x3  }
0x37: {  	[smem:$0x3FA9] =	sst s10  }
0x38: {  	s10 =	sld [smem:$0x3FAA]  }
0x39: {  	_ = 	snop;
	(pc) =	sbr.ind lr, $3  }
0x3a: {  	_ = 	snop  }
0x3b: {  	_ = 	snop  }
0x3c: {  	p2 =	seq.s32 s10, $0x1;
	s10 =	sld [smem:$0x3FA9]  }
0x3d: {  	_ =	shalt  }
0x3e: {  	_ =	shalt  }
0x3f: {  	_ =	shalt  }
0x40: {  	_ =	shalt  }
0x41: {  	_ =	shalt  }
0x42: {  	_ =	shalt  }
0x43: {  	_ =	shalt  }
0x44: {  	_ =	shalt  }
0x45: {  	_ =	shalt  }
0x46: {  	_ =	shalt  }
0x47: {  	_ =	shalt  }
0x48: {  	_ =	shalt  }
0x49: {  	_ =	shalt  }
0x4a: {  	_ =	shalt  }
0x4b: {  	_ =	shalt  }
0x4c: {  	_ =	shalt  }
0x4d: {  	_ =	shalt  }
0x4e: {  	_ =	shalt  }
0x4f: {  	_ =	shalt  }
0x50: {  	_ =	shalt  }
0x51: {  	_ =	shalt  }
0x52: {  	_ =	shalt  }
0x53: {  	_ =	shalt  }
0x54: {  	_ =	shalt  }
0x55: {  	_ =	shalt  }
0x56: {  	_ =	shalt  }
0x57: {  	_ =	shalt  }
0x58: {  	_ =	shalt  }
0x59: {  	_ =	shalt  }
0x5a: {  	_ =	shalt  }
0x5b: {  	_ =	shalt  }
0x5c: {  	_ =	shalt  }
0x5d: {  	_ =	shalt  }
0x5e: {  	_ =	shalt  }
0x5f: {  	_ =	shalt  }
0x60: {  	_ =	shalt  }
0x61: {  	_ =	shalt  }
0x62: {  	_ =	shalt  }
0x63: {  	_ =	shalt  }
0x64: {  	_ =	shalt  }
0x65: {  	_ =	shalt  }
0x66: {  	_ =	shalt  }
0x67: {  	_ =	shalt  }
0x68: {  	_ =	shalt  }
0x69: {  	_ =	shalt  }
0x6a: {  	_ =	shalt  }
0x6b: {  	_ =	shalt  }
0x6c: {  	_ =	shalt  }
0x6d: {  	_ =	shalt  }
0x6e: {  	_ =	shalt  }
0x6f: {  	_ =	shalt  }
0x70: {  	_ =	shalt  }
0x71: {  	_ =	shalt  }
0x72: {  	_ =	shalt  }
0x73: {  	_ =	shalt  }
0x74: {  	_ =	shalt  }
0x75: {  	_ =	shalt  }
0x76: {  	_ =	shalt  }
0x77: {  	_ =	shalt  }
0x78: {  	_ =	shalt  }
0x79: {  	_ =	shalt  }
0x7a: {  	_ =	shalt  }
0x7b: {  	_ =	shalt  }
0x7c: {  	_ =	shalt  }
0x7d: {  	_ =	shalt  }
0x7e: {  	_ =	shalt  }
0x7f: {  	_ =	shalt  }
0x80: {  	_ =	shalt  }
0x81: {  	_ =	shalt  }
0x82: {  	_ =	shalt  }
0x83: {  	_ =	shalt  }
0x84: {  	_ =	shalt  }
0x85: {  	_ =	shalt  }
0x86: {  	_ =	shalt  }
0x87: {  	_ =	shalt  }
.Lfunc_end0:
.L_simem_size_0:
called_computation_lowered:
.L_overlay_start_0:
0x88: {  	s2 =	sld [smem:$0x3FD9]  }
0x89: {  	s3 =	sld [smem:$0x3FFE];
	_ =	sdelay $0x1  }
0x8a: {  	s1 =	srdreg.scid  }
0x8b: {  	s0 =	sand.u32 $0x1, s1  }
0x8c: {  	s17 =	sshll.u32 s0, $0xA;
	s2 =	sadd.s32 s3, s2  }
0x8d: {  	s2 =	sadd.s32 s2, s17  }
0x8e: {  	[smem:$0x3FB5] =	sst s2  }
0x8f: {  	_ = 	snop  }
0x90: {  	s2 =	sld [smem:$0x3FC9]  }
0x91: {  	s18 =	sld [smem:$0x3FC8]  }
0x92: {  	s4 =	sld [smem:$0x3FC6]  }
0x93: {  	s5 =	sld [smem:$0x3FC5]  }
0x94: {  	s6 =	sld [smem:$0x3FD0];
	(tm) =	ssettm $0x1  }
0x95: {  	s7 =	sld [smem:$0x3FFB];
	_ =	sdelay $0x3  }
0x96: {  	_ =	strace s7  }
0x97: {  	s7 =	sld [smem:$0x3FFC];
	_ =	sdelay $0x3  }
0x98: {  	_ =	strace s7  }
0x99: {  	s7 =	sld [smem:$0x3FFD];
	_ =	sdelay $0x3  }
0x9a: {  	_ =	strace s7  }
0x9b: {  	_ =	strace $0x8FFFFFFF  }
0x9c: {  	s19 =	sld [smem:$0x3FDB];
	_ =	sdelay $0x1  }
0x9d: {  	s8 =	simm.s32 $_scs_section_size  }
0x9e: {  	s9 =	simm.s32 $_size__tile_overlayer_lowered;
	s10 =	simm.s32 $_tile_overlayer_lowered  }
0x9f: {  	s22 =	simm.s32 $0x1BFF;
	s21 =	sshll.u32 s10, $0x1;
	s7 =	sadd.s32 s8, s19  }
0xa0: {  	s11 =	simm.s32 $0x0;
	s20 =	sshll.u32 s9, $0x1;
	s9 =	sadd.s32 s21, s7  }
0xa1: {  	[timem:s11], [sflag:s22] =	dma.local [hbm:s9], s20  }
0xa2: {  	_ =	swait.ge [sflag:s22], s20  }
0xa3: {  	s8 =	ssub.s32 $0x0, s20;
	[sflag:s22] =	ssyncset.done $0x0  }
0xa4: {  	[sflag:s22] =	ssyncadd.s32 s8;
	_ =	sdelay $0x1  }
0xa5: {  	s23 =	simm.s32 $0x1B8B  }
0xa6: {  	_ =	swait.ge [sflag:s23], $0x1  }
0xa7: {  	[sflag:s23] =	ssyncset.done $0x0  }
0xa8: {  	s25 =	simm.s32 $0x1B8E;
	s24 =	sld [smem:$0x3FFE];
	[sflag:s23] =	ssyncadd.s32 $0xFFFFFFFF  }
0xa9: {  	s26 =	simm.s32 $execute0_lowered;
	[smem:$0x3FD2] =	sst s25  }
0xaa: {  	s9 =	sshll.u32 s26, $0x1;
	_ =	strace $0x80000046;
	[dreg:$0x1] =	wrdreg $0xFFFFFFFF  }
0xab: {  	s28 =	simm.s32 $_size_execute0_lowered;
	s7 =	sadd.s32 s7, s9;
	[dreg:$0x0] =	wrdreg $0x0  }
0xac: {  	s9 =	sshll.u32 s28, $0x1;
	[dreg:$0x2] =	wrdreg s7  }
0xad: {  	[dreg:$0x3] =	wrdreg s9  }
0xae: {  	[dreg:$0x4] =	wrdreg $0xC0  }
0xaf: {  	_ =	task [dreg:s11], $0x5FFFF  }
0xb0: {  	[dreg:$0x1] =	wrdreg $0xFFFFFFFF  }
0xb1: {  	[dreg:$0x0] =	wrdreg $0x60  }
0xb2: {  	[dreg:$0x2] =	wrdreg s2  }
0xb3: {  	[dreg:$0x3] =	wrdreg s18  }
0xb4: {  	[dreg:$0x4] =	wrdreg s24  }
0xb5: {  	[dreg:$0x5] =	wrdreg s4  }
0xb6: {  	[dreg:$0x6] =	wrdreg s5  }
0xb7: {  	[dreg:$0x7] =	wrdreg s6  }
0xb8: {  	[dreg:$0x8] =	wrdreg $0x5C000  }
0xb9: {  	[dreg:$0x9] =	wrdreg $0x9  }
0xba: {  	_ =	task.clear_ibuf [dreg:s11], $0xAFFFF;
	_ =	strace $0x90000046  }
0xbb: {  	s29 =	simm.s32 $0x9;
	_ =	strace $0x80000048  }
0xbc: {  	_ =	swait.ge [sflag:s29], $0x1  }
0xbd: {  	[sflag:s29] =	ssyncadd.s32 $0xFFFFFFFF  }
0xbe: {  	_ =	strace $0x90000048  }
0xbf: {  	_ =	sfence  }
0xc0: {  	s30 =	sld [smem:$0x0];
	_ =	sdelay $0x2  }
0xc1: {  	s31 =	sshll.u32 s1, $0xD;
	s1 =	sshrl.u32 s1, $0x2  }
0xc2: {  	s3 =	sand.u32 $0x4000, s31;
	s1 =	sadd.s32 s1, s30  }
0xc3: {  	s0 =	sor.u32 s3, s0;
	s1 =	sshll.u32 s1, $0x11  }
0xc4: {  	s0 =	sor.u32 s1, s0  }
0xc5: {  	s0 =	sadd.s32 $0x8F2B, s0  }
0xc6: {  	[sflag:s0] =	ssyncadd.remote.s32 $0x1  }
0xc7: {  	_ =	sfence.sel $0xFFFF  }
0xc8: {  	[dreg:$0x0] =	wrdreg $0xFFFFFFFF;
	(pc) =	sbr.abs _section_cstart, $3  }
0xc9: {  	[dreg:$0x1] =	wrdreg $0xFFFFFFFF  }
0xca: {  	_ =	task.clear_ibuf [dreg:s11], $0x2FFFF;
	_ =	strace $0x9FFFFFFF  }
0xcb: {  	(tm) =	ssettm $0x7FFFFFFF  }
tec
execute0_lowered:
.L_overlay_start_1:
0x0: {  	(tag) =	ssettag $0x1  }
0x1: {  	s1 =	rddreg [dreg:$0x0]  }
0x2: {  	s2 =	rddreg [dreg:$0x1]  }
0x3: {  	s3 =	rddreg [dreg:$0x2]  }
0x4: {  	s9 =	rddreg [dreg:$0x5]  }
0x5: {  	s0 =	stileid.u32;
	s5 =	srdreg.scid  }
0x6: {  	s4 =	rddreg [dreg:$0x6];
	s18 =	simm.s32 $0x2A00;
	s19 =	simm.s32 $0x2  }
0x7: {  	s20 =	simm.s32 $0x8;
	s21 =	simm.s32 $0x80;
	s28 =	simm.s32 $0x1F00  }
0x8: {  	s29 =	simm.s32 $0x2900;
	s30 =	simm.s32 $0x2980;
	s6 =	smul.u32 $0xC800, s0  }
0x9: {  	s13 =	sand.u32 $0x1, s5;
	s5 =	simm.s32 $0x0;
	s8 =	smul.u32 $0x140, s0  }
0xa: {  	s10 =	sshll.u32 s0, $0x1;
	s31 =	sshll.u32 s0, $0x4;
	s7 =	smul.u32 $0xC8000, s13  }
0xb: {  	[smem:$0x7FF] =	sst s5;
	s22 =	ssub.s32 $0x2, s13;
	s10 =	sor.u32 s13, s10  }
0xc: {  	_ =	strace $0x80000047;
	s12 =	sadd.s32 s8, s3;
	s23 =	sshrl.u32 s22, $0x1  }
0xd: {  	s24 =	sshll.u32 s10, $0x7;
	s11 =	sshll.u32 s10, $0x9;
	s25 =	sshll.u32 s10, $0x2  }
0xe: {  	s7 =	sadd.s32 s6, s7;
	s14 =	ssub.s32 s22, s23;
	s6 =	sadd.s32 s6, s4  }
0xf: {  	s8 =	sadd.s32 s9, s24;
	s26 =	sadd.s32 s11, s9;
	s9 =	sadd.s32 s2, s25  }
0x10: {  	s11 =	sadd.s32 $0x3800, s12;
	s12 =	sadd.s32 $0x2400, s12;
	s2 =	sor.u32 $0xC8000, s31  }
0x11: {  	s22 =	simm.s32 $0x1;
	s23 =	simm.s32 $0x480;
	s24 =	simm.s32 $0x20  }
0x12: {  	s25 =	simm.s32 $0x500;
	s7 =	sshrl.u32 s7, $0x3;
	s14 =	smax.u32 s14, $0x1  }
0x13: {  	s3 =	sadd.s32 s7, s3;
	s7 =	sadd.s32 s1, s10;
	s1 =	smul.u32 $0xFFFFFD80, s13  }
0x14: {  	v0 =	vlaneseq.u32;
	v2 =	vimm.f32 $1.000000000e+00;
	s15 =	sadd.s32 $0x3200, s6;
	s16 =	sadd.s32 $0x6400, s6;
	s17 =	sadd.s32 $0x9600, s6  }
0x15: {  	v3 =	vimm.f32 $0.0e+00;
	v0 =	vor.u32 s2, v0;
	s10 =	sadd.s32 $0x1000, s26;
	s26 =	simm.s32 $0x1500;
	s13 =	sadd.s32 $0x4C00, s3;
	v1 =	vmov s1  }
.LBB2_1:
0x16: {  	[tilespmem:$0x2980] =	vst v2  }
0x17: {  	[tilespmem:$0x2990] =	vst v2  }
0x18: {  	[tilespmem:$0x29A0] =	vst v2  }
0x19: {  	[tilespmem:$0x29B0] =	vst v2  }
0x1a: {  	[tilespmem:$0x29C0] =	vst v2  }
0x1b: {  	[tilespmem:$0x29D0] =	vst v2  }
0x1c: {  	[tilespmem:$0x29E0] =	vst v2  }
0x1d: {  	[tilespmem:$0x29F0] =	vst v2;
	s1 =	simm.s32 $0x40;
	s2 =	simm.s32 $0x0  }
.LBB2_2:
0x1e: {  	p0 =	sne.s32 s1, $0xC7C0;
	[tilespmem:s2+$0x2A00] =	vst v3;
	s2 =	smov.u32 s1;
	s1 =	sadd.s32 $0x40, s1  }
.Ltmp0:
0x1f: {  	(pc) =	sbr.rel @p0 .LBB2_2-.Ltmp0, $2  }
0x20: {  	_ =	sdelay $0x2  }
0x21: {  	s2 =	sshra.s32 s2, $0x2  }
0x22: {  	[tilespmem:s2+$0x2A00] =	vst v3  }
0x23: {  	[spmem:s6] =	stream.linear.scatter [tilespmem:s18], [sflag:$0x2], $0x3200, $0x38;
	[tilespmem:$0x12410] =	vst v63  }
0x24: {  	_ =	swait.ge [sflag:s19], $0x3200  }
0x25: {  	[sflag:s19] =	ssyncset.done $0x0  }
0x26: {  	[sflag:s19] =	ssyncadd.s32 $0xFFFFCE00  }
0x27: {  	[spmem:s15] =	stream.linear.scatter [tilespmem:s18], [sflag:$0x2], $0x3200, $0x38;
	[tilespmem:$0x12410] =	vst v63  }
0x28: {  	_ =	swait.ge [sflag:s19], $0x3200  }
0x29: {  	[sflag:s19] =	ssyncset.done $0x0  }
0x2a: {  	[sflag:s19] =	ssyncadd.s32 $0xFFFFCE00  }
0x2b: {  	[spmem:s16] =	stream.linear.scatter [tilespmem:s18], [sflag:$0x2], $0x3200, $0x38;
	[tilespmem:$0x12410] =	vst v63  }
0x2c: {  	_ =	swait.ge [sflag:s19], $0x3200  }
0x2d: {  	[sflag:s19] =	ssyncset.done $0x0  }
0x2e: {  	[sflag:s19] =	ssyncadd.s32 $0xFFFFCE00  }
0x2f: {  	[spmem:s17] =	stream.linear.scatter [tilespmem:s18], [sflag:$0x2], $0x3200, $0x38;
	[tilespmem:$0x12410] =	vst v63  }
0x30: {  	_ =	swait.ge [sflag:s19], $0x3200  }
0x31: {  	[sflag:s19] =	ssyncset.done $0x0  }
0x32: {  	s1 =	simm.s32 $0x0;
	[sflag:s19] =	ssyncadd.s32 $0xFFFFCE00  }
0x33: {  	[tilespmem:s1], [sflag:$0x2] =	stream.linear.gather [hbm4b:s7+s1], $0x8, $0x38;
	[tilespmem:$0x12410] =	vst v63  }
0x34: {  	_ =	swait.ge [sflag:s19], $0x8  }
0x35: {  	[sflag:s19] =	ssyncset.done $0x0  }
0x36: {  	[sflag:s19] =	ssyncadd.s32 $0xFFFFFFF8  }
0x37: {  	s3 =	rddreg [dreg:$0x3]  }
0x38: {  	[tilespmem:s21], [sflag:$0x1] =	stream.indirect.gather [hbm4b:s3+s20], $0x80, s1, s20, $0xb8;
	[tilespmem:$0x12410] =	vst v63  }
0x39: {  	_ =	swait.ge [sflag:s22], $0x400  }
0x3a: {  	[sflag:s22] =	ssyncset.done $0x0  }
0x3b: {  	[sflag:s22] =	ssyncadd.s32 $0xFFFFFC00  }
0x3c: {  	[hbm4b:s8+s1] =	stream.linear.scatter [tilespmem:s21], [sflag:$0x2], $0x400, $0x38;
	[tilespmem:$0x12410] =	vst v63  }
0x3d: {  	_ =	swait.ge [sflag:s19], $0x400  }
0x3e: {  	[sflag:s19] =	ssyncset.done $0x0  }
0x3f: {  	[sflag:s19] =	ssyncadd.s32 $0xFFFFFC00  }
0x40: {  	[tilespmem:s23], [sflag:$0x2] =	stream.linear.gather [hbm4b:s9+s1], $0x20, $0x38;
	[tilespmem:$0x12410] =	vst v63  }
0x41: {  	_ =	swait.ge [sflag:s19], $0x20  }
0x42: {  	[sflag:s19] =	ssyncset.done $0x0  }
0x43: {  	[sflag:s19] =	ssyncadd.s32 $0xFFFFFFE0  }
0x44: {  	s3 =	rddreg [dreg:$0x4]  }
0x45: {  	[tilespmem:s25], [sflag:$0x1] =	stream.indirect.gather [hbm4b:s3+s24], $0x80, s23, s24, $0xb8;
	[tilespmem:$0x12410] =	vst v63  }
0x46: {  	_ =	swait.ge [sflag:s22], $0x1000  }
0x47: {  	[sflag:s22] =	ssyncset.done $0x0  }
0x48: {  	[sflag:s22] =	ssyncadd.s32 $0xFFFFF000  }
0x49: {  	[hbm4b:s10+s1] =	stream.linear.scatter [tilespmem:s25], [sflag:$0x2], $0x1000, $0x38;
	[tilespmem:$0x12410] =	vst v63  }
0x4a: {  	_ =	swait.ge [sflag:s19], $0x1000  }
0x4b: {  	[sflag:s19] =	ssyncset.done $0x0  }
0x4c: {  	[sflag:s19] =	ssyncadd.s32 $0xFFFFF000  }
0x4d: {  	[tilespmem:s26], [sflag:$0x2] =	stream.linear.gather [hbm4b:s11+s1], $0xA00, $0x38;
	[tilespmem:$0x12410] =	vst v63  }
0x4e: {  	_ =	swait.ge [sflag:s19], $0xA00  }
0x4f: {  	[sflag:s19] =	ssyncset.done $0x0  }
0x50: {  	[sflag:s19] =	ssyncadd.s32 $0xFFFFF600  }
0x51: {  	[tilespmem:s28], [sflag:$0x2] =	stream.linear.gather [hbm4b:s12+s1], $0xA00, $0x38;
	[tilespmem:$0x12410] =	vst v63  }
0x52: {  	_ =	swait.ge [sflag:s19], $0xA00  }
0x53: {  	[sflag:s19] =	ssyncset.done $0x0  }
0x54: {  	[sflag:s19] =	ssyncadd.s32 $0xFFFFF600  }
0x55: {  	s3 =	simm.s32 $0x0;
	[bflag:$0x0] =	sbarrier.arrive $0xFFFF  }
0x56: {  	v4 =	vld [tilespmem:s3+$0x1F00];
	_ =	sdelay $0x2  }
0x57: {  	v5 =	vld [tilespmem:s3+$0x1500];
	_ =	sdelay $0x1  }
0x58: {  	v6 =	vadd.s32 v1, v4  }
0x59: {  	v7 =	vshrl.u32 v6, $0x3  }
0x5a: {  	v7 =	vmul.u32 $0xA, v7  }
0x5b: {  	v8 =	vshrl.u32 v5, $0x7  }
0x5c: {  	v4 =	vshll.u32 v4, $0x7;
	v7 =	vadd.s32 v8, v7  }
0x5d: {  	v4 =	vand.u32 $0x380, v4;
	v7 =	vshll.u32 v7, $0xA  }
0x5e: {  	v5 =	vand.u32 $0x7F, v5;
	v4 =	vor.u32 v4, v7  }
0x5f: {  	vm0 =	vlt.u32 v6, $0x280;
	v4 =	vor.u32 v5, v4  }
0x60: {  	v4 =	vsel vm0, v4, v0  }
0x61: {  	[tilespmem:$0x2900] =	vst v4  }
0x62: {  	v4 =	vld [tilespmem:s3+$0x1F10];
	_ =	sdelay $0x2  }
0x63: {  	v5 =	vld [tilespmem:s3+$0x1510];
	_ =	sdelay $0x1  }
0x64: {  	v43 =	vadd.s32 v1, v4  }
0x65: {  	v44 =	vshrl.u32 v43, $0x3  }
0x66: {  	v7 =	vmul.u32 $0xA, v44  }
0x67: {  	v45 =	vshrl.u32 v5, $0x7  }
0x68: {  	v4 =	vshll.u32 v4, $0x7;
	v7 =	vadd.s32 v45, v7  }
0x69: {  	v4 =	vand.u32 $0x380, v4;
	v7 =	vshll.u32 v7, $0xA  }
0x6a: {  	v5 =	vand.u32 $0x7F, v5;
	v4 =	vor.u32 v4, v7  }
0x6b: {  	vm9 =	vlt.u32 v43, $0x280;
	v4 =	vor.u32 v5, v4  }
0x6c: {  	v4 =	vsel vm9, v4, v0  }
0x6d: {  	[tilespmem:$0x2910] =	vst v4  }
0x6e: {  	v4 =	vld [tilespmem:s3+$0x1F20];
	_ =	sdelay $0x2  }
0x6f: {  	v5 =	vld [tilespmem:s3+$0x1520];
	_ =	sdelay $0x1  }
0x70: {  	v46 =	vadd.s32 v1, v4  }
0x71: {  	v47 =	vshrl.u32 v46, $0x3  }
0x72: {  	v7 =	vmul.u32 $0xA, v47  }
0x73: {  	v48 =	vshrl.u32 v5, $0x7  }
0x74: {  	v4 =	vshll.u32 v4, $0x7;
	v7 =	vadd.s32 v48, v7  }
0x75: {  	v4 =	vand.u32 $0x380, v4;
	v7 =	vshll.u32 v7, $0xA  }
0x76: {  	v5 =	vand.u32 $0x7F, v5;
	v4 =	vor.u32 v4, v7  }
0x77: {  	vm10 =	vlt.u32 v46, $0x280;
	v4 =	vor.u32 v5, v4  }
0x78: {  	v4 =	vsel vm10, v4, v0  }
0x79: {  	[tilespmem:$0x2920] =	vst v4  }
0x7a: {  	v4 =	vld [tilespmem:s3+$0x1F30];
	_ =	sdelay $0x2  }
0x7b: {  	v5 =	vld [tilespmem:s3+$0x1530];
	_ =	sdelay $0x1  }
0x7c: {  	v49 =	vadd.s32 v1, v4  }
0x7d: {  	v50 =	vshrl.u32 v49, $0x3  }
0x7e: {  	v7 =	vmul.u32 $0xA, v50  }
0x7f: {  	v51 =	vshrl.u32 v5, $0x7  }
0x80: {  	v4 =	vshll.u32 v4, $0x7;
	v7 =	vadd.s32 v51, v7  }
0x81: {  	v4 =	vand.u32 $0x380, v4;
	v7 =	vshll.u32 v7, $0xA  }
0x82: {  	v5 =	vand.u32 $0x7F, v5;
	v4 =	vor.u32 v4, v7  }
0x83: {  	vm11 =	vlt.u32 v49, $0x280;
	v4 =	vor.u32 v5, v4  }
0x84: {  	v4 =	vsel vm11, v4, v0  }
0x85: {  	[tilespmem:$0x2930] =	vst v4  }
0x86: {  	v4 =	vld [tilespmem:s3+$0x1F40];
	_ =	sdelay $0x2  }
0x87: {  	v5 =	vld [tilespmem:s3+$0x1540];
	_ =	sdelay $0x1  }
0x88: {  	v52 =	vadd.s32 v1, v4  }
0x89: {  	v53 =	vshrl.u32 v52, $0x3  }
0x8a: {  	v7 =	vmul.u32 $0xA, v53  }
0x8b: {  	v54 =	vshrl.u32 v5, $0x7  }
0x8c: {  	v4 =	vshll.u32 v4, $0x7;
	v7 =	vadd.s32 v54, v7  }
0x8d: {  	v4 =	vand.u32 $0x380, v4;
	v7 =	vshll.u32 v7, $0xA  }
0x8e: {  	v5 =	vand.u32 $0x7F, v5;
	v4 =	vor.u32 v4, v7  }
0x8f: {  	vm12 =	vlt.u32 v52, $0x280;
	v4 =	vor.u32 v5, v4  }
0x90: {  	v4 =	vsel vm12, v4, v0  }
0x91: {  	[tilespmem:$0x2940] =	vst v4  }
0x92: {  	v4 =	vld [tilespmem:s3+$0x1F50];
	_ =	sdelay $0x2  }
0x93: {  	v5 =	vld [tilespmem:s3+$0x1550];
	_ =	sdelay $0x1  }
0x94: {  	v55 =	vadd.s32 v1, v4  }
0x95: {  	v56 =	vshrl.u32 v55, $0x3  }
0x96: {  	v7 =	vmul.u32 $0xA, v56  }
0x97: {  	v57 =	vshrl.u32 v5, $0x7  }
0x98: {  	v4 =	vshll.u32 v4, $0x7;
	v7 =	vadd.s32 v57, v7  }
0x99: {  	v4 =	vand.u32 $0x380, v4;
	v7 =	vshll.u32 v7, $0xA  }
0x9a: {  	v5 =	vand.u32 $0x7F, v5;
	v4 =	vor.u32 v4, v7  }
0x9b: {  	vm13 =	vlt.u32 v55, $0x280;
	v4 =	vor.u32 v5, v4  }
0x9c: {  	v4 =	vsel vm13, v4, v0  }
0x9d: {  	[tilespmem:$0x2950] =	vst v4  }
0x9e: {  	v4 =	vld [tilespmem:s3+$0x1F60];
	_ =	sdelay $0x2  }
0x9f: {  	v5 =	vld [tilespmem:s3+$0x1560];
	_ =	sdelay $0x1  }
0xa0: {  	v58 =	vadd.s32 v1, v4  }
0xa1: {  	v59 =	vshrl.u32 v58, $0x3  }
0xa2: {  	v7 =	vmul.u32 $0xA, v59  }
0xa3: {  	v60 =	vshrl.u32 v5, $0x7  }
0xa4: {  	v4 =	vshll.u32 v4, $0x7;
	v7 =	vadd.s32 v60, v7  }
0xa5: {  	v4 =	vand.u32 $0x380, v4;
	v7 =	vshll.u32 v7, $0xA  }
0xa6: {  	v5 =	vand.u32 $0x7F, v5;
	v4 =	vor.u32 v4, v7  }
0xa7: {  	vm14 =	vlt.u32 v58, $0x280;
	v4 =	vor.u32 v5, v4  }
0xa8: {  	v4 =	vsel vm14, v4, v0  }
0xa9: {  	[tilespmem:$0x2960] =	vst v4  }
0xaa: {  	v4 =	vld [tilespmem:s3+$0x1F70];
	_ =	sdelay $0x2  }
0xab: {  	v5 =	vld [tilespmem:s3+$0x1570];
	_ =	sdelay $0x1  }
0xac: {  	v61 =	vadd.s32 v1, v4  }
0xad: {  	v62 =	vshrl.u32 v61, $0x3  }
0xae: {  	v7 =	vmul.u32 $0xA, v62  }
0xaf: {  	v63 =	vshrl.u32 v5, $0x7  }
0xb0: {  	v4 =	vshll.u32 v4, $0x7;
	v7 =	vadd.s32 v63, v7  }
0xb1: {  	v4 =	vand.u32 $0x380, v4;
	v7 =	vshll.u32 v7, $0xA  }
0xb2: {  	v5 =	vand.u32 $0x7F, v5;
	v4 =	vor.u32 v4, v7  }
0xb3: {  	vm15 =	vlt.u32 v61, $0x280;
	v4 =	vor.u32 v5, v4  }
0xb4: {  	v4 =	vsel vm15, v4, v0  }
0xb5: {  	[tilespmem:$0x2970] =	vst v4  }
0xb6: {  	[spmem:s4] =	stream.indirect.scatter.add.f32 [tilespmem:s30], [sflag:$0x2], $0x1, s29, s21, $0xb8;
	[tilespmem:$0x12410] =	vst v63  }
0xb7: {  	_ =	swait.ge [sflag:s19], $0x80  }
0xb8: {  	s31 =	simm.s32 $0x200;
	s3 =	simm.s32 $0x400;
	[sflag:s19] =	ssyncset.done $0x0  }
.LBB2_4:
0xb9: {  	s1 =	sshra.s32 s31, $0x2  }
0xba: {  	[sflag:s19] =	ssyncadd.s32 $0xFFFFFF80;
	s31 =	smov.u32 s3;
	s2 =	sadd.s32 $0x200, s3  }
0xbb: {  	p0 =	sne.s32 s3, $0x2600;
	v4 =	vld [tilespmem:s1+$0x1F00];
	_ =	sdelay $0x2  }
0xbc: {  	v5 =	vld [tilespmem:s1+$0x1500];
	_ =	sdelay $0x1  }
0xbd: {  	v6 =	vadd.s32 v1, v4;
	v4 =	vshll.u32 v4, $0x7  }
0xbe: {  	v7 =	vshrl.u32 v6, $0x3  }
0xbf: {  	v7 =	vmul.u32 $0xA, v7  }
0xc0: {  	v8 =	vshrl.u32 v5, $0x7  }
0xc1: {  	v7 =	vadd.s32 v8, v7  }
0xc2: {  	v4 =	vand.u32 $0x380, v4;
	v7 =	vshll.u32 v7, $0xA  }
0xc3: {  	v5 =	vand.u32 $0x7F, v5;
	v4 =	vor.u32 v4, v7  }
0xc4: {  	vm0 =	vlt.u32 v6, $0x280;
	v4 =	vor.u32 v5, v4  }
0xc5: {  	v4 =	vsel vm0, v4, v0  }
0xc6: {  	[tilespmem:$0x2900] =	vst v4  }
0xc7: {  	v4 =	vld [tilespmem:s1+$0x1F10];
	_ =	sdelay $0x2  }
0xc8: {  	v5 =	vld [tilespmem:s1+$0x1510];
	_ =	sdelay $0x1  }
0xc9: {  	v6 =	vadd.s32 v1, v4;
	v4 =	vshll.u32 v4, $0x7  }
0xca: {  	v7 =	vshrl.u32 v6, $0x3  }
0xcb: {  	v7 =	vmul.u32 $0xA, v7  }
0xcc: {  	v8 =	vshrl.u32 v5, $0x7  }
0xcd: {  	v7 =	vadd.s32 v8, v7  }
0xce: {  	v4 =	vand.u32 $0x380, v4;
	v7 =	vshll.u32 v7, $0xA  }
0xcf: {  	v5 =	vand.u32 $0x7F, v5;
	v4 =	vor.u32 v4, v7  }
0xd0: {  	vm0 =	vlt.u32 v6, $0x280;
	v4 =	vor.u32 v5, v4  }
0xd1: {  	v4 =	vsel vm0, v4, v0  }
0xd2: {  	[tilespmem:$0x2910] =	vst v4  }
0xd3: {  	v4 =	vld [tilespmem:s1+$0x1F20];
	_ =	sdelay $0x2  }
0xd4: {  	v5 =	vld [tilespmem:s1+$0x1520];
	_ =	sdelay $0x1  }
0xd5: {  	v6 =	vadd.s32 v1, v4;
	v4 =	vshll.u32 v4, $0x7  }
0xd6: {  	v7 =	vshrl.u32 v6, $0x3  }
0xd7: {  	v7 =	vmul.u32 $0xA, v7  }
0xd8: {  	v8 =	vshrl.u32 v5, $0x7  }
0xd9: {  	v7 =	vadd.s32 v8, v7  }
0xda: {  	v4 =	vand.u32 $0x380, v4;
	v7 =	vshll.u32 v7, $0xA  }
0xdb: {  	v5 =	vand.u32 $0x7F, v5;
	v4 =	vor.u32 v4, v7  }
0xdc: {  	vm0 =	vlt.u32 v6, $0x280;
	v4 =	vor.u32 v5, v4  }
0xdd: {  	v4 =	vsel vm0, v4, v0  }
0xde: {  	[tilespmem:$0x2920] =	vst v4  }
0xdf: {  	v4 =	vld [tilespmem:s1+$0x1F30];
	_ =	sdelay $0x2  }
0xe0: {  	v5 =	vld [tilespmem:s1+$0x1530];
	_ =	sdelay $0x1  }
0xe1: {  	v6 =	vadd.s32 v1, v4;
	v4 =	vshll.u32 v4, $0x7  }
0xe2: {  	v7 =	vshrl.u32 v6, $0x3  }
0xe3: {  	v7 =	vmul.u32 $0xA, v7  }
0xe4: {  	v8 =	vshrl.u32 v5, $0x7  }
0xe5: {  	v7 =	vadd.s32 v8, v7  }
0xe6: {  	v4 =	vand.u32 $0x380, v4;
	v7 =	vshll.u32 v7, $0xA  }
0xe7: {  	v5 =	vand.u32 $0x7F, v5;
	v4 =	vor.u32 v4, v7  }
0xe8: {  	vm0 =	vlt.u32 v6, $0x280;
	v4 =	vor.u32 v5, v4  }
0xe9: {  	v4 =	vsel vm0, v4, v0  }
0xea: {  	[tilespmem:$0x2930] =	vst v4  }
0xeb: {  	v4 =	vld [tilespmem:s1+$0x1F40];
	_ =	sdelay $0x2  }
0xec: {  	v5 =	vld [tilespmem:s1+$0x1540];
	_ =	sdelay $0x1  }
0xed: {  	v6 =	vadd.s32 v1, v4;
	v4 =	vshll.u32 v4, $0x7  }
0xee: {  	v7 =	vshrl.u32 v6, $0x3  }
0xef: {  	v7 =	vmul.u32 $0xA, v7  }
0xf0: {  	v8 =	vshrl.u32 v5, $0x7  }
0xf1: {  	v7 =	vadd.s32 v8, v7  }
0xf2: {  	v4 =	vand.u32 $0x380, v4;
	v7 =	vshll.u32 v7, $0xA  }
0xf3: {  	v5 =	vand.u32 $0x7F, v5;
	v4 =	vor.u32 v4, v7  }
0xf4: {  	vm0 =	vlt.u32 v6, $0x280;
	v4 =	vor.u32 v5, v4  }
0xf5: {  	v4 =	vsel vm0, v4, v0  }
0xf6: {  	[tilespmem:$0x2940] =	vst v4  }
0xf7: {  	v4 =	vld [tilespmem:s1+$0x1F50]  }
0xf8: {  	v5 =	vld [tilespmem:s1+$0x1550];
	_ =	sdelay $0x3  }
0xf9: {  	v6 =	vadd.s32 v1, v4;
	v4 =	vshll.u32 v4, $0x7  }
0xfa: {  	v7 =	vshrl.u32 v6, $0x3  }
0xfb: {  	v7 =	vmul.u32 $0xA, v7  }
0xfc: {  	v8 =	vshrl.u32 v5, $0x7  }
0xfd: {  	v7 =	vadd.s32 v8, v7  }
0xfe: {  	v4 =	vand.u32 $0x380, v4;
	v7 =	vshll.u32 v7, $0xA  }
0xff: {  	v5 =	vand.u32 $0x7F, v5;
	v4 =	vor.u32 v4, v7  }
0x100: {  	vm0 =	vlt.u32 v6, $0x280;
	v4 =	vor.u32 v5, v4  }
0x101: {  	v4 =	vsel vm0, v4, v0  }
0x102: {  	[tilespmem:$0x2950] =	vst v4  }
0x103: {  	v4 =	vld [tilespmem:s1+$0x1F60]  }
0x104: {  	v5 =	vld [tilespmem:s1+$0x1560];
	_ =	sdelay $0x3  }
0x105: {  	v6 =	vadd.s32 v1, v4;
	v4 =	vshll.u32 v4, $0x7  }
0x106: {  	v7 =	vshrl.u32 v6, $0x3  }
0x107: {  	v7 =	vmul.u32 $0xA, v7  }
0x108: {  	v8 =	vshrl.u32 v5, $0x7  }
0x109: {  	v7 =	vadd.s32 v8, v7  }
0x10a: {  	v4 =	vand.u32 $0x380, v4;
	v7 =	vshll.u32 v7, $0xA  }
0x10b: {  	v5 =	vand.u32 $0x7F, v5;
	v4 =	vor.u32 v4, v7  }
0x10c: {  	vm0 =	vlt.u32 v6, $0x280;
	v4 =	vor.u32 v5, v4  }
0x10d: {  	v4 =	vsel vm0, v4, v0  }
0x10e: {  	[tilespmem:$0x2960] =	vst v4  }
0x10f: {  	v4 =	vld [tilespmem:s1+$0x1F70]  }
0x110: {  	v5 =	vld [tilespmem:s1+$0x1570];
	_ =	sdelay $0x3  }
0x111: {  	v6 =	vadd.s32 v1, v4;
	v4 =	vshll.u32 v4, $0x7  }
0x112: {  	v7 =	vshrl.u32 v6, $0x3  }
0x113: {  	v7 =	vmul.u32 $0xA, v7  }
0x114: {  	v8 =	vshrl.u32 v5, $0x7  }
0x115: {  	v7 =	vadd.s32 v8, v7  }
0x116: {  	v4 =	vand.u32 $0x380, v4;
	v7 =	vshll.u32 v7, $0xA  }
0x117: {  	v5 =	vand.u32 $0x7F, v5;
	v4 =	vor.u32 v4, v7  }
0x118: {  	vm0 =	vlt.u32 v6, $0x280;
	v4 =	vor.u32 v5, v4  }
.Ltmp1:
0x119: {  	v4 =	vsel vm0, v4, v0;
	(pc) =	sbr.rel @p0 .LBB2_4-.Ltmp1, $4  }
0x11a: {  	[tilespmem:$0x2970] =	vst v4  }
0x11b: {  	[spmem:s4] =	stream.indirect.scatter.add.f32 [tilespmem:s30], [sflag:$0x2], $0x1, s29, s21, $0xb8;
	[tilespmem:$0x12410] =	vst v63  }
0x11c: {  	_ =	swait.ge [sflag:s19], $0x80  }
0x11d: {  	s3 =	smov.u32 s2;
	[sflag:s19] =	ssyncset.done $0x0  }
0x11e: {  	s1 =	sshra.s32 s31, $0x2;
	[sflag:s19] =	ssyncadd.s32 $0xFFFFFF80  }
0x11f: {  	v4 =	vld [tilespmem:s1+$0x1F00];
	_ =	sdelay $0x2  }
0x120: {  	v5 =	vld [tilespmem:s1+$0x1500];
	_ =	sdelay $0x1  }
0x121: {  	v6 =	vadd.s32 v1, v4  }
0x122: {  	v7 =	vshrl.u32 v6, $0x3  }
0x123: {  	v7 =	vmul.u32 $0xA, v7  }
0x124: {  	v8 =	vshrl.u32 v5, $0x7  }
0x125: {  	v4 =	vshll.u32 v4, $0x7;
	v7 =	vadd.s32 v8, v7  }
0x126: {  	v4 =	vand.u32 $0x380, v4;
	v7 =	vshll.u32 v7, $0xA  }
0x127: {  	v5 =	vand.u32 $0x7F, v5;
	v4 =	vor.u32 v4, v7  }
0x128: {  	vm0 =	vlt.u32 v6, $0x280;
	v4 =	vor.u32 v5, v4  }
0x129: {  	v4 =	vsel vm0, v4, v0  }
0x12a: {  	[tilespmem:$0x2900] =	vst v4  }
0x12b: {  	v4 =	vld [tilespmem:s1+$0x1F10];
	_ =	sdelay $0x2  }
0x12c: {  	v5 =	vld [tilespmem:s1+$0x1510];
	_ =	sdelay $0x1  }
0x12d: {  	v43 =	vadd.s32 v1, v4  }
0x12e: {  	v44 =	vshrl.u32 v43, $0x3  }
0x12f: {  	v7 =	vmul.u32 $0xA, v44  }
0x130: {  	v45 =	vshrl.u32 v5, $0x7  }
0x131: {  	v4 =	vshll.u32 v4, $0x7;
	v7 =	vadd.s32 v45, v7  }
0x132: {  	v4 =	vand.u32 $0x380, v4;
	v7 =	vshll.u32 v7, $0xA  }
0x133: {  	v5 =	vand.u32 $0x7F, v5;
	v4 =	vor.u32 v4, v7  }
0x134: {  	vm9 =	vlt.u32 v43, $0x280;
	v4 =	vor.u32 v5, v4  }
0x135: {  	v4 =	vsel vm9, v4, v0  }
0x136: {  	[tilespmem:$0x2910] =	vst v4  }
0x137: {  	v4 =	vld [tilespmem:s1+$0x1F20];
	_ =	sdelay $0x2  }
0x138: {  	v5 =	vld [tilespmem:s1+$0x1520];
	_ =	sdelay $0x1  }
0x139: {  	v46 =	vadd.s32 v1, v4  }
0x13a: {  	v47 =	vshrl.u32 v46, $0x3  }
0x13b: {  	v7 =	vmul.u32 $0xA, v47  }
0x13c: {  	v48 =	vshrl.u32 v5, $0x7  }
0x13d: {  	v4 =	vshll.u32 v4, $0x7;
	v7 =	vadd.s32 v48, v7  }
0x13e: {  	v4 =	vand.u32 $0x380, v4;
	v7 =	vshll.u32 v7, $0xA  }
0x13f: {  	v5 =	vand.u32 $0x7F, v5;
	v4 =	vor.u32 v4, v7  }
0x140: {  	vm10 =	vlt.u32 v46, $0x280;
	v4 =	vor.u32 v5, v4  }
0x141: {  	v4 =	vsel vm10, v4, v0  }
0x142: {  	[tilespmem:$0x2920] =	vst v4  }
0x143: {  	v4 =	vld [tilespmem:s1+$0x1F30];
	_ =	sdelay $0x2  }
0x144: {  	v5 =	vld [tilespmem:s1+$0x1530];
	_ =	sdelay $0x1  }
0x145: {  	v49 =	vadd.s32 v1, v4  }
0x146: {  	v50 =	vshrl.u32 v49, $0x3  }
0x147: {  	v7 =	vmul.u32 $0xA, v50  }
0x148: {  	v51 =	vshrl.u32 v5, $0x7  }
0x149: {  	v4 =	vshll.u32 v4, $0x7;
	v7 =	vadd.s32 v51, v7  }
0x14a: {  	v4 =	vand.u32 $0x380, v4;
	v7 =	vshll.u32 v7, $0xA  }
0x14b: {  	v5 =	vand.u32 $0x7F, v5;
	v4 =	vor.u32 v4, v7  }
0x14c: {  	vm11 =	vlt.u32 v49, $0x280;
	v4 =	vor.u32 v5, v4  }
0x14d: {  	v4 =	vsel vm11, v4, v0  }
0x14e: {  	[tilespmem:$0x2930] =	vst v4  }
0x14f: {  	v4 =	vld [tilespmem:s1+$0x1F40];
	_ =	sdelay $0x2  }
0x150: {  	v5 =	vld [tilespmem:s1+$0x1540];
	_ =	sdelay $0x1  }
0x151: {  	v52 =	vadd.s32 v1, v4  }
0x152: {  	v53 =	vshrl.u32 v52, $0x3  }
0x153: {  	v7 =	vmul.u32 $0xA, v53  }
0x154: {  	v54 =	vshrl.u32 v5, $0x7  }
0x155: {  	v4 =	vshll.u32 v4, $0x7;
	v7 =	vadd.s32 v54, v7  }
0x156: {  	v4 =	vand.u32 $0x380, v4;
	v7 =	vshll.u32 v7, $0xA  }
0x157: {  	v5 =	vand.u32 $0x7F, v5;
	v4 =	vor.u32 v4, v7  }
0x158: {  	vm12 =	vlt.u32 v52, $0x280;
	v4 =	vor.u32 v5, v4  }
0x159: {  	v4 =	vsel vm12, v4, v0  }
0x15a: {  	[tilespmem:$0x2940] =	vst v4  }
0x15b: {  	v4 =	vld [tilespmem:s1+$0x1F50];
	_ =	sdelay $0x2  }
0x15c: {  	v5 =	vld [tilespmem:s1+$0x1550];
	_ =	sdelay $0x1  }
0x15d: {  	v55 =	vadd.s32 v1, v4  }
0x15e: {  	v56 =	vshrl.u32 v55, $0x3  }
0x15f: {  	v7 =	vmul.u32 $0xA, v56  }
0x160: {  	v57 =	vshrl.u32 v5, $0x7  }
0x161: {  	v4 =	vshll.u32 v4, $0x7;
	v7 =	vadd.s32 v57, v7  }
0x162: {  	v4 =	vand.u32 $0x380, v4;
	v7 =	vshll.u32 v7, $0xA  }
0x163: {  	v5 =	vand.u32 $0x7F, v5;
	v4 =	vor.u32 v4, v7  }
0x164: {  	vm13 =	vlt.u32 v55, $0x280;
	v4 =	vor.u32 v5, v4  }
0x165: {  	v4 =	vsel vm13, v4, v0  }
0x166: {  	[tilespmem:$0x2950] =	vst v4  }
0x167: {  	v4 =	vld [tilespmem:s1+$0x1F60];
	_ =	sdelay $0x2  }
0x168: {  	v5 =	vld [tilespmem:s1+$0x1560];
	_ =	sdelay $0x1  }
0x169: {  	v58 =	vadd.s32 v1, v4  }
0x16a: {  	v59 =	vshrl.u32 v58, $0x3  }
0x16b: {  	v7 =	vmul.u32 $0xA, v59  }
0x16c: {  	v60 =	vshrl.u32 v5, $0x7  }
0x16d: {  	v4 =	vshll.u32 v4, $0x7;
	v7 =	vadd.s32 v60, v7  }
0x16e: {  	v4 =	vand.u32 $0x380, v4;
	v7 =	vshll.u32 v7, $0xA  }
0x16f: {  	v5 =	vand.u32 $0x7F, v5;
	v4 =	vor.u32 v4, v7  }
0x170: {  	vm14 =	vlt.u32 v58, $0x280;
	v4 =	vor.u32 v5, v4  }
0x171: {  	v4 =	vsel vm14, v4, v0  }
0x172: {  	[tilespmem:$0x2960] =	vst v4  }
0x173: {  	v4 =	vld [tilespmem:s1+$0x1F70];
	_ =	sdelay $0x2  }
0x174: {  	v5 =	vld [tilespmem:s1+$0x1570];
	_ =	sdelay $0x1  }
0x175: {  	v61 =	vadd.s32 v1, v4  }
0x176: {  	v62 =	vshrl.u32 v61, $0x3  }
0x177: {  	v7 =	vmul.u32 $0xA, v62  }
0x178: {  	v63 =	vshrl.u32 v5, $0x7  }
0x179: {  	v4 =	vshll.u32 v4, $0x7;
	v7 =	vadd.s32 v63, v7  }
0x17a: {  	v4 =	vand.u32 $0x380, v4;
	v7 =	vshll.u32 v7, $0xA  }
0x17b: {  	v5 =	vand.u32 $0x7F, v5;
	v4 =	vor.u32 v4, v7  }
0x17c: {  	vm15 =	vlt.u32 v61, $0x280;
	v4 =	vor.u32 v5, v4  }
0x17d: {  	v4 =	vsel vm15, v4, v0  }
0x17e: {  	[tilespmem:$0x2970] =	vst v4  }
0x17f: {  	[spmem:s4] =	stream.indirect.scatter.add.f32 [tilespmem:s30], [sflag:$0x2], $0x1, s29, s21, $0xb8;
	[tilespmem:$0x12410] =	vst v63  }
0x180: {  	_ =	swait.ge [sflag:s19], $0x80  }
0x181: {  	s31 =	sshll.u32 s0, $0x6;
	s5 =	sadd.s32 $0x1, s5;
	[sflag:s19] =	ssyncset.done $0x0  }
0x182: {  	s2 =	sshrl.u32 s6, $0x3;
	p0 =	sne.s32 s5, s14;
	[sflag:s19] =	ssyncadd.s32 $0xFFFFFF80  }
.Ltmp2:
0x183: {  	s1 =	sor.u32 $0x1C02, s31;
	[bflag:$0x0] =	sbarrier.arrive $0xFFFF;
	(pc) =	sbr.rel @p0 .LBB2_1-.Ltmp2, $4  }
0x184: {  	[hbm:s13], [sflag:s1] =	dma.local [spmem:s2], $0x1900  }
0x185: {  	_ =	swait.ge [sflag:s19], $0x1900  }
0x186: {  	[sflag:s19] =	ssyncset.done $0x0  }
0x187: {  	[sflag:s19] =	ssyncadd.s32 $0xFFFFE700  }
0x188: {  	_ =	sfence.sel $0x180000  }
0x189: {  	[bflag:$0x0] =	sbarrier.arrive $0xFFFF  }
0x18a: {  	_ =	strace $0x90000047  }
0x18b: {  	[bflag:$0x2] =	sbarrier.arrive $0xFFFF  }
0x18c: {  	p0 =	sne.s32 s0, $0x0;
	s0 =	rddreg [dreg:$0x7]  }
0x18d: {  	s0 =	sadd.s32 @!p0 $0x100000, s0  }
0x18e: {  	[sflag:s0] =	ssyncadd.tile.s32 @!p0 $0x1;
	_ =	shalt  }
.Lfunc_end2:
_tile_overlayer_lowered:
.L_overlay_start_2:
0x18f: {  	(tag) =	ssettag $0x2  }
0x190: {  	s0 =	rddreg [dreg:$0x0];
	s2 =	stileid.u32  }
0x191: {  	s1 =	rddreg [dreg:$0x1];
	p0 =	sne.s32 s2, $0x0  }
0x192: {  	s3 =	rddreg [dreg:$0x2];
	[bflag:$0x3] =	sbarrier.arrive $0xFFFF;
	s2 =	simm.s32 @!p0 $0x1C02  }
0x193: {  	[timem:s3], [sflag:s2] =	dma.local @!p0 [hbm:s0], s1  }
0x194: {  	s0 =	simm.s32 @!p0 $0x2  }
0x195: {  	_ =	swait.ge @!p0 [sflag:s0], s1  }
0x196: {  	s1 =	ssub.s32 @!p0 $0x0, s1;
	[sflag:s0] =	ssyncset.done @!p0 $0x0  }
0x197: {  	[sflag:s0] =	ssyncadd.s32 @!p0 s1  }
0x198: {  	[bflag:$0x3] =	sbarrier.arrive $0xFFFF  }
0x199: {  	_ =	shalt  }

</sc_bundles>
